<compile_context>
chip_gen: v7x
topology: tpu7x:2x2x1
jax: 0.10.2.dev20260603
libtpu: 0.0.44.dev20260713+nightly
codegen_flags: <defaults>
</compile_context>

<pallas_src>
import functools

import jax
import jax.numpy as jnp
from jax import lax
from jax.experimental import pallas as pl
from jax.experimental.pallas import tpu as pltpu
from jax.experimental.pallas import tpu_sc as plsc

N = 10000
N_PAD = 10240
F_IN = 128
F_H = 64
F_OUT = 32
NC = 2
NS = 16
NW = NC * NS
CHUNK = 125
RPT = N_PAD // NS
DEG_W = 16
BLK = 2000


def _mesh():
  return plsc.VectorSubcoreMesh(
      core_axis_name="c", subcore_axis_name="s",
      num_cores=NC, num_subcores=NS)


_SC_PARAMS = pltpu.CompilerParams(use_tc_tiling_on_sc=False)
_SC_PARAMS_NLP = pltpu.CompilerParams(
    use_tc_tiling_on_sc=False, needs_layout_passes=False)



def _deg_body(n_chunks, eidx_hbm, out_hbm, idx_v, hist_v, sum_v, rep_v,
              parts_sh):
  c = lax.axis_index("c")
  s = lax.axis_index("s")
  wid = c * NS + s
  pltpu.sync_copy(eidx_hbm.at[1, wid], idx_v)

  @pl.loop(0, N_PAD // 16)
  def _(i):
    hist_v[pl.ds(i * 16, 16)] = jnp.zeros((16,), jnp.float32)

  ones16 = jnp.ones((16,), jnp.float32)
  n_full = CHUNK // 16
  tail = CHUNK % 16

  @pl.loop(0, n_chunks)
  def _(j):
    for g in range(n_full):
      ix = idx_v[j, pl.ds(g * 16, 16)]
      plsc.addupdate_scatter(hist_v, [ix], ones16)
    if tail:
      ix = idx_v[j, pl.ds(CHUNK - 16, 16)]
      mask = lax.iota(jnp.int32, 16) >= (16 - tail)
      plsc.addupdate_scatter(hist_v, [ix], ones16, mask=mask)

  pltpu.sync_copy(hist_v, parts_sh.at[s])
  plsc.subcore_barrier()
  for k in range(NS):
    pltpu.sync_copy(parts_sh.at[k, pl.ds(s * RPT, RPT)], sum_v.at[k])

  @pl.loop(0, RPT // 16)
  def _(i):
    acc = sum_v[0, pl.ds(i * 16, 16)]
    for k in range(1, NS):
      acc = acc + sum_v[k, pl.ds(i * 16, 16)]
    rows = i * 16 + lax.iota(jnp.int32, 16)
    for k in range(DEG_W):
      plsc.store_scatter(
          rep_v, [rows, jnp.full((16,), k, jnp.int32)], acc)

  pltpu.sync_copy(rep_v, out_hbm.at[c, pl.ds(s * RPT, RPT)])


def _agg_body(n_chunks, eidx_hbm, tbl_hbm, zeros_hbm, out_hbm,
              sidx_v, didx_v, rows_v, tbl_sh, acc_sh, gsems, ssems, psems):
  c = lax.axis_index("c")
  s = lax.axis_index("s")
  wid = c * NS + s
  pltpu.async_copy(zeros_hbm.at[pl.ds(s * RPT, RPT)],
                   acc_sh.at[pl.ds(s * RPT, RPT)], psems.at[0])
  pltpu.async_copy(tbl_hbm.at[pl.ds(s * RPT, RPT)],
                   tbl_sh.at[pl.ds(s * RPT, RPT)], psems.at[1])
  pltpu.sync_copy(eidx_hbm.at[0, wid], sidx_v)
  pltpu.sync_copy(eidx_hbm.at[1, wid], didx_v)
  pltpu.make_async_copy(zeros_hbm.at[pl.ds(s * RPT, RPT)],
                        acc_sh.at[pl.ds(s * RPT, RPT)], psems.at[0]).wait()
  pltpu.make_async_copy(tbl_hbm.at[pl.ds(s * RPT, RPT)],
                        tbl_sh.at[pl.ds(s * RPT, RPT)], psems.at[1]).wait()
  plsc.subcore_barrier()

  def _gather(j, slot):
    return pltpu.make_async_copy(
        tbl_sh.at[sidx_v.at[j]], rows_v.at[slot], gsems.at[slot])

  def _scat_start(j, slot):
    pltpu.async_copy(rows_v.at[slot], acc_sh.at[didx_v.at[j]],
                     ssems.at[slot], add=True)

  def _scat_wait(j, slot):
    pltpu.make_async_copy(rows_v.at[slot], acc_sh.at[didx_v.at[j]],
                          ssems.at[slot]).wait()

  _gather(0, 0).start()
  _gather(1, 1).start()

  @pl.loop(0, n_chunks)
  def _(j):
    slot = lax.rem(j, 3)
    _gather(j, slot).wait()
    _scat_start(j, slot)
    nj = j + 2

    @pl.when(nj < n_chunks)
    def _():
      ns = lax.rem(nj, 3)

      @pl.when(j >= 1)
      def _():
        _scat_wait(j - 1, ns)

      _gather(nj, ns).start()

  for t in range(3):
    j = n_chunks - 3 + t
    _scat_wait(j, j % 3)
  plsc.subcore_barrier()
  pltpu.sync_copy(acc_sh.at[pl.ds(s * RPT, RPT)],
                  out_hbm.at[c, pl.ds(s * RPT, RPT)])


def _make_deg_kernel(n_chunks):
  return pl.kernel(
      functools.partial(_deg_body, n_chunks),
      out_type=jax.ShapeDtypeStruct((NC, N_PAD, DEG_W), jnp.float32),
      mesh=_mesh(),
      scratch_types=[
          pltpu.VMEM((n_chunks, CHUNK), jnp.int32),
          pltpu.VMEM((N_PAD,), jnp.float32),
          pltpu.VMEM((NS, RPT), jnp.float32),
          pltpu.VMEM((RPT, DEG_W), jnp.float32),
          pltpu.VMEM_SHARED((NS, N_PAD), jnp.float32),
      ],
      compiler_params=_SC_PARAMS_NLP,
  )


def _make_agg_kernel(n_chunks):
  return pl.kernel(
      functools.partial(_agg_body, n_chunks),
      out_type=jax.ShapeDtypeStruct((NC, N_PAD, F_H), jnp.float32),
      mesh=_mesh(),
      scratch_types=[
          pltpu.VMEM((n_chunks, CHUNK), jnp.int32),
          pltpu.VMEM((n_chunks, CHUNK), jnp.int32),
          pltpu.VMEM((3, CHUNK, F_H), jnp.float32),
          pltpu.VMEM_SHARED((N_PAD, F_H), jnp.float32),
          pltpu.VMEM_SHARED((N_PAD, F_H), jnp.float32),
          pltpu.SemaphoreType.DMA((3,)),
          pltpu.SemaphoreType.DMA((3,)),
          pltpu.SemaphoreType.DMA((2,)),
      ],
      compiler_params=_SC_PARAMS,
  )



def _dinv_from(degp):
  deg = degp[0, :, 0:1] + degp[1, :, 0:1] + 1.0
  return lax.rsqrt(deg)


def _mm_body(x_ref, w_ref, out_ref):
  out_ref[...] = jnp.dot(
      x_ref[...], w_ref[...], preferred_element_type=jnp.float32)


def _scale_body(h_ref, degp_ref, out_ref):
  out_ref[...] = h_ref[...] * _dinv_from(degp_ref[...])


def _tc2_body(q_ref, hp_ref, degp_ref, b_ref, w_ref, out_ref):
  dinv = _dinv_from(degp_ref[...])
  ssum = q_ref[0] + q_ref[1] + hp_ref[...]
  h = jnp.maximum(ssum * dinv + b_ref[...], 0.0)
  out_ref[...] = jnp.dot(
      h, w_ref[...], preferred_element_type=jnp.float32) * dinv


def _tc3_body(q_ref, hp_ref, degp_ref, b_ref, wfc_ref, bfc_ref, out_ref):
  dinv = _dinv_from(degp_ref[...])
  ssum = q_ref[0] + q_ref[1] + hp_ref[...]
  h = jnp.maximum(ssum * dinv + b_ref[...], 0.0)
  z = jnp.dot(h, wfc_ref[...], preferred_element_type=jnp.float32)
  z = z + bfc_ref[...]
  m = jnp.max(z, axis=1, keepdims=True)
  lse = jnp.log(jnp.sum(jnp.exp(z - m), axis=1, keepdims=True)) + m
  out_ref[...] = z - lse


def _row_spec(w):
  return pl.BlockSpec((BLK, w), lambda i: (i, 0))


def _full_spec(shape):
  nd = len(shape)
  return pl.BlockSpec(shape, lambda i: (0,) * nd)


_DEGP_SPEC = pl.BlockSpec((NC, BLK, DEG_W), lambda i: (0, i, 0))
_Q_SPEC = pl.BlockSpec((NC, BLK, F_H), lambda i: (0, i, 0))
_GRID = (N // BLK,)


def _tc_mm(x, W1):
  return pl.pallas_call(
      _mm_body,
      grid=_GRID,
      in_specs=[_row_spec(F_IN), _full_spec((F_IN, F_H))],
      out_specs=_row_spec(F_H),
      out_shape=jax.ShapeDtypeStruct((N, F_H), jnp.float32),
  )(x, W1)


def _tc_scale(h, degp):
  return pl.pallas_call(
      _scale_body,
      grid=_GRID,
      in_specs=[_row_spec(F_H), _DEGP_SPEC],
      out_specs=_row_spec(F_H),
      out_shape=jax.ShapeDtypeStruct((N_PAD, F_H), jnp.float32),
  )(h, degp)


def _tc2(q, hp, degp, b1, W2):
  return pl.pallas_call(
      _tc2_body,
      grid=_GRID,
      in_specs=[_Q_SPEC, _row_spec(F_H), _DEGP_SPEC,
                _full_spec((1, F_H)), _full_spec((F_H, F_H))],
      out_specs=_row_spec(F_H),
      out_shape=jax.ShapeDtypeStruct((N_PAD, F_H), jnp.float32),
  )(q, hp, degp, b1, W2)


def _tc3(q, hp, degp, b2, Wfc, bfc):
  return pl.pallas_call(
      _tc3_body,
      grid=_GRID,
      in_specs=[_Q_SPEC, _row_spec(F_H), _DEGP_SPEC,
                _full_spec((1, F_H)), _full_spec((F_H, F_OUT)),
                _full_spec((1, F_OUT))],
      out_specs=_row_spec(F_OUT),
      out_shape=jax.ShapeDtypeStruct((N, F_OUT), jnp.float32),
  )(q, hp, degp, b2, Wfc, bfc)



def kernel(x, edge_index, W1, b1, W2, b2, Wfc, bfc):
  e = edge_index.shape[1]
  ei = edge_index.astype(jnp.int32)

  per_round = NW * CHUNK
  n_chunks = -(-e // per_round)
  e_pad = n_chunks * per_round
  if e_pad != e:
    fill = jnp.full((2, e_pad - e), N, jnp.int32)
    ei = jnp.concatenate([ei, fill], axis=1)
  eidx = ei.reshape(2, NW, n_chunks, CHUNK)

  zeros_h = jnp.zeros((N_PAD, F_H), jnp.float32)

  deg_kernel = _make_deg_kernel(n_chunks)
  agg_kernel = _make_agg_kernel(n_chunks)

  h1 = _tc_mm(x, W1)
  degp = deg_kernel(eidx)
  h1p = _tc_scale(h1, degp)
  q1 = agg_kernel(eidx, h1p, zeros_h)
  h2p = _tc2(q1, h1p, degp, b1[None, :], W2)
  q2 = agg_kernel(eidx, h2p, zeros_h)
  return _tc3(q2, h2p, degp, b2[None, :], Wfc, bfc[None, :])

# --- scband reference (transcript-rebuilt; emitter-appended) ---
"""Pipeline reference for scband-ss-gcn-75256416961205 (READ-ONLY COPY).

The authoritative reference and input builder live on the scoring server;
editing this copy changes nothing except your own understanding.
"""

import jax, jax.numpy as jnp
import numpy as np

N_NODES = 10000


def gcn_conv(x, edge_index, W, b):
    n = x.shape[0]
    src = edge_index[0]
    dst = edge_index[1]
    # add self-loops (PyG GCNConv default)
    loops = jnp.arange(n, dtype=edge_index.dtype)
    src = jnp.concatenate([src, loops])
    dst = jnp.concatenate([dst, loops])
    # symmetric normalization D^{-1/2} (A+I) D^{-1/2}
    deg = jax.ops.segment_sum(jnp.ones(src.shape[0], dtype=x.dtype), dst, num_segments=n)
    dinv = jnp.where(deg > 0, deg ** -0.5, 0.0)
    norm = dinv[src] * dinv[dst]
    h = x @ W
    msg = h[src] * norm[:, None]
    out = jax.ops.segment_sum(msg, dst, num_segments=n)
    return out + b


def setup_inputs(seed: int = 0) -> dict:
    key = jax.random.key(seed)
    k_x, k_e, k1, k2, k3 = jax.random.split(key, 5)
    x = jax.random.normal(k_x, (N_NODES, 128), dtype=jnp.float32)
    edge_index = jax.random.randint(k_e, (2, 320000), 0, N_NODES, dtype=jnp.int64)
    # GCNConv weights (glorot-ish) and biases
    W1 = jax.random.normal(k1, (128, 64), dtype=jnp.float32) * (1.0 / np.sqrt(128))
    b1 = jnp.zeros((64,), dtype=jnp.float32)
    W2 = jax.random.normal(k2, (64, 64), dtype=jnp.float32) * (1.0 / np.sqrt(64))
    b2 = jnp.zeros((64,), dtype=jnp.float32)
    Wfc = jax.random.normal(k3, (64, 32), dtype=jnp.float32) * (1.0 / np.sqrt(64))
    bfc = jnp.zeros((32,), dtype=jnp.float32)
    return {"x": x, "edge_index": edge_index, "W1": W1, "b1": b1, "W2": W2, "b2": b2, "Wfc": Wfc, "bfc": bfc}


def reference(x, edge_index, W1, b1, W2, b2, Wfc, bfc):
    # eval mode: dropout is identity
    h = jax.nn.relu(gcn_conv(x, edge_index, W1, b1))
    h = gcn_conv(h, edge_index, W2, b2)
    h = jax.nn.relu(h)
    h = h @ Wfc + bfc
    return jax.nn.log_softmax(h, axis=1)

if __name__ == "__main__":
    import jax
    _d = setup_inputs()
    print(jax.jit(kernel)(*tuple(_d.values())))

</pallas_src>

<mosaic_0001>
#map = affine_map<(d0, d1) -> (0, 0, 0, 0)>
#map1 = affine_map<(d0, d1) -> (0, 0)>
#map2 = affine_map<(d0, d1) -> (0, 0, 0)>
module attributes {stable_mosaic.version = 14 : i64} {
  func.func @_agg_body(%arg0: i32, %arg1: i32, %arg2: memref<2x32x80x125xi32, #tpu.memory_space<hbm>>, %arg3: memref<10240x64xf32, #tpu.memory_space<hbm>>, %arg4: memref<10240x64xf32, #tpu.memory_space<hbm>>, %arg5: memref<2x10240x64xf32, #tpu.memory_space<hbm>>, %arg6: memref<80x125xi32, #tpu.memory_space<vmem>>, %arg7: memref<80x125xi32, #tpu.memory_space<vmem>>, %arg8: memref<3x125x64xf32, #tpu.memory_space<vmem>>, %arg9: memref<10240x64xf32, #tpu.memory_space<vmem_shared>>, %arg10: memref<10240x64xf32, #tpu.memory_space<vmem_shared>>, %arg11: memref<3x!tpu.dma_semaphore, #tpu.memory_space<semaphore_mem>>, %arg12: memref<3x!tpu.dma_semaphore, #tpu.memory_space<semaphore_mem>>, %arg13: memref<2x!tpu.dma_semaphore, #tpu.memory_space<semaphore_mem>>) attributes {dimension_semantics = [#tpu.dimension_semantics<core_parallel>, #tpu.dimension_semantics<subcore_parallel>], iteration_bounds = array<i64: 2, 16>, scalar_prefetch = 0 : i64, scratch_operands = 8 : i64, tpu.core_type = #tpu.core_type<sc_vector_subcore>, window_params = [{transform_indices = #map}, {transform_indices = #map1}, {transform_indices = #map1}, {transform_indices = #map2}]} {
    %mul3A = arith.constant 16 : i32
    %mul3A_0 = arith.muli %arg0, %mul3A : i32
    %add3A = arith.addi %mul3A_0, %arg1 : i32
    %mul3A_1 = arith.constant 640 : i32
    %mul3A_2 = arith.muli %arg1, %mul3A_1 : i32
    %mul3A_3 = arith.constant 640 : i32
    %mul3A_4 = arith.muli %arg1, %mul3A_3 : i32
    %dma_start3A = arith.constant 0 : i32
    %dma_start3A_5 = tpu.memref_slice %arg13[%dma_start3A] : memref<2x!tpu.dma_semaphore, #tpu.memory_space<semaphore_mem>> -> memref<1x!tpu.dma_semaphore, #tpu.memory_space<semaphore_mem>>
    %dma_start3A_6 = tpu.memref_squeeze %dma_start3A_5 : memref<1x!tpu.dma_semaphore, #tpu.memory_space<semaphore_mem>> -> memref<!tpu.dma_semaphore, #tpu.memory_space<semaphore_mem>>
    %dma_start3A_7 = arith.constant 0 : i32
    %dma_start3A_8 = tpu.memref_slice %arg10[%mul3A_4, %dma_start3A_7] : memref<10240x64xf32, #tpu.memory_space<vmem_shared>> -> memref<640x64xf32, #tpu.memory_space<vmem_shared>>
    %dma_start3A_9 = arith.constant 0 : i32
    %dma_start3A_10 = tpu.memref_slice %arg4[%mul3A_2, %dma_start3A_9] : memref<10240x64xf32, #tpu.memory_space<hbm>> -> memref<640x64xf32, #tpu.memory_space<hbm>>
    tpu.enqueue_dma source(%dma_start3A_10 : memref<640x64xf32, #tpu.memory_space<hbm>>) target(%dma_start3A_8 : memref<640x64xf32, #tpu.memory_space<vmem_shared>>) target_semaphore(%dma_start3A_6 : memref<!tpu.dma_semaphore, #tpu.memory_space<semaphore_mem>>)
    %mul3A_11 = arith.constant 640 : i32
    %mul3A_12 = arith.muli %arg1, %mul3A_11 : i32
    %mul3A_13 = arith.constant 640 : i32
    %mul3A_14 = arith.muli %arg1, %mul3A_13 : i32
    %dma_start3A_15 = arith.constant 1 : i32
    %dma_start3A_16 = tpu.memref_slice %arg13[%dma_start3A_15] : memref<2x!tpu.dma_semaphore, #tpu.memory_space<semaphore_mem>> -> memref<1x!tpu.dma_semaphore, #tpu.memory_space<semaphore_mem>>
    %dma_start3A_17 = tpu.memref_squeeze %dma_start3A_16 : memref<1x!tpu.dma_semaphore, #tpu.memory_space<semaphore_mem>> -> memref<!tpu.dma_semaphore, #tpu.memory_space<semaphore_mem>>
    %dma_start3A_18 = arith.constant 0 : i32
    %dma_start3A_19 = tpu.memref_slice %arg9[%mul3A_14, %dma_start3A_18] : memref<10240x64xf32, #tpu.memory_space<vmem_shared>> -> memref<640x64xf32, #tpu.memory_space<vmem_shared>>
    %dma_start3A_20 = arith.constant 0 : i32
    %dma_start3A_21 = tpu.memref_slice %arg3[%mul3A_12, %dma_start3A_20] : memref<10240x64xf32, #tpu.memory_space<hbm>> -> memref<640x64xf32, #tpu.memory_space<hbm>>
    tpu.enqueue_dma source(%dma_start3A_21 : memref<640x64xf32, #tpu.memory_space<hbm>>) target(%dma_start3A_19 : memref<640x64xf32, #tpu.memory_space<vmem_shared>>) target_semaphore(%dma_start3A_17 : memref<!tpu.dma_semaphore, #tpu.memory_space<semaphore_mem>>)
    %run_scoped3A = arith.constant 0 : i32
    "tpu.region"() ({
      %run_scoped3A_128 = tpu.sem_alloc : memref<!tpu.dma_semaphore, #tpu.memory_space<semaphore_mem>>
      %dma_start3A_129 = arith.constant 0 : i32
      %dma_start3A_130 = arith.constant 0 : i32
      %dma_start3A_131 = tpu.memref_slice %arg2[%run_scoped3A, %add3A, %dma_start3A_129, %dma_start3A_130] : memref<2x32x80x125xi32, #tpu.memory_space<hbm>> -> memref<1x1x80x125xi32, #tpu.memory_space<hbm>>
      %dma_start3A_132 = tpu.memref_squeeze %dma_start3A_131 : memref<1x1x80x125xi32, #tpu.memory_space<hbm>> -> memref<80x125xi32, #tpu.memory_space<hbm>>
      %dma_start3A_133 = arith.constant 0 : i32
      %dma_start3A_134 = arith.constant 0 : i32
      %dma_start3A_135 = tpu.memref_slice %arg2[%run_scoped3A, %add3A, %dma_start3A_133, %dma_start3A_134] : memref<2x32x80x125xi32, #tpu.memory_space<hbm>> -> memref<1x1x80x125xi32, #tpu.memory_space<hbm>>
      %dma_start3A_136 = tpu.memref_squeeze %dma_start3A_135 : memref<1x1x80x125xi32, #tpu.memory_space<hbm>> -> memref<80x125xi32, #tpu.memory_space<hbm>>
      tpu.enqueue_dma source(%dma_start3A_136 : memref<80x125xi32, #tpu.memory_space<hbm>>) target(%arg6 : memref<80x125xi32, #tpu.memory_space<vmem>>) target_semaphore(%run_scoped3A_128 : memref<!tpu.dma_semaphore, #tpu.memory_space<semaphore_mem>>)
      %dma_wait3A_137 = arith.constant 0 : i32
      %dma_wait3A_138 = arith.constant 0 : i32
      %dma_wait3A_139 = tpu.memref_slice %arg2[%run_scoped3A, %add3A, %dma_wait3A_137, %dma_wait3A_138] : memref<2x32x80x125xi32, #tpu.memory_space<hbm>> -> memref<1x1x80x125xi32, #tpu.memory_space<hbm>>
      %dma_wait3A_140 = tpu.memref_squeeze %dma_wait3A_139 : memref<1x1x80x125xi32, #tpu.memory_space<hbm>> -> memref<80x125xi32, #tpu.memory_space<hbm>>
      %dma_wait3A_141 = arith.constant 0 : i32
      %dma_wait3A_142 = arith.constant 0 : i32
      %dma_wait3A_143 = tpu.memref_slice %arg2[%run_scoped3A, %add3A, %dma_wait3A_141, %dma_wait3A_142] : memref<2x32x80x125xi32, #tpu.memory_space<hbm>> -> memref<1x1x80x125xi32, #tpu.memory_space<hbm>>
      %dma_wait3A_144 = tpu.memref_squeeze %dma_wait3A_143 : memref<1x1x80x125xi32, #tpu.memory_space<hbm>> -> memref<80x125xi32, #tpu.memory_space<hbm>>
      tpu.wait_dma2 semaphore(%run_scoped3A_128 : memref<!tpu.dma_semaphore, #tpu.memory_space<semaphore_mem>>) src(%dma_wait3A_144 : memref<80x125xi32, #tpu.memory_space<hbm>>) dst(%arg6 : memref<80x125xi32, #tpu.memory_space<vmem>>)
      tpu.yield
    }) : () -> ()
    %run_scoped3A_22 = arith.constant 1 : i32
    "tpu.region"() ({
      %run_scoped3A_128 = tpu.sem_alloc : memref<!tpu.dma_semaphore, #tpu.memory_space<semaphore_mem>>
      %dma_start3A_129 = arith.constant 0 : i32
      %dma_start3A_130 = arith.constant 0 : i32
      %dma_start3A_131 = tpu.memref_slice %arg2[%run_scoped3A_22, %add3A, %dma_start3A_129, %dma_start3A_130] : memref<2x32x80x125xi32, #tpu.memory_space<hbm>> -> memref<1x1x80x125xi32, #tpu.memory_space<hbm>>
      %dma_start3A_132 = tpu.memref_squeeze %dma_start3A_131 : memref<1x1x80x125xi32, #tpu.memory_space<hbm>> -> memref<80x125xi32, #tpu.memory_space<hbm>>
      %dma_start3A_133 = arith.constant 0 : i32
      %dma_start3A_134 = arith.constant 0 : i32
      %dma_start3A_135 = tpu.memref_slice %arg2[%run_scoped3A_22, %add3A, %dma_start3A_133, %dma_start3A_134] : memref<2x32x80x125xi32, #tpu.memory_space<hbm>> -> memref<1x1x80x125xi32, #tpu.memory_space<hbm>>
      %dma_start3A_136 = tpu.memref_squeeze %dma_start3A_135 : memref<1x1x80x125xi32, #tpu.memory_space<hbm>> -> memref<80x125xi32, #tpu.memory_space<hbm>>
      tpu.enqueue_dma source(%dma_start3A_136 : memref<80x125xi32, #tpu.memory_space<hbm>>) target(%arg7 : memref<80x125xi32, #tpu.memory_space<vmem>>) target_semaphore(%run_scoped3A_128 : memref<!tpu.dma_semaphore, #tpu.memory_space<semaphore_mem>>)
      %dma_wait3A_137 = arith.constant 0 : i32
      %dma_wait3A_138 = arith.constant 0 : i32
      %dma_wait3A_139 = tpu.memref_slice %arg2[%run_scoped3A_22, %add3A, %dma_wait3A_137, %dma_wait3A_138] : memref<2x32x80x125xi32, #tpu.memory_space<hbm>> -> memref<1x1x80x125xi32, #tpu.memory_space<hbm>>
      %dma_wait3A_140 = tpu.memref_squeeze %dma_wait3A_139 : memref<1x1x80x125xi32, #tpu.memory_space<hbm>> -> memref<80x125xi32, #tpu.memory_space<hbm>>
      %dma_wait3A_141 = arith.constant 0 : i32
      %dma_wait3A_142 = arith.constant 0 : i32
      %dma_wait3A_143 = tpu.memref_slice %arg2[%run_scoped3A_22, %add3A, %dma_wait3A_141, %dma_wait3A_142] : memref<2x32x80x125xi32, #tpu.memory_space<hbm>> -> memref<1x1x80x125xi32, #tpu.memory_space<hbm>>
      %dma_wait3A_144 = tpu.memref_squeeze %dma_wait3A_143 : memref<1x1x80x125xi32, #tpu.memory_space<hbm>> -> memref<80x125xi32, #tpu.memory_space<hbm>>
      tpu.wait_dma2 semaphore(%run_scoped3A_128 : memref<!tpu.dma_semaphore, #tpu.memory_space<semaphore_mem>>) src(%dma_wait3A_144 : memref<80x125xi32, #tpu.memory_space<hbm>>) dst(%arg7 : memref<80x125xi32, #tpu.memory_space<vmem>>)
      tpu.yield
    }) : () -> ()
    %mul3A_23 = arith.constant 640 : i32
    %mul3A_24 = arith.muli %arg1, %mul3A_23 : i32
    %mul3A_25 = arith.constant 640 : i32
    %mul3A_26 = arith.muli %arg1, %mul3A_25 : i32
    %dma_wait3A = arith.constant 0 : i32
    %dma_wait3A_27 = tpu.memref_slice %arg13[%dma_wait3A] : memref<2x!tpu.dma_semaphore, #tpu.memory_space<semaphore_mem>> -> memref<1x!tpu.dma_semaphore, #tpu.memory_space<semaphore_mem>>
    %dma_wait3A_28 = tpu.memref_squeeze %dma_wait3A_27 : memref<1x!tpu.dma_semaphore, #tpu.memory_space<semaphore_mem>> -> memref<!tpu.dma_semaphore, #tpu.memory_space<semaphore_mem>>
    %dma_wait3A_29 = arith.constant 0 : i32
    %dma_wait3A_30 = tpu.memref_slice %arg10[%mul3A_26, %dma_wait3A_29] : memref<10240x64xf32, #tpu.memory_space<vmem_shared>> -> memref<640x64xf32, #tpu.memory_space<vmem_shared>>
    %dma_wait3A_31 = arith.constant 0 : i32
    %dma_wait3A_32 = tpu.memref_slice %arg4[%mul3A_24, %dma_wait3A_31] : memref<10240x64xf32, #tpu.memory_space<hbm>> -> memref<640x64xf32, #tpu.memory_space<hbm>>
    tpu.wait_dma2 semaphore(%dma_wait3A_28 : memref<!tpu.dma_semaphore, #tpu.memory_space<semaphore_mem>>) src(%dma_wait3A_32 : memref<640x64xf32, #tpu.memory_space<hbm>>) dst(%dma_wait3A_30 : memref<640x64xf32, #tpu.memory_space<vmem_shared>>)
    %mul3A_33 = arith.constant 640 : i32
    %mul3A_34 = arith.muli %arg1, %mul3A_33 : i32
    %mul3A_35 = arith.constant 640 : i32
    %mul3A_36 = arith.muli %arg1, %mul3A_35 : i32
    %dma_wait3A_37 = arith.constant 1 : i32
    %dma_wait3A_38 = tpu.memref_slice %arg13[%dma_wait3A_37] : memref<2x!tpu.dma_semaphore, #tpu.memory_space<semaphore_mem>> -> memref<1x!tpu.dma_semaphore, #tpu.memory_space<semaphore_mem>>
    %dma_wait3A_39 = tpu.memref_squeeze %dma_wait3A_38 : memref<1x!tpu.dma_semaphore, #tpu.memory_space<semaphore_mem>> -> memref<!tpu.dma_semaphore, #tpu.memory_space<semaphore_mem>>
    %dma_wait3A_40 = arith.constant 0 : i32
    %dma_wait3A_41 = tpu.memref_slice %arg9[%mul3A_36, %dma_wait3A_40] : memref<10240x64xf32, #tpu.memory_space<vmem_shared>> -> memref<640x64xf32, #tpu.memory_space<vmem_shared>>
    %dma_wait3A_42 = arith.constant 0 : i32
    %dma_wait3A_43 = tpu.memref_slice %arg3[%mul3A_34, %dma_wait3A_42] : memref<10240x64xf32, #tpu.memory_space<hbm>> -> memref<640x64xf32, #tpu.memory_space<hbm>>
    tpu.wait_dma2 semaphore(%dma_wait3A_39 : memref<!tpu.dma_semaphore, #tpu.memory_space<semaphore_mem>>) src(%dma_wait3A_43 : memref<640x64xf32, #tpu.memory_space<hbm>>) dst(%dma_wait3A_41 : memref<640x64xf32, #tpu.memory_space<vmem_shared>>)
    %barrier3A = arith.constant 0 : index
    tpu.barrier barrier_id(%barrier3A)
    %dma_start3A_44 = arith.constant 0 : i32
    %dma_start3A_45 = arith.constant 0 : i32
    %dma_start3A_46 = arith.constant 0 : i32
    %dma_start3A_47 = arith.constant 0 : i32
    %dma_start3A_48 = arith.constant 0 : i32
    %dma_start3A_49 = tpu.memref_slice %arg8[%dma_start3A_45, %dma_start3A_47, %dma_start3A_48] : memref<3x125x64xf32, #tpu.memory_space<vmem>> -> memref<1x125x64xf32, #tpu.memory_space<vmem>>
    %dma_start3A_50 = tpu.memref_squeeze %dma_start3A_49 : memref<1x125x64xf32, #tpu.memory_space<vmem>> -> memref<125x64xf32, #tpu.memory_space<vmem>>
    %dma_start3A_51 = arith.constant 0 : i32
    %dma_start3A_52 = tpu.memref_slice %arg6[%dma_start3A_44, %dma_start3A_51] : memref<80x125xi32, #tpu.memory_space<vmem>> -> memref<1x125xi32, #tpu.memory_space<vmem>>
    %dma_start3A_53 = tpu.memref_squeeze %dma_start3A_52 : memref<1x125xi32, #tpu.memory_space<vmem>> -> memref<125xi32, #tpu.memory_space<vmem>>
    %dma_start3A_54 = arith.constant 0 : i32
    %dma_start3A_55 = arith.constant 0 : i32
    %dma_start3A_56 = tpu.memref_slice %arg9[%dma_start3A_54, %dma_start3A_55] : memref<10240x64xf32, #tpu.memory_space<vmem_shared>> -> memref<10240x64xf32, #tpu.memory_space<vmem_shared>>
    %dma_start3A_57 = tpu.memref_slice %arg11[%dma_start3A_46] : memref<3x!tpu.dma_semaphore, #tpu.memory_space<semaphore_mem>> -> memref<1x!tpu.dma_semaphore, #tpu.memory_space<semaphore_mem>>
    %dma_start3A_58 = tpu.memref_squeeze %dma_start3A_57 : memref<1x!tpu.dma_semaphore, #tpu.memory_space<semaphore_mem>> -> memref<!tpu.dma_semaphore, #tpu.memory_space<semaphore_mem>>
    tpu.enqueue_indirect_dma source(%dma_start3A_56 : memref<10240x64xf32, #tpu.memory_space<vmem_shared>>) target(%dma_start3A_50 : memref<125x64xf32, #tpu.memory_space<vmem>>) offsets(%dma_start3A_53 : memref<125xi32, #tpu.memory_space<vmem>>) semaphore(%dma_start3A_58 : memref<!tpu.dma_semaphore, #tpu.memory_space<semaphore_mem>>)
    %dma_start3A_59 = arith.constant 1 : i32
    %dma_start3A_60 = arith.constant 1 : i32
    %dma_start3A_61 = arith.constant 1 : i32
    %dma_start3A_62 = arith.constant 0 : i32
    %dma_start3A_63 = arith.constant 0 : i32
    %dma_start3A_64 = tpu.memref_slice %arg8[%dma_start3A_60, %dma_start3A_62, %dma_start3A_63] : memref<3x125x64xf32, #tpu.memory_space<vmem>> -> memref<1x125x64xf32, #tpu.memory_space<vmem>>
    %dma_start3A_65 = tpu.memref_squeeze %dma_start3A_64 : memref<1x125x64xf32, #tpu.memory_space<vmem>> -> memref<125x64xf32, #tpu.memory_space<vmem>>
    %dma_start3A_66 = arith.constant 0 : i32
    %dma_start3A_67 = tpu.memref_slice %arg6[%dma_start3A_59, %dma_start3A_66] : memref<80x125xi32, #tpu.memory_space<vmem>> -> memref<1x125xi32, #tpu.memory_space<vmem>>
    %dma_start3A_68 = tpu.memref_squeeze %dma_start3A_67 : memref<1x125xi32, #tpu.memory_space<vmem>> -> memref<125xi32, #tpu.memory_space<vmem>>
    %dma_start3A_69 = arith.constant 0 : i32
    %dma_start3A_70 = arith.constant 0 : i32
    %dma_start3A_71 = tpu.memref_slice %arg9[%dma_start3A_69, %dma_start3A_70] : memref<10240x64xf32, #tpu.memory_space<vmem_shared>> -> memref<10240x64xf32, #tpu.memory_space<vmem_shared>>
    %dma_start3A_72 = tpu.memref_slice %arg11[%dma_start3A_61] : memref<3x!tpu.dma_semaphore, #tpu.memory_space<semaphore_mem>> -> memref<1x!tpu.dma_semaphore, #tpu.memory_space<semaphore_mem>>
    %dma_start3A_73 = tpu.memref_squeeze %dma_start3A_72 : memref<1x!tpu.dma_semaphore, #tpu.memory_space<semaphore_mem>> -> memref<!tpu.dma_semaphore, #tpu.memory_space<semaphore_mem>>
    tpu.enqueue_indirect_dma source(%dma_start3A_71 : memref<10240x64xf32, #tpu.memory_space<vmem_shared>>) target(%dma_start3A_65 : memref<125x64xf32, #tpu.memory_space<vmem>>) offsets(%dma_start3A_68 : memref<125xi32, #tpu.memory_space<vmem>>) semaphore(%dma_start3A_73 : memref<!tpu.dma_semaphore, #tpu.memory_space<semaphore_mem>>)
    %scan3A = arith.constant 0 : i32
    %scan3A_74 = arith.constant 80 : i32
    %scan3A_75 = arith.addi %scan3A, %scan3A_74 : i32
    %scan3A_76 = arith.constant 1 : i32
    scf.for %scan3A_128 = %scan3A to %scan3A_75 step %scan3A_76  : i32 {
      %mul3A_129 = arith.constant 1 : i32
      %mul3A_130 = arith.muli %scan3A_128, %mul3A_129 : i32
      %add3A_131 = arith.constant 0 : i32
      %add3A_132 = arith.addi %add3A_131, %mul3A_130 : i32
      %rem3A = arith.constant 3 : i32
      %rem3A_133 = arith.remsi %add3A_132, %rem3A : i32
      %dma_wait3A_134 = arith.constant 0 : i32
      %dma_wait3A_135 = arith.constant 0 : i32
      %dma_wait3A_136 = tpu.memref_slice %arg8[%rem3A_133, %dma_wait3A_134, %dma_wait3A_135] : memref<3x125x64xf32, #tpu.memory_space<vmem>> -> memref<1x125x64xf32, #tpu.memory_space<vmem>>
      %dma_wait3A_137 = tpu.memref_squeeze %dma_wait3A_136 : memref<1x125x64xf32, #tpu.memory_space<vmem>> -> memref<125x64xf32, #tpu.memory_space<vmem>>
      %dma_wait3A_138 = arith.constant 0 : i32
      %dma_wait3A_139 = tpu.memref_slice %arg6[%add3A_132, %dma_wait3A_138] : memref<80x125xi32, #tpu.memory_space<vmem>> -> memref<1x125xi32, #tpu.memory_space<vmem>>
      %dma_wait3A_140 = tpu.memref_squeeze %dma_wait3A_139 : memref<1x125xi32, #tpu.memory_space<vmem>> -> memref<125xi32, #tpu.memory_space<vmem>>
      %dma_wait3A_141 = arith.constant 0 : i32
      %dma_wait3A_142 = arith.constant 0 : i32
      %dma_wait3A_143 = tpu.memref_slice %arg9[%dma_wait3A_141, %dma_wait3A_142] : memref<10240x64xf32, #tpu.memory_space<vmem_shared>> -> memref<10240x64xf32, #tpu.memory_space<vmem_shared>>
      %dma_wait3A_144 = tpu.memref_slice %arg11[%rem3A_133] : memref<3x!tpu.dma_semaphore, #tpu.memory_space<semaphore_mem>> -> memref<1x!tpu.dma_semaphore, #tpu.memory_space<semaphore_mem>>
      %dma_wait3A_145 = tpu.memref_squeeze %dma_wait3A_144 : memref<1x!tpu.dma_semaphore, #tpu.memory_space<semaphore_mem>> -> memref<!tpu.dma_semaphore, #tpu.memory_space<semaphore_mem>>
      tpu.wait_indirect_dma semaphore(%dma_wait3A_145 : memref<!tpu.dma_semaphore, #tpu.memory_space<semaphore_mem>>) src(%dma_wait3A_143 : memref<10240x64xf32, #tpu.memory_space<vmem_shared>>) dst(%dma_wait3A_137 : memref<125x64xf32, #tpu.memory_space<vmem>>)
      %dma_start3A_146 = arith.constant 0 : i32
      %dma_start3A_147 = arith.constant 0 : i32
      %dma_start3A_148 = tpu.memref_slice %arg8[%rem3A_133, %dma_start3A_146, %dma_start3A_147] : memref<3x125x64xf32, #tpu.memory_space<vmem>> -> memref<1x125x64xf32, #tpu.memory_space<vmem>>
      %dma_start3A_149 = tpu.memref_squeeze %dma_start3A_148 : memref<1x125x64xf32, #tpu.memory_space<vmem>> -> memref<125x64xf32, #tpu.memory_space<vmem>>
      %dma_start3A_150 = arith.constant 0 : i32
      %dma_start3A_151 = tpu.memref_slice %arg7[%add3A_132, %dma_start3A_150] : memref<80x125xi32, #tpu.memory_space<vmem>> -> memref<1x125xi32, #tpu.memory_space<vmem>>
      %dma_start3A_152 = tpu.memref_squeeze %dma_start3A_151 : memref<1x125xi32, #tpu.memory_space<vmem>> -> memref<125xi32, #tpu.memory_space<vmem>>
      %dma_start3A_153 = arith.constant 0 : i32
      %dma_start3A_154 = arith.constant 0 : i32
      %dma_start3A_155 = tpu.memref_slice %arg10[%dma_start3A_153, %dma_start3A_154] : memref<10240x64xf32, #tpu.memory_space<vmem_shared>> -> memref<10240x64xf32, #tpu.memory_space<vmem_shared>>
      %dma_start3A_156 = tpu.memref_slice %arg12[%rem3A_133] : memref<3x!tpu.dma_semaphore, #tpu.memory_space<semaphore_mem>> -> memref<1x!tpu.dma_semaphore, #tpu.memory_space<semaphore_mem>>
      %dma_start3A_157 = tpu.memref_squeeze %dma_start3A_156 : memref<1x!tpu.dma_semaphore, #tpu.memory_space<semaphore_mem>> -> memref<!tpu.dma_semaphore, #tpu.memory_space<semaphore_mem>>
      tpu.enqueue_indirect_dma source(%dma_start3A_149 : memref<125x64xf32, #tpu.memory_space<vmem>>) target(%dma_start3A_155 : memref<10240x64xf32, #tpu.memory_space<vmem_shared>>) offsets(%dma_start3A_152 : memref<125xi32, #tpu.memory_space<vmem>>) semaphore(%dma_start3A_157 : memref<!tpu.dma_semaphore, #tpu.memory_space<semaphore_mem>>) {add = true}
      %add3A_158 = arith.constant 2 : i32
      %add3A_159 = arith.addi %add3A_132, %add3A_158 : i32
      %lt3A = arith.constant 80 : i32
      %lt3A_160 = arith.cmpi slt, %add3A_159, %lt3A : i32
      %convert_element_type3A = arith.extui %lt3A_160 : i1 to i32
      %cond3A = arith.constant 0 : i32
      %cond3A_161 = arith.cmpi ne, %convert_element_type3A, %cond3A : i32
      scf.if %cond3A_161 {
        %rem3A_162 = arith.constant 3 : i32
        %rem3A_163 = arith.remsi %add3A_159, %rem3A_162 : i32
        %ge3A = arith.constant 1 : i32
        %ge3A_164 = arith.cmpi sge, %add3A_132, %ge3A : i32
        %convert_element_type3A_165 = arith.extui %ge3A_164 : i1 to i32
        %cond3A_166 = arith.constant 0 : i32
        %cond3A_167 = arith.cmpi ne, %convert_element_type3A_165, %cond3A_166 : i32
        scf.if %cond3A_167 {
          %sub3A = arith.constant 1 : i32
          %sub3A_180 = arith.subi %add3A_132, %sub3A : i32
          %dma_wait3A_181 = arith.constant 0 : i32
          %dma_wait3A_182 = arith.constant 0 : i32
          %dma_wait3A_183 = tpu.memref_slice %arg8[%rem3A_163, %dma_wait3A_181, %dma_wait3A_182] : memref<3x125x64xf32, #tpu.memory_space<vmem>> -> memref<1x125x64xf32, #tpu.memory_space<vmem>>
          %dma_wait3A_184 = tpu.memref_squeeze %dma_wait3A_183 : memref<1x125x64xf32, #tpu.memory_space<vmem>> -> memref<125x64xf32, #tpu.memory_space<vmem>>
          %dma_wait3A_185 = arith.constant 0 : i32
          %dma_wait3A_186 = tpu.memref_slice %arg7[%sub3A_180, %dma_wait3A_185] : memref<80x125xi32, #tpu.memory_space<vmem>> -> memref<1x125xi32, #tpu.memory_space<vmem>>
          %dma_wait3A_187 = tpu.memref_squeeze %dma_wait3A_186 : memref<1x125xi32, #tpu.memory_space<vmem>> -> memref<125xi32, #tpu.memory_space<vmem>>
          %dma_wait3A_188 = arith.constant 0 : i32
          %dma_wait3A_189 = arith.constant 0 : i32
          %dma_wait3A_190 = tpu.memref_slice %arg10[%dma_wait3A_188, %dma_wait3A_189] : memref<10240x64xf32, #tpu.memory_space<vmem_shared>> -> memref<10240x64xf32, #tpu.memory_space<vmem_shared>>
          %dma_wait3A_191 = tpu.memref_slice %arg12[%rem3A_163] : memref<3x!tpu.dma_semaphore, #tpu.memory_space<semaphore_mem>> -> memref<1x!tpu.dma_semaphore, #tpu.memory_space<semaphore_mem>>
          %dma_wait3A_192 = tpu.memref_squeeze %dma_wait3A_191 : memref<1x!tpu.dma_semaphore, #tpu.memory_space<semaphore_mem>> -> memref<!tpu.dma_semaphore, #tpu.memory_space<semaphore_mem>>
          tpu.wait_indirect_dma semaphore(%dma_wait3A_192 : memref<!tpu.dma_semaphore, #tpu.memory_space<semaphore_mem>>) src(%dma_wait3A_184 : memref<125x64xf32, #tpu.memory_space<vmem>>) dst(%dma_wait3A_190 : memref<10240x64xf32, #tpu.memory_space<vmem_shared>>)
        } else {
        }
        %dma_start3A_168 = arith.constant 0 : i32
        %dma_start3A_169 = arith.constant 0 : i32
        %dma_start3A_170 = tpu.memref_slice %arg8[%rem3A_163, %dma_start3A_168, %dma_start3A_169] : memref<3x125x64xf32, #tpu.memory_space<vmem>> -> memref<1x125x64xf32, #tpu.memory_space<vmem>>
        %dma_start3A_171 = tpu.memref_squeeze %dma_start3A_170 : memref<1x125x64xf32, #tpu.memory_space<vmem>> -> memref<125x64xf32, #tpu.memory_space<vmem>>
        %dma_start3A_172 = arith.constant 0 : i32
        %dma_start3A_173 = tpu.memref_slice %arg6[%add3A_159, %dma_start3A_172] : memref<80x125xi32, #tpu.memory_space<vmem>> -> memref<1x125xi32, #tpu.memory_space<vmem>>
        %dma_start3A_174 = tpu.memref_squeeze %dma_start3A_173 : memref<1x125xi32, #tpu.memory_space<vmem>> -> memref<125xi32, #tpu.memory_space<vmem>>
        %dma_start3A_175 = arith.constant 0 : i32
        %dma_start3A_176 = arith.constant 0 : i32
        %dma_start3A_177 = tpu.memref_slice %arg9[%dma_start3A_175, %dma_start3A_176] : memref<10240x64xf32, #tpu.memory_space<vmem_shared>> -> memref<10240x64xf32, #tpu.memory_space<vmem_shared>>
        %dma_start3A_178 = tpu.memref_slice %arg11[%rem3A_163] : memref<3x!tpu.dma_semaphore, #tpu.memory_space<semaphore_mem>> -> memref<1x!tpu.dma_semaphore, #tpu.memory_space<semaphore_mem>>
        %dma_start3A_179 = tpu.memref_squeeze %dma_start3A_178 : memref<1x!tpu.dma_semaphore, #tpu.memory_space<semaphore_mem>> -> memref<!tpu.dma_semaphore, #tpu.memory_space<semaphore_mem>>
        tpu.enqueue_indirect_dma source(%dma_start3A_177 : memref<10240x64xf32, #tpu.memory_space<vmem_shared>>) target(%dma_start3A_171 : memref<125x64xf32, #tpu.memory_space<vmem>>) offsets(%dma_start3A_174 : memref<125xi32, #tpu.memory_space<vmem>>) semaphore(%dma_start3A_179 : memref<!tpu.dma_semaphore, #tpu.memory_space<semaphore_mem>>)
      } else {
      }
    }
    %scan3A_77 = arith.constant 80 : i32
    %dma_wait3A_78 = arith.constant 2 : i32
    %dma_wait3A_79 = arith.constant 77 : i32
    %dma_wait3A_80 = arith.constant 2 : i32
    %dma_wait3A_81 = arith.constant 0 : i32
    %dma_wait3A_82 = arith.constant 0 : i32
    %dma_wait3A_83 = tpu.memref_slice %arg8[%dma_wait3A_78, %dma_wait3A_81, %dma_wait3A_82] : memref<3x125x64xf32, #tpu.memory_space<vmem>> -> memref<1x125x64xf32, #tpu.memory_space<vmem>>
    %dma_wait3A_84 = tpu.memref_squeeze %dma_wait3A_83 : memref<1x125x64xf32, #tpu.memory_space<vmem>> -> memref<125x64xf32, #tpu.memory_space<vmem>>
    %dma_wait3A_85 = arith.constant 0 : i32
    %dma_wait3A_86 = tpu.memref_slice %arg7[%dma_wait3A_79, %dma_wait3A_85] : memref<80x125xi32, #tpu.memory_space<vmem>> -> memref<1x125xi32, #tpu.memory_space<vmem>>
    %dma_wait3A_87 = tpu.memref_squeeze %dma_wait3A_86 : memref<1x125xi32, #tpu.memory_space<vmem>> -> memref<125xi32, #tpu.memory_space<vmem>>
    %dma_wait3A_88 = arith.constant 0 : i32
    %dma_wait3A_89 = arith.constant 0 : i32
    %dma_wait3A_90 = tpu.memref_slice %arg10[%dma_wait3A_88, %dma_wait3A_89] : memref<10240x64xf32, #tpu.memory_space<vmem_shared>> -> memref<10240x64xf32, #tpu.memory_space<vmem_shared>>
    %dma_wait3A_91 = tpu.memref_slice %arg12[%dma_wait3A_80] : memref<3x!tpu.dma_semaphore, #tpu.memory_space<semaphore_mem>> -> memref<1x!tpu.dma_semaphore, #tpu.memory_space<semaphore_mem>>
    %dma_wait3A_92 = tpu.memref_squeeze %dma_wait3A_91 : memref<1x!tpu.dma_semaphore, #tpu.memory_space<semaphore_mem>> -> memref<!tpu.dma_semaphore, #tpu.memory_space<semaphore_mem>>
    tpu.wait_indirect_dma semaphore(%dma_wait3A_92 : memref<!tpu.dma_semaphore, #tpu.memory_space<semaphore_mem>>) src(%dma_wait3A_84 : memref<125x64xf32, #tpu.memory_space<vmem>>) dst(%dma_wait3A_90 : memref<10240x64xf32, #tpu.memory_space<vmem_shared>>)
    %dma_wait3A_93 = arith.constant 0 : i32
    %dma_wait3A_94 = arith.constant 78 : i32
    %dma_wait3A_95 = arith.constant 0 : i32
    %dma_wait3A_96 = arith.constant 0 : i32
    %dma_wait3A_97 = arith.constant 0 : i32
    %dma_wait3A_98 = tpu.memref_slice %arg8[%dma_wait3A_93, %dma_wait3A_96, %dma_wait3A_97] : memref<3x125x64xf32, #tpu.memory_space<vmem>> -> memref<1x125x64xf32, #tpu.memory_space<vmem>>
    %dma_wait3A_99 = tpu.memref_squeeze %dma_wait3A_98 : memref<1x125x64xf32, #tpu.memory_space<vmem>> -> memref<125x64xf32, #tpu.memory_space<vmem>>
    %dma_wait3A_100 = arith.constant 0 : i32
    %dma_wait3A_101 = tpu.memref_slice %arg7[%dma_wait3A_94, %dma_wait3A_100] : memref<80x125xi32, #tpu.memory_space<vmem>> -> memref<1x125xi32, #tpu.memory_space<vmem>>
    %dma_wait3A_102 = tpu.memref_squeeze %dma_wait3A_101 : memref<1x125xi32, #tpu.memory_space<vmem>> -> memref<125xi32, #tpu.memory_space<vmem>>
    %dma_wait3A_103 = arith.constant 0 : i32
    %dma_wait3A_104 = arith.constant 0 : i32
    %dma_wait3A_105 = tpu.memref_slice %arg10[%dma_wait3A_103, %dma_wait3A_104] : memref<10240x64xf32, #tpu.memory_space<vmem_shared>> -> memref<10240x64xf32, #tpu.memory_space<vmem_shared>>
    %dma_wait3A_106 = tpu.memref_slice %arg12[%dma_wait3A_95] : memref<3x!tpu.dma_semaphore, #tpu.memory_space<semaphore_mem>> -> memref<1x!tpu.dma_semaphore, #tpu.memory_space<semaphore_mem>>
    %dma_wait3A_107 = tpu.memref_squeeze %dma_wait3A_106 : memref<1x!tpu.dma_semaphore, #tpu.memory_space<semaphore_mem>> -> memref<!tpu.dma_semaphore, #tpu.memory_space<semaphore_mem>>
    tpu.wait_indirect_dma semaphore(%dma_wait3A_107 : memref<!tpu.dma_semaphore, #tpu.memory_space<semaphore_mem>>) src(%dma_wait3A_99 : memref<125x64xf32, #tpu.memory_space<vmem>>) dst(%dma_wait3A_105 : memref<10240x64xf32, #tpu.memory_space<vmem_shared>>)
    %dma_wait3A_108 = arith.constant 1 : i32
    %dma_wait3A_109 = arith.constant 79 : i32
    %dma_wait3A_110 = arith.constant 1 : i32
    %dma_wait3A_111 = arith.constant 0 : i32
    %dma_wait3A_112 = arith.constant 0 : i32
    %dma_wait3A_113 = tpu.memref_slice %arg8[%dma_wait3A_108, %dma_wait3A_111, %dma_wait3A_112] : memref<3x125x64xf32, #tpu.memory_space<vmem>> -> memref<1x125x64xf32, #tpu.memory_space<vmem>>
    %dma_wait3A_114 = tpu.memref_squeeze %dma_wait3A_113 : memref<1x125x64xf32, #tpu.memory_space<vmem>> -> memref<125x64xf32, #tpu.memory_space<vmem>>
    %dma_wait3A_115 = arith.constant 0 : i32
    %dma_wait3A_116 = tpu.memref_slice %arg7[%dma_wait3A_109, %dma_wait3A_115] : memref<80x125xi32, #tpu.memory_space<vmem>> -> memref<1x125xi32, #tpu.memory_space<vmem>>
    %dma_wait3A_117 = tpu.memref_squeeze %dma_wait3A_116 : memref<1x125xi32, #tpu.memory_space<vmem>> -> memref<125xi32, #tpu.memory_space<vmem>>
    %dma_wait3A_118 = arith.constant 0 : i32
    %dma_wait3A_119 = arith.constant 0 : i32
    %dma_wait3A_120 = tpu.memref_slice %arg10[%dma_wait3A_118, %dma_wait3A_119] : memref<10240x64xf32, #tpu.memory_space<vmem_shared>> -> memref<10240x64xf32, #tpu.memory_space<vmem_shared>>
    %dma_wait3A_121 = tpu.memref_slice %arg12[%dma_wait3A_110] : memref<3x!tpu.dma_semaphore, #tpu.memory_space<semaphore_mem>> -> memref<1x!tpu.dma_semaphore, #tpu.memory_space<semaphore_mem>>
    %dma_wait3A_122 = tpu.memref_squeeze %dma_wait3A_121 : memref<1x!tpu.dma_semaphore, #tpu.memory_space<semaphore_mem>> -> memref<!tpu.dma_semaphore, #tpu.memory_space<semaphore_mem>>
    tpu.wait_indirect_dma semaphore(%dma_wait3A_122 : memref<!tpu.dma_semaphore, #tpu.memory_space<semaphore_mem>>) src(%dma_wait3A_114 : memref<125x64xf32, #tpu.memory_space<vmem>>) dst(%dma_wait3A_120 : memref<10240x64xf32, #tpu.memory_space<vmem_shared>>)
    %barrier3A_123 = arith.constant 0 : index
    tpu.barrier barrier_id(%barrier3A_123)
    %mul3A_124 = arith.constant 640 : i32
    %mul3A_125 = arith.muli %arg1, %mul3A_124 : i32
    %mul3A_126 = arith.constant 640 : i32
    %mul3A_127 = arith.muli %arg1, %mul3A_126 : i32
    "tpu.region"() ({
      %run_scoped3A_128 = tpu.sem_alloc : memref<!tpu.dma_semaphore, #tpu.memory_space<semaphore_mem>>
      %dma_start3A_129 = arith.constant 0 : i32
      %dma_start3A_130 = tpu.memref_slice %arg5[%arg0, %mul3A_127, %dma_start3A_129] : memref<2x10240x64xf32, #tpu.memory_space<hbm>> -> memref<1x640x64xf32, #tpu.memory_space<hbm>>
      %dma_start3A_131 = tpu.memref_squeeze %dma_start3A_130 : memref<1x640x64xf32, #tpu.memory_space<hbm>> -> memref<640x64xf32, #tpu.memory_space<hbm>>
      %dma_start3A_132 = arith.constant 0 : i32
      %dma_start3A_133 = tpu.memref_slice %arg10[%mul3A_125, %dma_start3A_132] : memref<10240x64xf32, #tpu.memory_space<vmem_shared>> -> memref<640x64xf32, #tpu.memory_space<vmem_shared>>
      tpu.enqueue_dma source(%dma_start3A_133 : memref<640x64xf32, #tpu.memory_space<vmem_shared>>) target(%dma_start3A_131 : memref<640x64xf32, #tpu.memory_space<hbm>>) target_semaphore(%run_scoped3A_128 : memref<!tpu.dma_semaphore, #tpu.memory_space<semaphore_mem>>)
      %dma_wait3A_134 = arith.constant 0 : i32
      %dma_wait3A_135 = tpu.memref_slice %arg5[%arg0, %mul3A_127, %dma_wait3A_134] : memref<2x10240x64xf32, #tpu.memory_space<hbm>> -> memref<1x640x64xf32, #tpu.memory_space<hbm>>
      %dma_wait3A_136 = tpu.memref_squeeze %dma_wait3A_135 : memref<1x640x64xf32, #tpu.memory_space<hbm>> -> memref<640x64xf32, #tpu.memory_space<hbm>>
      %dma_wait3A_137 = arith.constant 0 : i32
      %dma_wait3A_138 = tpu.memref_slice %arg10[%mul3A_125, %dma_wait3A_137] : memref<10240x64xf32, #tpu.memory_space<vmem_shared>> -> memref<640x64xf32, #tpu.memory_space<vmem_shared>>
      tpu.wait_dma2 semaphore(%run_scoped3A_128 : memref<!tpu.dma_semaphore, #tpu.memory_space<semaphore_mem>>) src(%dma_wait3A_138 : memref<640x64xf32, #tpu.memory_space<vmem_shared>>) dst(%dma_wait3A_136 : memref<640x64xf32, #tpu.memory_space<hbm>>)
      tpu.yield
    }) : () -> ()
    return
  }
}

#map = affine_map<(d0, d1) -> (0, 0, 0, 0)>
#map1 = affine_map<(d0, d1) -> (0, 0, 0)>
module attributes {stable_mosaic.version = 14 : i64} {
  func.func @_deg_body(%arg0: i32, %arg1: i32, %arg2: memref<2x32x80x125xi32, #tpu.memory_space<hbm>>, %arg3: memref<2x10240x16xf32, #tpu.memory_space<hbm>>, %arg4: memref<80x125xi32, #tpu.memory_space<vmem>>, %arg5: memref<10240xf32, #tpu.memory_space<vmem>>, %arg6: memref<16x640xf32, #tpu.memory_space<vmem>>, %arg7: memref<640x16xf32, #tpu.memory_space<vmem>>, %arg8: memref<16x10240xf32, #tpu.memory_space<vmem_shared>>) attributes {dimension_semantics = [#tpu.dimension_semantics<core_parallel>, #tpu.dimension_semantics<subcore_parallel>], iteration_bounds = array<i64: 2, 16>, scalar_prefetch = 0 : i64, scratch_operands = 5 : i64, tpu.core_type = #tpu.core_type<sc_vector_subcore>, window_params = [{transform_indices = #map}, {transform_indices = #map1}]} {
    %mul3A = arith.constant 16 : i32
    %mul3A_0 = arith.muli %arg0, %mul3A : i32
    %add3A = arith.addi %mul3A_0, %arg1 : i32
    %run_scoped3A = arith.constant 1 : i32
    "tpu.region"() ({
      %run_scoped3A_82 = tpu.sem_alloc : memref<!tpu.dma_semaphore, #tpu.memory_space<semaphore_mem>>
      %dma_start3A = arith.constant 0 : i32
      %dma_start3A_83 = arith.constant 0 : i32
      %dma_start3A_84 = tpu.memref_slice %arg2[%run_scoped3A, %add3A, %dma_start3A, %dma_start3A_83] : memref<2x32x80x125xi32, #tpu.memory_space<hbm>> -> memref<1x1x80x125xi32, #tpu.memory_space<hbm>>
      %dma_start3A_85 = tpu.memref_squeeze %dma_start3A_84 : memref<1x1x80x125xi32, #tpu.memory_space<hbm>> -> memref<80x125xi32, #tpu.memory_space<hbm>>
      %dma_start3A_86 = arith.constant 0 : i32
      %dma_start3A_87 = arith.constant 0 : i32
      %dma_start3A_88 = tpu.memref_slice %arg2[%run_scoped3A, %add3A, %dma_start3A_86, %dma_start3A_87] : memref<2x32x80x125xi32, #tpu.memory_space<hbm>> -> memref<1x1x80x125xi32, #tpu.memory_space<hbm>>
      %dma_start3A_89 = tpu.memref_squeeze %dma_start3A_88 : memref<1x1x80x125xi32, #tpu.memory_space<hbm>> -> memref<80x125xi32, #tpu.memory_space<hbm>>
      tpu.enqueue_dma source(%dma_start3A_89 : memref<80x125xi32, #tpu.memory_space<hbm>>) target(%arg4 : memref<80x125xi32, #tpu.memory_space<vmem>>) target_semaphore(%run_scoped3A_82 : memref<!tpu.dma_semaphore, #tpu.memory_space<semaphore_mem>>)
      %dma_wait3A = arith.constant 0 : i32
      %dma_wait3A_90 = arith.constant 0 : i32
      %dma_wait3A_91 = tpu.memref_slice %arg2[%run_scoped3A, %add3A, %dma_wait3A, %dma_wait3A_90] : memref<2x32x80x125xi32, #tpu.memory_space<hbm>> -> memref<1x1x80x125xi32, #tpu.memory_space<hbm>>
      %dma_wait3A_92 = tpu.memref_squeeze %dma_wait3A_91 : memref<1x1x80x125xi32, #tpu.memory_space<hbm>> -> memref<80x125xi32, #tpu.memory_space<hbm>>
      %dma_wait3A_93 = arith.constant 0 : i32
      %dma_wait3A_94 = arith.constant 0 : i32
      %dma_wait3A_95 = tpu.memref_slice %arg2[%run_scoped3A, %add3A, %dma_wait3A_93, %dma_wait3A_94] : memref<2x32x80x125xi32, #tpu.memory_space<hbm>> -> memref<1x1x80x125xi32, #tpu.memory_space<hbm>>
      %dma_wait3A_96 = tpu.memref_squeeze %dma_wait3A_95 : memref<1x1x80x125xi32, #tpu.memory_space<hbm>> -> memref<80x125xi32, #tpu.memory_space<hbm>>
      tpu.wait_dma2 semaphore(%run_scoped3A_82 : memref<!tpu.dma_semaphore, #tpu.memory_space<semaphore_mem>>) src(%dma_wait3A_96 : memref<80x125xi32, #tpu.memory_space<hbm>>) dst(%arg4 : memref<80x125xi32, #tpu.memory_space<vmem>>)
      tpu.yield
    }) : () -> ()
    %scan3A = arith.constant 0 : i32
    %scan3A_1 = arith.constant 640 : i32
    %scan3A_2 = arith.addi %scan3A, %scan3A_1 : i32
    %scan3A_3 = arith.constant 1 : i32
    scf.for %scan3A_82 = %scan3A to %scan3A_2 step %scan3A_3  : i32 {
      %mul3A_83 = arith.constant 1 : i32
      %mul3A_84 = arith.muli %scan3A_82, %mul3A_83 : i32
      %add3A_85 = arith.constant 0 : i32
      %add3A_86 = arith.addi %add3A_85, %mul3A_84 : i32
      %broadcast_in_dim3A_87 = arith.constant 0.000000e+00 : f32
      %broadcast_in_dim3A_88 = vector.broadcast %broadcast_in_dim3A_87 : f32 to vector<16xf32>
      %mul3A_89 = arith.constant 16 : i32
      %mul3A_90 = arith.muli %add3A_86, %mul3A_89 : i32
      %swap3A = arith.index_cast %mul3A_90 : i32 to index
      %swap3A_91 = tpu.vector_load %arg5[%swap3A] {strides = array<i32>} : memref<10240xf32, #tpu.memory_space<vmem>>, vector<16xf32>,
      tpu.vector_store %arg5[%swap3A], %broadcast_in_dim3A_88 {strides = array<i32>} : memref<10240xf32, #tpu.memory_space<vmem>>, vector<16xf32>,
    }
    %scan3A_4 = arith.constant 640 : i32
    %broadcast_in_dim3A = arith.constant 1.000000e+00 : f32
    %broadcast_in_dim3A_5 = vector.broadcast %broadcast_in_dim3A : f32 to vector<16xf32>
    %scan3A_6 = arith.constant 0 : i32
    %scan3A_7 = arith.constant 80 : i32
    %scan3A_8 = arith.addi %scan3A_6, %scan3A_7 : i32
    %scan3A_9 = arith.constant 1 : i32
    scf.for %scan3A_82 = %scan3A_6 to %scan3A_8 step %scan3A_9  : i32 {
      %mul3A_83 = arith.constant 1 : i32
      %mul3A_84 = arith.muli %scan3A_82, %mul3A_83 : i32
      %add3A_85 = arith.constant 0 : i32
      %add3A_86 = arith.addi %add3A_85, %mul3A_84 : i32
      %get3A = arith.index_cast %add3A_86 : i32 to index
      %get3A_87 = arith.constant 0 : index
      %get3A_88 = tpu.vector_load %arg4[%get3A, %get3A_87] {strides = array<i32>} : memref<80x125xi32, #tpu.memory_space<vmem>>, vector<16xi32>,
      tpu.vector_store_idx %arg5[%get3A_88], %broadcast_in_dim3A_5 {add = true} : memref<10240xf32, #tpu.memory_space<vmem>>[vector<16xi32>], vector<16xf32>,
      %get3A_89 = arith.index_cast %add3A_86 : i32 to index
      %get3A_90 = arith.constant 16 : index
      %get3A_91 = tpu.vector_load %arg4[%get3A_89, %get3A_90] {strides = array<i32>} : memref<80x125xi32, #tpu.memory_space<vmem>>, vector<16xi32>,
      tpu.vector_store_idx %arg5[%get3A_91], %broadcast_in_dim3A_5 {add = true} : memref<10240xf32, #tpu.memory_space<vmem>>[vector<16xi32>], vector<16xf32>,
      %get3A_92 = arith.index_cast %add3A_86 : i32 to index
      %get3A_93 = arith.constant 32 : index
      %get3A_94 = tpu.vector_load %arg4[%get3A_92, %get3A_93] {strides = array<i32>} : memref<80x125xi32, #tpu.memory_space<vmem>>, vector<16xi32>,
      tpu.vector_store_idx %arg5[%get3A_94], %broadcast_in_dim3A_5 {add = true} : memref<10240xf32, #tpu.memory_space<vmem>>[vector<16xi32>], vector<16xf32>,
      %get3A_95 = arith.index_cast %add3A_86 : i32 to index
      %get3A_96 = arith.constant 48 : index
      %get3A_97 = tpu.vector_load %arg4[%get3A_95, %get3A_96] {strides = array<i32>} : memref<80x125xi32, #tpu.memory_space<vmem>>, vector<16xi32>,
      tpu.vector_store_idx %arg5[%get3A_97], %broadcast_in_dim3A_5 {add = true} : memref<10240xf32, #tpu.memory_space<vmem>>[vector<16xi32>], vector<16xf32>,
      %get3A_98 = arith.index_cast %add3A_86 : i32 to index
      %get3A_99 = arith.constant 64 : index
      %get3A_100 = tpu.vector_load %arg4[%get3A_98, %get3A_99] {strides = array<i32>} : memref<80x125xi32, #tpu.memory_space<vmem>>, vector<16xi32>,
      tpu.vector_store_idx %arg5[%get3A_100], %broadcast_in_dim3A_5 {add = true} : memref<10240xf32, #tpu.memory_space<vmem>>[vector<16xi32>], vector<16xf32>,
      %get3A_101 = arith.index_cast %add3A_86 : i32 to index
      %get3A_102 = arith.constant 80 : index
      %get3A_103 = tpu.vector_load %arg4[%get3A_101, %get3A_102] {strides = array<i32>} : memref<80x125xi32, #tpu.memory_space<vmem>>, vector<16xi32>,
      tpu.vector_store_idx %arg5[%get3A_103], %broadcast_in_dim3A_5 {add = true} : memref<10240xf32, #tpu.memory_space<vmem>>[vector<16xi32>], vector<16xf32>,
      %get3A_104 = arith.index_cast %add3A_86 : i32 to index
      %get3A_105 = arith.constant 96 : index
      %get3A_106 = tpu.vector_load %arg4[%get3A_104, %get3A_105] {strides = array<i32>} : memref<80x125xi32, #tpu.memory_space<vmem>>, vector<16xi32>,
      tpu.vector_store_idx %arg5[%get3A_106], %broadcast_in_dim3A_5 {add = true} : memref<10240xf32, #tpu.memory_space<vmem>>[vector<16xi32>], vector<16xf32>,
      %get3A_107 = arith.index_cast %add3A_86 : i32 to index
      %get3A_108 = arith.constant 109 : index
      %get3A_109 = tpu.vector_load %arg4[%get3A_107, %get3A_108] {strides = array<i32>} : memref<80x125xi32, #tpu.memory_space<vmem>>, vector<16xi32>,
      %iota3A = tpu.iota {dimensions = array<i32: 0>} : vector<16xi32>
      %ge3A = arith.constant 3 : i32
      %ge3A_110 = vector.broadcast %ge3A : i32 to vector<16xi32>
      %ge3A_111 = arith.cmpi sge, %iota3A, %ge3A_110 : vector<16xi32>
      tpu.vector_store_idx %arg5[%get3A_109], %broadcast_in_dim3A_5 masked %ge3A_111 {add = true} : memref<10240xf32, #tpu.memory_space<vmem>>[vector<16xi32>], vector<16xf32>, vector<16xi1>
    }
    %scan3A_10 = arith.constant 80 : i32
    "tpu.region"() ({
      %run_scoped3A_82 = tpu.sem_alloc : memref<!tpu.dma_semaphore, #tpu.memory_space<semaphore_mem>>
      %dma_start3A = arith.constant 0 : i32
      %dma_start3A_83 = tpu.memref_slice %arg8[%arg1, %dma_start3A] : memref<16x10240xf32, #tpu.memory_space<vmem_shared>> -> memref<1x10240xf32, #tpu.memory_space<vmem_shared>>
      %dma_start3A_84 = tpu.memref_squeeze %dma_start3A_83 : memref<1x10240xf32, #tpu.memory_space<vmem_shared>> -> memref<10240xf32, #tpu.memory_space<vmem_shared>>
      %dma_start3A_85 = arith.constant 0 : i32
      %dma_start3A_86 = tpu.memref_slice %arg8[%arg1, %dma_start3A_85] : memref<16x10240xf32, #tpu.memory_space<vmem_shared>> -> memref<1x10240xf32, #tpu.memory_space<vmem_shared>>
      %dma_start3A_87 = tpu.memref_squeeze %dma_start3A_86 : memref<1x10240xf32, #tpu.memory_space<vmem_shared>> -> memref<10240xf32, #tpu.memory_space<vmem_shared>>
      tpu.enqueue_dma source(%arg5 : memref<10240xf32, #tpu.memory_space<vmem>>) target(%dma_start3A_87 : memref<10240xf32, #tpu.memory_space<vmem_shared>>) target_semaphore(%run_scoped3A_82 : memref<!tpu.dma_semaphore, #tpu.memory_space<semaphore_mem>>)
      %dma_wait3A = arith.constant 0 : i32
      %dma_wait3A_88 = tpu.memref_slice %arg8[%arg1, %dma_wait3A] : memref<16x10240xf32, #tpu.memory_space<vmem_shared>> -> memref<1x10240xf32, #tpu.memory_space<vmem_shared>>
      %dma_wait3A_89 = tpu.memref_squeeze %dma_wait3A_88 : memref<1x10240xf32, #tpu.memory_space<vmem_shared>> -> memref<10240xf32, #tpu.memory_space<vmem_shared>>
      %dma_wait3A_90 = arith.constant 0 : i32
      %dma_wait3A_91 = tpu.memref_slice %arg8[%arg1, %dma_wait3A_90] : memref<16x10240xf32, #tpu.memory_space<vmem_shared>> -> memref<1x10240xf32, #tpu.memory_space<vmem_shared>>
      %dma_wait3A_92 = tpu.memref_squeeze %dma_wait3A_91 : memref<1x10240xf32, #tpu.memory_space<vmem_shared>> -> memref<10240xf32, #tpu.memory_space<vmem_shared>>
      tpu.wait_dma2 semaphore(%run_scoped3A_82 : memref<!tpu.dma_semaphore, #tpu.memory_space<semaphore_mem>>) src(%arg5 : memref<10240xf32, #tpu.memory_space<vmem>>) dst(%dma_wait3A_92 : memref<10240xf32, #tpu.memory_space<vmem_shared>>)
      tpu.yield
    }) : () -> ()
    %barrier3A = arith.constant 0 : index
    tpu.barrier barrier_id(%barrier3A)
    %mul3A_11 = arith.constant 640 : i32
    %mul3A_12 = arith.muli %arg1, %mul3A_11 : i32
    %run_scoped3A_13 = arith.constant 0 : i32
    %run_scoped3A_14 = arith.constant 0 : i32
    "tpu.region"() ({
      %run_scoped3A_82 = tpu.sem_alloc : memref<!tpu.dma_semaphore, #tpu.memory_space<semaphore_mem>>
      %dma_start3A = arith.constant 0 : i32
      %dma_start3A_83 = tpu.memref_slice %arg6[%run_scoped3A_14, %dma_start3A] : memref<16x640xf32, #tpu.memory_space<vmem>> -> memref<1x640xf32, #tpu.memory_space<vmem>>
      %dma_start3A_84 = tpu.memref_squeeze %dma_start3A_83 : memref<1x640xf32, #tpu.memory_space<vmem>> -> memref<640xf32, #tpu.memory_space<vmem>>
      %dma_start3A_85 = tpu.memref_slice %arg8[%run_scoped3A_13, %mul3A_12] : memref<16x10240xf32, #tpu.memory_space<vmem_shared>> -> memref<1x640xf32, #tpu.memory_space<vmem_shared>>
      %dma_start3A_86 = tpu.memref_squeeze %dma_start3A_85 : memref<1x640xf32, #tpu.memory_space<vmem_shared>> -> memref<640xf32, #tpu.memory_space<vmem_shared>>
      %dma_start3A_87 = arith.constant 0 : i32
      %dma_start3A_88 = tpu.memref_slice %arg6[%run_scoped3A_14, %dma_start3A_87] : memref<16x640xf32, #tpu.memory_space<vmem>> -> memref<1x640xf32, #tpu.memory_space<vmem>>
      %dma_start3A_89 = tpu.memref_squeeze %dma_start3A_88 : memref<1x640xf32, #tpu.memory_space<vmem>> -> memref<640xf32, #tpu.memory_space<vmem>>
      %dma_start3A_90 = tpu.memref_slice %arg8[%run_scoped3A_13, %mul3A_12] : memref<16x10240xf32, #tpu.memory_space<vmem_shared>> -> memref<1x640xf32, #tpu.memory_space<vmem_shared>>
      %dma_start3A_91 = tpu.memref_squeeze %dma_start3A_90 : memref<1x640xf32, #tpu.memory_space<vmem_shared>> -> memref<640xf32, #tpu.memory_space<vmem_shared>>
      tpu.enqueue_dma source(%dma_start3A_91 : memref<640xf32, #tpu.memory_space<vmem_shared>>) target(%dma_start3A_89 : memref<640xf32, #tpu.memory_space<vmem>>) target_semaphore(%run_scoped3A_82 : memref<!tpu.dma_semaphore, #tpu.memory_space<semaphore_mem>>)
      %dma_wait3A = arith.constant 0 : i32
      %dma_wait3A_92 = tpu.memref_slice %arg6[%run_scoped3A_14, %dma_wait3A] : memref<16x640xf32, #tpu.memory_space<vmem>> -> memref<1x640xf32, #tpu.memory_space<vmem>>
      %dma_wait3A_93 = tpu.memref_squeeze %dma_wait3A_92 : memref<1x640xf32, #tpu.memory_space<vmem>> -> memref<640xf32, #tpu.memory_space<vmem>>
      %dma_wait3A_94 = tpu.memref_slice %arg8[%run_scoped3A_13, %mul3A_12] : memref<16x10240xf32, #tpu.memory_space<vmem_shared>> -> memref<1x640xf32, #tpu.memory_space<vmem_shared>>
      %dma_wait3A_95 = tpu.memref_squeeze %dma_wait3A_94 : memref<1x640xf32, #tpu.memory_space<vmem_shared>> -> memref<640xf32, #tpu.memory_space<vmem_shared>>
      %dma_wait3A_96 = arith.constant 0 : i32
      %dma_wait3A_97 = tpu.memref_slice %arg6[%run_scoped3A_14, %dma_wait3A_96] : memref<16x640xf32, #tpu.memory_space<vmem>> -> memref<1x640xf32, #tpu.memory_space<vmem>>
      %dma_wait3A_98 = tpu.memref_squeeze %dma_wait3A_97 : memref<1x640xf32, #tpu.memory_space<vmem>> -> memref<640xf32, #tpu.memory_space<vmem>>
      %dma_wait3A_99 = tpu.memref_slice %arg8[%run_scoped3A_13, %mul3A_12] : memref<16x10240xf32, #tpu.memory_space<vmem_shared>> -> memref<1x640xf32, #tpu.memory_space<vmem_shared>>
      %dma_wait3A_100 = tpu.memref_squeeze %dma_wait3A_99 : memref<1x640xf32, #tpu.memory_space<vmem_shared>> -> memref<640xf32, #tpu.memory_space<vmem_shared>>
      tpu.wait_dma2 semaphore(%run_scoped3A_82 : memref<!tpu.dma_semaphore, #tpu.memory_space<semaphore_mem>>) src(%dma_wait3A_100 : memref<640xf32, #tpu.memory_space<vmem_shared>>) dst(%dma_wait3A_98 : memref<640xf32, #tpu.memory_space<vmem>>)
      tpu.yield
    }) : () -> ()
    %mul3A_15 = arith.constant 640 : i32
    %mul3A_16 = arith.muli %arg1, %mul3A_15 : i32
    %run_scoped3A_17 = arith.constant 1 : i32
    %run_scoped3A_18 = arith.constant 1 : i32
    "tpu.region"() ({
      %run_scoped3A_82 = tpu.sem_alloc : memref<!tpu.dma_semaphore, #tpu.memory_space<semaphore_mem>>
      %dma_start3A = arith.constant 0 : i32
      %dma_start3A_83 = tpu.memref_slice %arg6[%run_scoped3A_18, %dma_start3A] : memref<16x640xf32, #tpu.memory_space<vmem>> -> memref<1x640xf32, #tpu.memory_space<vmem>>
      %dma_start3A_84 = tpu.memref_squeeze %dma_start3A_83 : memref<1x640xf32, #tpu.memory_space<vmem>> -> memref<640xf32, #tpu.memory_space<vmem>>
      %dma_start3A_85 = tpu.memref_slice %arg8[%run_scoped3A_17, %mul3A_16] : memref<16x10240xf32, #tpu.memory_space<vmem_shared>> -> memref<1x640xf32, #tpu.memory_space<vmem_shared>>
      %dma_start3A_86 = tpu.memref_squeeze %dma_start3A_85 : memref<1x640xf32, #tpu.memory_space<vmem_shared>> -> memref<640xf32, #tpu.memory_space<vmem_shared>>
      %dma_start3A_87 = arith.constant 0 : i32
      %dma_start3A_88 = tpu.memref_slice %arg6[%run_scoped3A_18, %dma_start3A_87] : memref<16x640xf32, #tpu.memory_space<vmem>> -> memref<1x640xf32, #tpu.memory_space<vmem>>
      %dma_start3A_89 = tpu.memref_squeeze %dma_start3A_88 : memref<1x640xf32, #tpu.memory_space<vmem>> -> memref<640xf32, #tpu.memory_space<vmem>>
      %dma_start3A_90 = tpu.memref_slice %arg8[%run_scoped3A_17, %mul3A_16] : memref<16x10240xf32, #tpu.memory_space<vmem_shared>> -> memref<1x640xf32, #tpu.memory_space<vmem_shared>>
      %dma_start3A_91 = tpu.memref_squeeze %dma_start3A_90 : memref<1x640xf32, #tpu.memory_space<vmem_shared>> -> memref<640xf32, #tpu.memory_space<vmem_shared>>
      tpu.enqueue_dma source(%dma_start3A_91 : memref<640xf32, #tpu.memory_space<vmem_shared>>) target(%dma_start3A_89 : memref<640xf32, #tpu.memory_space<vmem>>) target_semaphore(%run_scoped3A_82 : memref<!tpu.dma_semaphore, #tpu.memory_space<semaphore_mem>>)
      %dma_wait3A = arith.constant 0 : i32
      %dma_wait3A_92 = tpu.memref_slice %arg6[%run_scoped3A_18, %dma_wait3A] : memref<16x640xf32, #tpu.memory_space<vmem>> -> memref<1x640xf32, #tpu.memory_space<vmem>>
      %dma_wait3A_93 = tpu.memref_squeeze %dma_wait3A_92 : memref<1x640xf32, #tpu.memory_space<vmem>> -> memref<640xf32, #tpu.memory_space<vmem>>
      %dma_wait3A_94 = tpu.memref_slice %arg8[%run_scoped3A_17, %mul3A_16] : memref<16x10240xf32, #tpu.memory_space<vmem_shared>> -> memref<1x640xf32, #tpu.memory_space<vmem_shared>>
      %dma_wait3A_95 = tpu.memref_squeeze %dma_wait3A_94 : memref<1x640xf32, #tpu.memory_space<vmem_shared>> -> memref<640xf32, #tpu.memory_space<vmem_shared>>
      %dma_wait3A_96 = arith.constant 0 : i32
      %dma_wait3A_97 = tpu.memref_slice %arg6[%run_scoped3A_18, %dma_wait3A_96] : memref<16x640xf32, #tpu.memory_space<vmem>> -> memref<1x640xf32, #tpu.memory_space<vmem>>
      %dma_wait3A_98 = tpu.memref_squeeze %dma_wait3A_97 : memref<1x640xf32, #tpu.memory_space<vmem>> -> memref<640xf32, #tpu.memory_space<vmem>>
      %dma_wait3A_99 = tpu.memref_slice %arg8[%run_scoped3A_17, %mul3A_16] : memref<16x10240xf32, #tpu.memory_space<vmem_shared>> -> memref<1x640xf32, #tpu.memory_space<vmem_shared>>
      %dma_wait3A_100 = tpu.memref_squeeze %dma_wait3A_99 : memref<1x640xf32, #tpu.memory_space<vmem_shared>> -> memref<640xf32, #tpu.memory_space<vmem_shared>>
      tpu.wait_dma2 semaphore(%run_scoped3A_82 : memref<!tpu.dma_semaphore, #tpu.memory_space<semaphore_mem>>) src(%dma_wait3A_100 : memref<640xf32, #tpu.memory_space<vmem_shared>>) dst(%dma_wait3A_98 : memref<640xf32, #tpu.memory_space<vmem>>)
      tpu.yield
    }) : () -> ()
    %mul3A_19 = arith.constant 640 : i32
    %mul3A_20 = arith.muli %arg1, %mul3A_19 : i32
    %run_scoped3A_21 = arith.constant 2 : i32
    %run_scoped3A_22 = arith.constant 2 : i32
    "tpu.region"() ({
      %run_scoped3A_82 = tpu.sem_alloc : memref<!tpu.dma_semaphore, #tpu.memory_space<semaphore_mem>>
      %dma_start3A = arith.constant 0 : i32
      %dma_start3A_83 = tpu.memref_slice %arg6[%run_scoped3A_22, %dma_start3A] : memref<16x640xf32, #tpu.memory_space<vmem>> -> memref<1x640xf32, #tpu.memory_space<vmem>>
      %dma_start3A_84 = tpu.memref_squeeze %dma_start3A_83 : memref<1x640xf32, #tpu.memory_space<vmem>> -> memref<640xf32, #tpu.memory_space<vmem>>
      %dma_start3A_85 = tpu.memref_slice %arg8[%run_scoped3A_21, %mul3A_20] : memref<16x10240xf32, #tpu.memory_space<vmem_shared>> -> memref<1x640xf32, #tpu.memory_space<vmem_shared>>
      %dma_start3A_86 = tpu.memref_squeeze %dma_start3A_85 : memref<1x640xf32, #tpu.memory_space<vmem_shared>> -> memref<640xf32, #tpu.memory_space<vmem_shared>>
      %dma_start3A_87 = arith.constant 0 : i32
      %dma_start3A_88 = tpu.memref_slice %arg6[%run_scoped3A_22, %dma_start3A_87] : memref<16x640xf32, #tpu.memory_space<vmem>> -> memref<1x640xf32, #tpu.memory_space<vmem>>
      %dma_start3A_89 = tpu.memref_squeeze %dma_start3A_88 : memref<1x640xf32, #tpu.memory_space<vmem>> -> memref<640xf32, #tpu.memory_space<vmem>>
      %dma_start3A_90 = tpu.memref_slice %arg8[%run_scoped3A_21, %mul3A_20] : memref<16x10240xf32, #tpu.memory_space<vmem_shared>> -> memref<1x640xf32, #tpu.memory_space<vmem_shared>>
      %dma_start3A_91 = tpu.memref_squeeze %dma_start3A_90 : memref<1x640xf32, #tpu.memory_space<vmem_shared>> -> memref<640xf32, #tpu.memory_space<vmem_shared>>
      tpu.enqueue_dma source(%dma_start3A_91 : memref<640xf32, #tpu.memory_space<vmem_shared>>) target(%dma_start3A_89 : memref<640xf32, #tpu.memory_space<vmem>>) target_semaphore(%run_scoped3A_82 : memref<!tpu.dma_semaphore, #tpu.memory_space<semaphore_mem>>)
      %dma_wait3A = arith.constant 0 : i32
      %dma_wait3A_92 = tpu.memref_slice %arg6[%run_scoped3A_22, %dma_wait3A] : memref<16x640xf32, #tpu.memory_space<vmem>> -> memref<1x640xf32, #tpu.memory_space<vmem>>
      %dma_wait3A_93 = tpu.memref_squeeze %dma_wait3A_92 : memref<1x640xf32, #tpu.memory_space<vmem>> -> memref<640xf32, #tpu.memory_space<vmem>>
      %dma_wait3A_94 = tpu.memref_slice %arg8[%run_scoped3A_21, %mul3A_20] : memref<16x10240xf32, #tpu.memory_space<vmem_shared>> -> memref<1x640xf32, #tpu.memory_space<vmem_shared>>
      %dma_wait3A_95 = tpu.memref_squeeze %dma_wait3A_94 : memref<1x640xf32, #tpu.memory_space<vmem_shared>> -> memref<640xf32, #tpu.memory_space<vmem_shared>>
      %dma_wait3A_96 = arith.constant 0 : i32
      %dma_wait3A_97 = tpu.memref_slice %arg6[%run_scoped3A_22, %dma_wait3A_96] : memref<16x640xf32, #tpu.memory_space<vmem>> -> memref<1x640xf32, #tpu.memory_space<vmem>>
      %dma_wait3A_98 = tpu.memref_squeeze %dma_wait3A_97 : memref<1x640xf32, #tpu.memory_space<vmem>> -> memref<640xf32, #tpu.memory_space<vmem>>
      %dma_wait3A_99 = tpu.memref_slice %arg8[%run_scoped3A_21, %mul3A_20] : memref<16x10240xf32, #tpu.memory_space<vmem_shared>> -> memref<1x640xf32, #tpu.memory_space<vmem_shared>>
      %dma_wait3A_100 = tpu.memref_squeeze %dma_wait3A_99 : memref<1x640xf32, #tpu.memory_space<vmem_shared>> -> memref<640xf32, #tpu.memory_space<vmem_shared>>
      tpu.wait_dma2 semaphore(%run_scoped3A_82 : memref<!tpu.dma_semaphore, #tpu.memory_space<semaphore_mem>>) src(%dma_wait3A_100 : memref<640xf32, #tpu.memory_space<vmem_shared>>) dst(%dma_wait3A_98 : memref<640xf32, #tpu.memory_space<vmem>>)
      tpu.yield
    }) : () -> ()
    %mul3A_23 = arith.constant 640 : i32
    %mul3A_24 = arith.muli %arg1, %mul3A_23 : i32
    %run_scoped3A_25 = arith.constant 3 : i32
    %run_scoped3A_26 = arith.constant 3 : i32
    "tpu.region"() ({
      %run_scoped3A_82 = tpu.sem_alloc : memref<!tpu.dma_semaphore, #tpu.memory_space<semaphore_mem>>
      %dma_start3A = arith.constant 0 : i32
      %dma_start3A_83 = tpu.memref_slice %arg6[%run_scoped3A_26, %dma_start3A] : memref<16x640xf32, #tpu.memory_space<vmem>> -> memref<1x640xf32, #tpu.memory_space<vmem>>
      %dma_start3A_84 = tpu.memref_squeeze %dma_start3A_83 : memref<1x640xf32, #tpu.memory_space<vmem>> -> memref<640xf32, #tpu.memory_space<vmem>>
      %dma_start3A_85 = tpu.memref_slice %arg8[%run_scoped3A_25, %mul3A_24] : memref<16x10240xf32, #tpu.memory_space<vmem_shared>> -> memref<1x640xf32, #tpu.memory_space<vmem_shared>>
      %dma_start3A_86 = tpu.memref_squeeze %dma_start3A_85 : memref<1x640xf32, #tpu.memory_space<vmem_shared>> -> memref<640xf32, #tpu.memory_space<vmem_shared>>
      %dma_start3A_87 = arith.constant 0 : i32
      %dma_start3A_88 = tpu.memref_slice %arg6[%run_scoped3A_26, %dma_start3A_87] : memref<16x640xf32, #tpu.memory_space<vmem>> -> memref<1x640xf32, #tpu.memory_space<vmem>>
      %dma_start3A_89 = tpu.memref_squeeze %dma_start3A_88 : memref<1x640xf32, #tpu.memory_space<vmem>> -> memref<640xf32, #tpu.memory_space<vmem>>
      %dma_start3A_90 = tpu.memref_slice %arg8[%run_scoped3A_25, %mul3A_24] : memref<16x10240xf32, #tpu.memory_space<vmem_shared>> -> memref<1x640xf32, #tpu.memory_space<vmem_shared>>
      %dma_start3A_91 = tpu.memref_squeeze %dma_start3A_90 : memref<1x640xf32, #tpu.memory_space<vmem_shared>> -> memref<640xf32, #tpu.memory_space<vmem_shared>>
      tpu.enqueue_dma source(%dma_start3A_91 : memref<640xf32, #tpu.memory_space<vmem_shared>>) target(%dma_start3A_89 : memref<640xf32, #tpu.memory_space<vmem>>) target_semaphore(%run_scoped3A_82 : memref<!tpu.dma_semaphore, #tpu.memory_space<semaphore_mem>>)
      %dma_wait3A = arith.constant 0 : i32
      %dma_wait3A_92 = tpu.memref_slice %arg6[%run_scoped3A_26, %dma_wait3A] : memref<16x640xf32, #tpu.memory_space<vmem>> -> memref<1x640xf32, #tpu.memory_space<vmem>>
      %dma_wait3A_93 = tpu.memref_squeeze %dma_wait3A_92 : memref<1x640xf32, #tpu.memory_space<vmem>> -> memref<640xf32, #tpu.memory_space<vmem>>
      %dma_wait3A_94 = tpu.memref_slice %arg8[%run_scoped3A_25, %mul3A_24] : memref<16x10240xf32, #tpu.memory_space<vmem_shared>> -> memref<1x640xf32, #tpu.memory_space<vmem_shared>>
      %dma_wait3A_95 = tpu.memref_squeeze %dma_wait3A_94 : memref<1x640xf32, #tpu.memory_space<vmem_shared>> -> memref<640xf32, #tpu.memory_space<vmem_shared>>
      %dma_wait3A_96 = arith.constant 0 : i32
      %dma_wait3A_97 = tpu.memref_slice %arg6[%run_scoped3A_26, %dma_wait3A_96] : memref<16x640xf32, #tpu.memory_space<vmem>> -> memref<1x640xf32, #tpu.memory_space<vmem>>
      %dma_wait3A_98 = tpu.memref_squeeze %dma_wait3A_97 : memref<1x640xf32, #tpu.memory_space<vmem>> -> memref<640xf32, #tpu.memory_space<vmem>>
      %dma_wait3A_99 = tpu.memref_slice %arg8[%run_scoped3A_25, %mul3A_24] : memref<16x10240xf32, #tpu.memory_space<vmem_shared>> -> memref<1x640xf32, #tpu.memory_space<vmem_shared>>
      %dma_wait3A_100 = tpu.memref_squeeze %dma_wait3A_99 : memref<1x640xf32, #tpu.memory_space<vmem_shared>> -> memref<640xf32, #tpu.memory_space<vmem_shared>>
      tpu.wait_dma2 semaphore(%run_scoped3A_82 : memref<!tpu.dma_semaphore, #tpu.memory_space<semaphore_mem>>) src(%dma_wait3A_100 : memref<640xf32, #tpu.memory_space<vmem_shared>>) dst(%dma_wait3A_98 : memref<640xf32, #tpu.memory_space<vmem>>)
      tpu.yield
    }) : () -> ()
    %mul3A_27 = arith.constant 640 : i32
    %mul3A_28 = arith.muli %arg1, %mul3A_27 : i32
    %run_scoped3A_29 = arith.constant 4 : i32
    %run_scoped3A_30 = arith.constant 4 : i32
    "tpu.region"() ({
      %run_scoped3A_82 = tpu.sem_alloc : memref<!tpu.dma_semaphore, #tpu.memory_space<semaphore_mem>>
      %dma_start3A = arith.constant 0 : i32
      %dma_start3A_83 = tpu.memref_slice %arg6[%run_scoped3A_30, %dma_start3A] : memref<16x640xf32, #tpu.memory_space<vmem>> -> memref<1x640xf32, #tpu.memory_space<vmem>>
      %dma_start3A_84 = tpu.memref_squeeze %dma_start3A_83 : memref<1x640xf32, #tpu.memory_space<vmem>> -> memref<640xf32, #tpu.memory_space<vmem>>
      %dma_start3A_85 = tpu.memref_slice %arg8[%run_scoped3A_29, %mul3A_28] : memref<16x10240xf32, #tpu.memory_space<vmem_shared>> -> memref<1x640xf32, #tpu.memory_space<vmem_shared>>
      %dma_start3A_86 = tpu.memref_squeeze %dma_start3A_85 : memref<1x640xf32, #tpu.memory_space<vmem_shared>> -> memref<640xf32, #tpu.memory_space<vmem_shared>>
      %dma_start3A_87 = arith.constant 0 : i32
      %dma_start3A_88 = tpu.memref_slice %arg6[%run_scoped3A_30, %dma_start3A_87] : memref<16x640xf32, #tpu.memory_space<vmem>> -> memref<1x640xf32, #tpu.memory_space<vmem>>
      %dma_start3A_89 = tpu.memref_squeeze %dma_start3A_88 : memref<1x640xf32, #tpu.memory_space<vmem>> -> memref<640xf32, #tpu.memory_space<vmem>>
      %dma_start3A_90 = tpu.memref_slice %arg8[%run_scoped3A_29, %mul3A_28] : memref<16x10240xf32, #tpu.memory_space<vmem_shared>> -> memref<1x640xf32, #tpu.memory_space<vmem_shared>>
      %dma_start3A_91 = tpu.memref_squeeze %dma_start3A_90 : memref<1x640xf32, #tpu.memory_space<vmem_shared>> -> memref<640xf32, #tpu.memory_space<vmem_shared>>
      tpu.enqueue_dma source(%dma_start3A_91 : memref<640xf32, #tpu.memory_space<vmem_shared>>) target(%dma_start3A_89 : memref<640xf32, #tpu.memory_space<vmem>>) target_semaphore(%run_scoped3A_82 : memref<!tpu.dma_semaphore, #tpu.memory_space<semaphore_mem>>)
      %dma_wait3A = arith.constant 0 : i32
      %dma_wait3A_92 = tpu.memref_slice %arg6[%run_scoped3A_30, %dma_wait3A] : memref<16x640xf32, #tpu.memory_space<vmem>> -> memref<1x640xf32, #tpu.memory_space<vmem>>
      %dma_wait3A_93 = tpu.memref_squeeze %dma_wait3A_92 : memref<1x640xf32, #tpu.memory_space<vmem>> -> memref<640xf32, #tpu.memory_space<vmem>>
      %dma_wait3A_94 = tpu.memref_slice %arg8[%run_scoped3A_29, %mul3A_28] : memref<16x10240xf32, #tpu.memory_space<vmem_shared>> -> memref<1x640xf32, #tpu.memory_space<vmem_shared>>
      %dma_wait3A_95 = tpu.memref_squeeze %dma_wait3A_94 : memref<1x640xf32, #tpu.memory_space<vmem_shared>> -> memref<640xf32, #tpu.memory_space<vmem_shared>>
      %dma_wait3A_96 = arith.constant 0 : i32
      %dma_wait3A_97 = tpu.memref_slice %arg6[%run_scoped3A_30, %dma_wait3A_96] : memref<16x640xf32, #tpu.memory_space<vmem>> -> memref<1x640xf32, #tpu.memory_space<vmem>>
      %dma_wait3A_98 = tpu.memref_squeeze %dma_wait3A_97 : memref<1x640xf32, #tpu.memory_space<vmem>> -> memref<640xf32, #tpu.memory_space<vmem>>
      %dma_wait3A_99 = tpu.memref_slice %arg8[%run_scoped3A_29, %mul3A_28] : memref<16x10240xf32, #tpu.memory_space<vmem_shared>> -> memref<1x640xf32, #tpu.memory_space<vmem_shared>>
      %dma_wait3A_100 = tpu.memref_squeeze %dma_wait3A_99 : memref<1x640xf32, #tpu.memory_space<vmem_shared>> -> memref<640xf32, #tpu.memory_space<vmem_shared>>
      tpu.wait_dma2 semaphore(%run_scoped3A_82 : memref<!tpu.dma_semaphore, #tpu.memory_space<semaphore_mem>>) src(%dma_wait3A_100 : memref<640xf32, #tpu.memory_space<vmem_shared>>) dst(%dma_wait3A_98 : memref<640xf32, #tpu.memory_space<vmem>>)
      tpu.yield
    }) : () -> ()
    %mul3A_31 = arith.constant 640 : i32
    %mul3A_32 = arith.muli %arg1, %mul3A_31 : i32
    %run_scoped3A_33 = arith.constant 5 : i32
    %run_scoped3A_34 = arith.constant 5 : i32
    "tpu.region"() ({
      %run_scoped3A_82 = tpu.sem_alloc : memref<!tpu.dma_semaphore, #tpu.memory_space<semaphore_mem>>
      %dma_start3A = arith.constant 0 : i32
      %dma_start3A_83 = tpu.memref_slice %arg6[%run_scoped3A_34, %dma_start3A] : memref<16x640xf32, #tpu.memory_space<vmem>> -> memref<1x640xf32, #tpu.memory_space<vmem>>
      %dma_start3A_84 = tpu.memref_squeeze %dma_start3A_83 : memref<1x640xf32, #tpu.memory_space<vmem>> -> memref<640xf32, #tpu.memory_space<vmem>>
      %dma_start3A_85 = tpu.memref_slice %arg8[%run_scoped3A_33, %mul3A_32] : memref<16x10240xf32, #tpu.memory_space<vmem_shared>> -> memref<1x640xf32, #tpu.memory_space<vmem_shared>>
      %dma_start3A_86 = tpu.memref_squeeze %dma_start3A_85 : memref<1x640xf32, #tpu.memory_space<vmem_shared>> -> memref<640xf32, #tpu.memory_space<vmem_shared>>
      %dma_start3A_87 = arith.constant 0 : i32
      %dma_start3A_88 = tpu.memref_slice %arg6[%run_scoped3A_34, %dma_start3A_87] : memref<16x640xf32, #tpu.memory_space<vmem>> -> memref<1x640xf32, #tpu.memory_space<vmem>>
      %dma_start3A_89 = tpu.memref_squeeze %dma_start3A_88 : memref<1x640xf32, #tpu.memory_space<vmem>> -> memref<640xf32, #tpu.memory_space<vmem>>
      %dma_start3A_90 = tpu.memref_slice %arg8[%run_scoped3A_33, %mul3A_32] : memref<16x10240xf32, #tpu.memory_space<vmem_shared>> -> memref<1x640xf32, #tpu.memory_space<vmem_shared>>
      %dma_start3A_91 = tpu.memref_squeeze %dma_start3A_90 : memref<1x640xf32, #tpu.memory_space<vmem_shared>> -> memref<640xf32, #tpu.memory_space<vmem_shared>>
      tpu.enqueue_dma source(%dma_start3A_91 : memref<640xf32, #tpu.memory_space<vmem_shared>>) target(%dma_start3A_89 : memref<640xf32, #tpu.memory_space<vmem>>) target_semaphore(%run_scoped3A_82 : memref<!tpu.dma_semaphore, #tpu.memory_space<semaphore_mem>>)
      %dma_wait3A = arith.constant 0 : i32
      %dma_wait3A_92 = tpu.memref_slice %arg6[%run_scoped3A_34, %dma_wait3A] : memref<16x640xf32, #tpu.memory_space<vmem>> -> memref<1x640xf32, #tpu.memory_space<vmem>>
      %dma_wait3A_93 = tpu.memref_squeeze %dma_wait3A_92 : memref<1x640xf32, #tpu.memory_space<vmem>> -> memref<640xf32, #tpu.memory_space<vmem>>
      %dma_wait3A_94 = tpu.memref_slice %arg8[%run_scoped3A_33, %mul3A_32] : memref<16x10240xf32, #tpu.memory_space<vmem_shared>> -> memref<1x640xf32, #tpu.memory_space<vmem_shared>>
      %dma_wait3A_95 = tpu.memref_squeeze %dma_wait3A_94 : memref<1x640xf32, #tpu.memory_space<vmem_shared>> -> memref<640xf32, #tpu.memory_space<vmem_shared>>
      %dma_wait3A_96 = arith.constant 0 : i32
      %dma_wait3A_97 = tpu.memref_slice %arg6[%run_scoped3A_34, %dma_wait3A_96] : memref<16x640xf32, #tpu.memory_space<vmem>> -> memref<1x640xf32, #tpu.memory_space<vmem>>
      %dma_wait3A_98 = tpu.memref_squeeze %dma_wait3A_97 : memref<1x640xf32, #tpu.memory_space<vmem>> -> memref<640xf32, #tpu.memory_space<vmem>>
      %dma_wait3A_99 = tpu.memref_slice %arg8[%run_scoped3A_33, %mul3A_32] : memref<16x10240xf32, #tpu.memory_space<vmem_shared>> -> memref<1x640xf32, #tpu.memory_space<vmem_shared>>
      %dma_wait3A_100 = tpu.memref_squeeze %dma_wait3A_99 : memref<1x640xf32, #tpu.memory_space<vmem_shared>> -> memref<640xf32, #tpu.memory_space<vmem_shared>>
      tpu.wait_dma2 semaphore(%run_scoped3A_82 : memref<!tpu.dma_semaphore, #tpu.memory_space<semaphore_mem>>) src(%dma_wait3A_100 : memref<640xf32, #tpu.memory_space<vmem_shared>>) dst(%dma_wait3A_98 : memref<640xf32, #tpu.memory_space<vmem>>)
      tpu.yield
    }) : () -> ()
    %mul3A_35 = arith.constant 640 : i32
    %mul3A_36 = arith.muli %arg1, %mul3A_35 : i32
    %run_scoped3A_37 = arith.constant 6 : i32
    %run_scoped3A_38 = arith.constant 6 : i32
    "tpu.region"() ({
      %run_scoped3A_82 = tpu.sem_alloc : memref<!tpu.dma_semaphore, #tpu.memory_space<semaphore_mem>>
      %dma_start3A = arith.constant 0 : i32
      %dma_start3A_83 = tpu.memref_slice %arg6[%run_scoped3A_38, %dma_start3A] : memref<16x640xf32, #tpu.memory_space<vmem>> -> memref<1x640xf32, #tpu.memory_space<vmem>>
      %dma_start3A_84 = tpu.memref_squeeze %dma_start3A_83 : memref<1x640xf32, #tpu.memory_space<vmem>> -> memref<640xf32, #tpu.memory_space<vmem>>
      %dma_start3A_85 = tpu.memref_slice %arg8[%run_scoped3A_37, %mul3A_36] : memref<16x10240xf32, #tpu.memory_space<vmem_shared>> -> memref<1x640xf32, #tpu.memory_space<vmem_shared>>
      %dma_start3A_86 = tpu.memref_squeeze %dma_start3A_85 : memref<1x640xf32, #tpu.memory_space<vmem_shared>> -> memref<640xf32, #tpu.memory_space<vmem_shared>>
      %dma_start3A_87 = arith.constant 0 : i32
      %dma_start3A_88 = tpu.memref_slice %arg6[%run_scoped3A_38, %dma_start3A_87] : memref<16x640xf32, #tpu.memory_space<vmem>> -> memref<1x640xf32, #tpu.memory_space<vmem>>
      %dma_start3A_89 = tpu.memref_squeeze %dma_start3A_88 : memref<1x640xf32, #tpu.memory_space<vmem>> -> memref<640xf32, #tpu.memory_space<vmem>>
      %dma_start3A_90 = tpu.memref_slice %arg8[%run_scoped3A_37, %mul3A_36] : memref<16x10240xf32, #tpu.memory_space<vmem_shared>> -> memref<1x640xf32, #tpu.memory_space<vmem_shared>>
      %dma_start3A_91 = tpu.memref_squeeze %dma_start3A_90 : memref<1x640xf32, #tpu.memory_space<vmem_shared>> -> memref<640xf32, #tpu.memory_space<vmem_shared>>
      tpu.enqueue_dma source(%dma_start3A_91 : memref<640xf32, #tpu.memory_space<vmem_shared>>) target(%dma_start3A_89 : memref<640xf32, #tpu.memory_space<vmem>>) target_semaphore(%run_scoped3A_82 : memref<!tpu.dma_semaphore, #tpu.memory_space<semaphore_mem>>)
      %dma_wait3A = arith.constant 0 : i32
      %dma_wait3A_92 = tpu.memref_slice %arg6[%run_scoped3A_38, %dma_wait3A] : memref<16x640xf32, #tpu.memory_space<vmem>> -> memref<1x640xf32, #tpu.memory_space<vmem>>
      %dma_wait3A_93 = tpu.memref_squeeze %dma_wait3A_92 : memref<1x640xf32, #tpu.memory_space<vmem>> -> memref<640xf32, #tpu.memory_space<vmem>>
      %dma_wait3A_94 = tpu.memref_slice %arg8[%run_scoped3A_37, %mul3A_36] : memref<16x10240xf32, #tpu.memory_space<vmem_shared>> -> memref<1x640xf32, #tpu.memory_space<vmem_shared>>
      %dma_wait3A_95 = tpu.memref_squeeze %dma_wait3A_94 : memref<1x640xf32, #tpu.memory_space<vmem_shared>> -> memref<640xf32, #tpu.memory_space<vmem_shared>>
      %dma_wait3A_96 = arith.constant 0 : i32
      %dma_wait3A_97 = tpu.memref_slice %arg6[%run_scoped3A_38, %dma_wait3A_96] : memref<16x640xf32, #tpu.memory_space<vmem>> -> memref<1x640xf32, #tpu.memory_space<vmem>>
      %dma_wait3A_98 = tpu.memref_squeeze %dma_wait3A_97 : memref<1x640xf32, #tpu.memory_space<vmem>> -> memref<640xf32, #tpu.memory_space<vmem>>
      %dma_wait3A_99 = tpu.memref_slice %arg8[%run_scoped3A_37, %mul3A_36] : memref<16x10240xf32, #tpu.memory_space<vmem_shared>> -> memref<1x640xf32, #tpu.memory_space<vmem_shared>>
      %dma_wait3A_100 = tpu.memref_squeeze %dma_wait3A_99 : memref<1x640xf32, #tpu.memory_space<vmem_shared>> -> memref<640xf32, #tpu.memory_space<vmem_shared>>
      tpu.wait_dma2 semaphore(%run_scoped3A_82 : memref<!tpu.dma_semaphore, #tpu.memory_space<semaphore_mem>>) src(%dma_wait3A_100 : memref<640xf32, #tpu.memory_space<vmem_shared>>) dst(%dma_wait3A_98 : memref<640xf32, #tpu.memory_space<vmem>>)
      tpu.yield
    }) : () -> ()
    %mul3A_39 = arith.constant 640 : i32
    %mul3A_40 = arith.muli %arg1, %mul3A_39 : i32
    %run_scoped3A_41 = arith.constant 7 : i32
    %run_scoped3A_42 = arith.constant 7 : i32
    "tpu.region"() ({
      %run_scoped3A_82 = tpu.sem_alloc : memref<!tpu.dma_semaphore, #tpu.memory_space<semaphore_mem>>
      %dma_start3A = arith.constant 0 : i32
      %dma_start3A_83 = tpu.memref_slice %arg6[%run_scoped3A_42, %dma_start3A] : memref<16x640xf32, #tpu.memory_space<vmem>> -> memref<1x640xf32, #tpu.memory_space<vmem>>
      %dma_start3A_84 = tpu.memref_squeeze %dma_start3A_83 : memref<1x640xf32, #tpu.memory_space<vmem>> -> memref<640xf32, #tpu.memory_space<vmem>>
      %dma_start3A_85 = tpu.memref_slice %arg8[%run_scoped3A_41, %mul3A_40] : memref<16x10240xf32, #tpu.memory_space<vmem_shared>> -> memref<1x640xf32, #tpu.memory_space<vmem_shared>>
      %dma_start3A_86 = tpu.memref_squeeze %dma_start3A_85 : memref<1x640xf32, #tpu.memory_space<vmem_shared>> -> memref<640xf32, #tpu.memory_space<vmem_shared>>
      %dma_start3A_87 = arith.constant 0 : i32
      %dma_start3A_88 = tpu.memref_slice %arg6[%run_scoped3A_42, %dma_start3A_87] : memref<16x640xf32, #tpu.memory_space<vmem>> -> memref<1x640xf32, #tpu.memory_space<vmem>>
      %dma_start3A_89 = tpu.memref_squeeze %dma_start3A_88 : memref<1x640xf32, #tpu.memory_space<vmem>> -> memref<640xf32, #tpu.memory_space<vmem>>
      %dma_start3A_90 = tpu.memref_slice %arg8[%run_scoped3A_41, %mul3A_40] : memref<16x10240xf32, #tpu.memory_space<vmem_shared>> -> memref<1x640xf32, #tpu.memory_space<vmem_shared>>
      %dma_start3A_91 = tpu.memref_squeeze %dma_start3A_90 : memref<1x640xf32, #tpu.memory_space<vmem_shared>> -> memref<640xf32, #tpu.memory_space<vmem_shared>>
      tpu.enqueue_dma source(%dma_start3A_91 : memref<640xf32, #tpu.memory_space<vmem_shared>>) target(%dma_start3A_89 : memref<640xf32, #tpu.memory_space<vmem>>) target_semaphore(%run_scoped3A_82 : memref<!tpu.dma_semaphore, #tpu.memory_space<semaphore_mem>>)
      %dma_wait3A = arith.constant 0 : i32
      %dma_wait3A_92 = tpu.memref_slice %arg6[%run_scoped3A_42, %dma_wait3A] : memref<16x640xf32, #tpu.memory_space<vmem>> -> memref<1x640xf32, #tpu.memory_space<vmem>>
      %dma_wait3A_93 = tpu.memref_squeeze %dma_wait3A_92 : memref<1x640xf32, #tpu.memory_space<vmem>> -> memref<640xf32, #tpu.memory_space<vmem>>
      %dma_wait3A_94 = tpu.memref_slice %arg8[%run_scoped3A_41, %mul3A_40] : memref<16x10240xf32, #tpu.memory_space<vmem_shared>> -> memref<1x640xf32, #tpu.memory_space<vmem_shared>>
      %dma_wait3A_95 = tpu.memref_squeeze %dma_wait3A_94 : memref<1x640xf32, #tpu.memory_space<vmem_shared>> -> memref<640xf32, #tpu.memory_space<vmem_shared>>
      %dma_wait3A_96 = arith.constant 0 : i32
      %dma_wait3A_97 = tpu.memref_slice %arg6[%run_scoped3A_42, %dma_wait3A_96] : memref<16x640xf32, #tpu.memory_space<vmem>> -> memref<1x640xf32, #tpu.memory_space<vmem>>
      %dma_wait3A_98 = tpu.memref_squeeze %dma_wait3A_97 : memref<1x640xf32, #tpu.memory_space<vmem>> -> memref<640xf32, #tpu.memory_space<vmem>>
      %dma_wait3A_99 = tpu.memref_slice %arg8[%run_scoped3A_41, %mul3A_40] : memref<16x10240xf32, #tpu.memory_space<vmem_shared>> -> memref<1x640xf32, #tpu.memory_space<vmem_shared>>
      %dma_wait3A_100 = tpu.memref_squeeze %dma_wait3A_99 : memref<1x640xf32, #tpu.memory_space<vmem_shared>> -> memref<640xf32, #tpu.memory_space<vmem_shared>>
      tpu.wait_dma2 semaphore(%run_scoped3A_82 : memref<!tpu.dma_semaphore, #tpu.memory_space<semaphore_mem>>) src(%dma_wait3A_100 : memref<640xf32, #tpu.memory_space<vmem_shared>>) dst(%dma_wait3A_98 : memref<640xf32, #tpu.memory_space<vmem>>)
      tpu.yield
    }) : () -> ()
    %mul3A_43 = arith.constant 640 : i32
    %mul3A_44 = arith.muli %arg1, %mul3A_43 : i32
    %run_scoped3A_45 = arith.constant 8 : i32
    %run_scoped3A_46 = arith.constant 8 : i32
    "tpu.region"() ({
      %run_scoped3A_82 = tpu.sem_alloc : memref<!tpu.dma_semaphore, #tpu.memory_space<semaphore_mem>>
      %dma_start3A = arith.constant 0 : i32
      %dma_start3A_83 = tpu.memref_slice %arg6[%run_scoped3A_46, %dma_start3A] : memref<16x640xf32, #tpu.memory_space<vmem>> -> memref<1x640xf32, #tpu.memory_space<vmem>>
      %dma_start3A_84 = tpu.memref_squeeze %dma_start3A_83 : memref<1x640xf32, #tpu.memory_space<vmem>> -> memref<640xf32, #tpu.memory_space<vmem>>
      %dma_start3A_85 = tpu.memref_slice %arg8[%run_scoped3A_45, %mul3A_44] : memref<16x10240xf32, #tpu.memory_space<vmem_shared>> -> memref<1x640xf32, #tpu.memory_space<vmem_shared>>
      %dma_start3A_86 = tpu.memref_squeeze %dma_start3A_85 : memref<1x640xf32, #tpu.memory_space<vmem_shared>> -> memref<640xf32, #tpu.memory_space<vmem_shared>>
      %dma_start3A_87 = arith.constant 0 : i32
      %dma_start3A_88 = tpu.memref_slice %arg6[%run_scoped3A_46, %dma_start3A_87] : memref<16x640xf32, #tpu.memory_space<vmem>> -> memref<1x640xf32, #tpu.memory_space<vmem>>
      %dma_start3A_89 = tpu.memref_squeeze %dma_start3A_88 : memref<1x640xf32, #tpu.memory_space<vmem>> -> memref<640xf32, #tpu.memory_space<vmem>>
      %dma_start3A_90 = tpu.memref_slice %arg8[%run_scoped3A_45, %mul3A_44] : memref<16x10240xf32, #tpu.memory_space<vmem_shared>> -> memref<1x640xf32, #tpu.memory_space<vmem_shared>>
      %dma_start3A_91 = tpu.memref_squeeze %dma_start3A_90 : memref<1x640xf32, #tpu.memory_space<vmem_shared>> -> memref<640xf32, #tpu.memory_space<vmem_shared>>
      tpu.enqueue_dma source(%dma_start3A_91 : memref<640xf32, #tpu.memory_space<vmem_shared>>) target(%dma_start3A_89 : memref<640xf32, #tpu.memory_space<vmem>>) target_semaphore(%run_scoped3A_82 : memref<!tpu.dma_semaphore, #tpu.memory_space<semaphore_mem>>)
      %dma_wait3A = arith.constant 0 : i32
      %dma_wait3A_92 = tpu.memref_slice %arg6[%run_scoped3A_46, %dma_wait3A] : memref<16x640xf32, #tpu.memory_space<vmem>> -> memref<1x640xf32, #tpu.memory_space<vmem>>
      %dma_wait3A_93 = tpu.memref_squeeze %dma_wait3A_92 : memref<1x640xf32, #tpu.memory_space<vmem>> -> memref<640xf32, #tpu.memory_space<vmem>>
      %dma_wait3A_94 = tpu.memref_slice %arg8[%run_scoped3A_45, %mul3A_44] : memref<16x10240xf32, #tpu.memory_space<vmem_shared>> -> memref<1x640xf32, #tpu.memory_space<vmem_shared>>
      %dma_wait3A_95 = tpu.memref_squeeze %dma_wait3A_94 : memref<1x640xf32, #tpu.memory_space<vmem_shared>> -> memref<640xf32, #tpu.memory_space<vmem_shared>>
      %dma_wait3A_96 = arith.constant 0 : i32
      %dma_wait3A_97 = tpu.memref_slice %arg6[%run_scoped3A_46, %dma_wait3A_96] : memref<16x640xf32, #tpu.memory_space<vmem>> -> memref<1x640xf32, #tpu.memory_space<vmem>>
      %dma_wait3A_98 = tpu.memref_squeeze %dma_wait3A_97 : memref<1x640xf32, #tpu.memory_space<vmem>> -> memref<640xf32, #tpu.memory_space<vmem>>
      %dma_wait3A_99 = tpu.memref_slice %arg8[%run_scoped3A_45, %mul3A_44] : memref<16x10240xf32, #tpu.memory_space<vmem_shared>> -> memref<1x640xf32, #tpu.memory_space<vmem_shared>>
      %dma_wait3A_100 = tpu.memref_squeeze %dma_wait3A_99 : memref<1x640xf32, #tpu.memory_space<vmem_shared>> -> memref<640xf32, #tpu.memory_space<vmem_shared>>
      tpu.wait_dma2 semaphore(%run_scoped3A_82 : memref<!tpu.dma_semaphore, #tpu.memory_space<semaphore_mem>>) src(%dma_wait3A_100 : memref<640xf32, #tpu.memory_space<vmem_shared>>) dst(%dma_wait3A_98 : memref<640xf32, #tpu.memory_space<vmem>>)
      tpu.yield
    }) : () -> ()
    %mul3A_47 = arith.constant 640 : i32
    %mul3A_48 = arith.muli %arg1, %mul3A_47 : i32
    %run_scoped3A_49 = arith.constant 9 : i32
    %run_scoped3A_50 = arith.constant 9 : i32
    "tpu.region"() ({
      %run_scoped3A_82 = tpu.sem_alloc : memref<!tpu.dma_semaphore, #tpu.memory_space<semaphore_mem>>
      %dma_start3A = arith.constant 0 : i32
      %dma_start3A_83 = tpu.memref_slice %arg6[%run_scoped3A_50, %dma_start3A] : memref<16x640xf32, #tpu.memory_space<vmem>> -> memref<1x640xf32, #tpu.memory_space<vmem>>
      %dma_start3A_84 = tpu.memref_squeeze %dma_start3A_83 : memref<1x640xf32, #tpu.memory_space<vmem>> -> memref<640xf32, #tpu.memory_space<vmem>>
      %dma_start3A_85 = tpu.memref_slice %arg8[%run_scoped3A_49, %mul3A_48] : memref<16x10240xf32, #tpu.memory_space<vmem_shared>> -> memref<1x640xf32, #tpu.memory_space<vmem_shared>>
      %dma_start3A_86 = tpu.memref_squeeze %dma_start3A_85 : memref<1x640xf32, #tpu.memory_space<vmem_shared>> -> memref<640xf32, #tpu.memory_space<vmem_shared>>
      %dma_start3A_87 = arith.constant 0 : i32
      %dma_start3A_88 = tpu.memref_slice %arg6[%run_scoped3A_50, %dma_start3A_87] : memref<16x640xf32, #tpu.memory_space<vmem>> -> memref<1x640xf32, #tpu.memory_space<vmem>>
      %dma_start3A_89 = tpu.memref_squeeze %dma_start3A_88 : memref<1x640xf32, #tpu.memory_space<vmem>> -> memref<640xf32, #tpu.memory_space<vmem>>
      %dma_start3A_90 = tpu.memref_slice %arg8[%run_scoped3A_49, %mul3A_48] : memref<16x10240xf32, #tpu.memory_space<vmem_shared>> -> memref<1x640xf32, #tpu.memory_space<vmem_shared>>
      %dma_start3A_91 = tpu.memref_squeeze %dma_start3A_90 : memref<1x640xf32, #tpu.memory_space<vmem_shared>> -> memref<640xf32, #tpu.memory_space<vmem_shared>>
      tpu.enqueue_dma source(%dma_start3A_91 : memref<640xf32, #tpu.memory_space<vmem_shared>>) target(%dma_start3A_89 : memref<640xf32, #tpu.memory_space<vmem>>) target_semaphore(%run_scoped3A_82 : memref<!tpu.dma_semaphore, #tpu.memory_space<semaphore_mem>>)
      %dma_wait3A = arith.constant 0 : i32
      %dma_wait3A_92 = tpu.memref_slice %arg6[%run_scoped3A_50, %dma_wait3A] : memref<16x640xf32, #tpu.memory_space<vmem>> -> memref<1x640xf32, #tpu.memory_space<vmem>>
      %dma_wait3A_93 = tpu.memref_squeeze %dma_wait3A_92 : memref<1x640xf32, #tpu.memory_space<vmem>> -> memref<640xf32, #tpu.memory_space<vmem>>
      %dma_wait3A_94 = tpu.memref_slice %arg8[%run_scoped3A_49, %mul3A_48] : memref<16x10240xf32, #tpu.memory_space<vmem_shared>> -> memref<1x640xf32, #tpu.memory_space<vmem_shared>>
      %dma_wait3A_95 = tpu.memref_squeeze %dma_wait3A_94 : memref<1x640xf32, #tpu.memory_space<vmem_shared>> -> memref<640xf32, #tpu.memory_space<vmem_shared>>
      %dma_wait3A_96 = arith.constant 0 : i32
      %dma_wait3A_97 = tpu.memref_slice %arg6[%run_scoped3A_50, %dma_wait3A_96] : memref<16x640xf32, #tpu.memory_space<vmem>> -> memref<1x640xf32, #tpu.memory_space<vmem>>
      %dma_wait3A_98 = tpu.memref_squeeze %dma_wait3A_97 : memref<1x640xf32, #tpu.memory_space<vmem>> -> memref<640xf32, #tpu.memory_space<vmem>>
      %dma_wait3A_99 = tpu.memref_slice %arg8[%run_scoped3A_49, %mul3A_48] : memref<16x10240xf32, #tpu.memory_space<vmem_shared>> -> memref<1x640xf32, #tpu.memory_space<vmem_shared>>
      %dma_wait3A_100 = tpu.memref_squeeze %dma_wait3A_99 : memref<1x640xf32, #tpu.memory_space<vmem_shared>> -> memref<640xf32, #tpu.memory_space<vmem_shared>>
      tpu.wait_dma2 semaphore(%run_scoped3A_82 : memref<!tpu.dma_semaphore, #tpu.memory_space<semaphore_mem>>) src(%dma_wait3A_100 : memref<640xf32, #tpu.memory_space<vmem_shared>>) dst(%dma_wait3A_98 : memref<640xf32, #tpu.memory_space<vmem>>)
      tpu.yield
    }) : () -> ()
    %mul3A_51 = arith.constant 640 : i32
    %mul3A_52 = arith.muli %arg1, %mul3A_51 : i32
    %run_scoped3A_53 = arith.constant 10 : i32
    %run_scoped3A_54 = arith.constant 10 : i32
    "tpu.region"() ({
      %run_scoped3A_82 = tpu.sem_alloc : memref<!tpu.dma_semaphore, #tpu.memory_space<semaphore_mem>>
      %dma_start3A = arith.constant 0 : i32
      %dma_start3A_83 = tpu.memref_slice %arg6[%run_scoped3A_54, %dma_start3A] : memref<16x640xf32, #tpu.memory_space<vmem>> -> memref<1x640xf32, #tpu.memory_space<vmem>>
      %dma_start3A_84 = tpu.memref_squeeze %dma_start3A_83 : memref<1x640xf32, #tpu.memory_space<vmem>> -> memref<640xf32, #tpu.memory_space<vmem>>
      %dma_start3A_85 = tpu.memref_slice %arg8[%run_scoped3A_53, %mul3A_52] : memref<16x10240xf32, #tpu.memory_space<vmem_shared>> -> memref<1x640xf32, #tpu.memory_space<vmem_shared>>
      %dma_start3A_86 = tpu.memref_squeeze %dma_start3A_85 : memref<1x640xf32, #tpu.memory_space<vmem_shared>> -> memref<640xf32, #tpu.memory_space<vmem_shared>>
      %dma_start3A_87 = arith.constant 0 : i32
      %dma_start3A_88 = tpu.memref_slice %arg6[%run_scoped3A_54, %dma_start3A_87] : memref<16x640xf32, #tpu.memory_space<vmem>> -> memref<1x640xf32, #tpu.memory_space<vmem>>
      %dma_start3A_89 = tpu.memref_squeeze %dma_start3A_88 : memref<1x640xf32, #tpu.memory_space<vmem>> -> memref<640xf32, #tpu.memory_space<vmem>>
      %dma_start3A_90 = tpu.memref_slice %arg8[%run_scoped3A_53, %mul3A_52] : memref<16x10240xf32, #tpu.memory_space<vmem_shared>> -> memref<1x640xf32, #tpu.memory_space<vmem_shared>>
      %dma_start3A_91 = tpu.memref_squeeze %dma_start3A_90 : memref<1x640xf32, #tpu.memory_space<vmem_shared>> -> memref<640xf32, #tpu.memory_space<vmem_shared>>
      tpu.enqueue_dma source(%dma_start3A_91 : memref<640xf32, #tpu.memory_space<vmem_shared>>) target(%dma_start3A_89 : memref<640xf32, #tpu.memory_space<vmem>>) target_semaphore(%run_scoped3A_82 : memref<!tpu.dma_semaphore, #tpu.memory_space<semaphore_mem>>)
      %dma_wait3A = arith.constant 0 : i32
      %dma_wait3A_92 = tpu.memref_slice %arg6[%run_scoped3A_54, %dma_wait3A] : memref<16x640xf32, #tpu.memory_space<vmem>> -> memref<1x640xf32, #tpu.memory_space<vmem>>
      %dma_wait3A_93 = tpu.memref_squeeze %dma_wait3A_92 : memref<1x640xf32, #tpu.memory_space<vmem>> -> memref<640xf32, #tpu.memory_space<vmem>>
      %dma_wait3A_94 = tpu.memref_slice %arg8[%run_scoped3A_53, %mul3A_52] : memref<16x10240xf32, #tpu.memory_space<vmem_shared>> -> memref<1x640xf32, #tpu.memory_space<vmem_shared>>
      %dma_wait3A_95 = tpu.memref_squeeze %dma_wait3A_94 : memref<1x640xf32, #tpu.memory_space<vmem_shared>> -> memref<640xf32, #tpu.memory_space<vmem_shared>>
      %dma_wait3A_96 = arith.constant 0 : i32
      %dma_wait3A_97 = tpu.memref_slice %arg6[%run_scoped3A_54, %dma_wait3A_96] : memref<16x640xf32, #tpu.memory_space<vmem>> -> memref<1x640xf32, #tpu.memory_space<vmem>>
      %dma_wait3A_98 = tpu.memref_squeeze %dma_wait3A_97 : memref<1x640xf32, #tpu.memory_space<vmem>> -> memref<640xf32, #tpu.memory_space<vmem>>
      %dma_wait3A_99 = tpu.memref_slice %arg8[%run_scoped3A_53, %mul3A_52] : memref<16x10240xf32, #tpu.memory_space<vmem_shared>> -> memref<1x640xf32, #tpu.memory_space<vmem_shared>>
      %dma_wait3A_100 = tpu.memref_squeeze %dma_wait3A_99 : memref<1x640xf32, #tpu.memory_space<vmem_shared>> -> memref<640xf32, #tpu.memory_space<vmem_shared>>
      tpu.wait_dma2 semaphore(%run_scoped3A_82 : memref<!tpu.dma_semaphore, #tpu.memory_space<semaphore_mem>>) src(%dma_wait3A_100 : memref<640xf32, #tpu.memory_space<vmem_shared>>) dst(%dma_wait3A_98 : memref<640xf32, #tpu.memory_space<vmem>>)
      tpu.yield
    }) : () -> ()
    %mul3A_55 = arith.constant 640 : i32
    %mul3A_56 = arith.muli %arg1, %mul3A_55 : i32
    %run_scoped3A_57 = arith.constant 11 : i32
    %run_scoped3A_58 = arith.constant 11 : i32
    "tpu.region"() ({
      %run_scoped3A_82 = tpu.sem_alloc : memref<!tpu.dma_semaphore, #tpu.memory_space<semaphore_mem>>
      %dma_start3A = arith.constant 0 : i32
      %dma_start3A_83 = tpu.memref_slice %arg6[%run_scoped3A_58, %dma_start3A] : memref<16x640xf32, #tpu.memory_space<vmem>> -> memref<1x640xf32, #tpu.memory_space<vmem>>
      %dma_start3A_84 = tpu.memref_squeeze %dma_start3A_83 : memref<1x640xf32, #tpu.memory_space<vmem>> -> memref<640xf32, #tpu.memory_space<vmem>>
      %dma_start3A_85 = tpu.memref_slice %arg8[%run_scoped3A_57, %mul3A_56] : memref<16x10240xf32, #tpu.memory_space<vmem_shared>> -> memref<1x640xf32, #tpu.memory_space<vmem_shared>>
      %dma_start3A_86 = tpu.memref_squeeze %dma_start3A_85 : memref<1x640xf32, #tpu.memory_space<vmem_shared>> -> memref<640xf32, #tpu.memory_space<vmem_shared>>
      %dma_start3A_87 = arith.constant 0 : i32
      %dma_start3A_88 = tpu.memref_slice %arg6[%run_scoped3A_58, %dma_start3A_87] : memref<16x640xf32, #tpu.memory_space<vmem>> -> memref<1x640xf32, #tpu.memory_space<vmem>>
      %dma_start3A_89 = tpu.memref_squeeze %dma_start3A_88 : memref<1x640xf32, #tpu.memory_space<vmem>> -> memref<640xf32, #tpu.memory_space<vmem>>
      %dma_start3A_90 = tpu.memref_slice %arg8[%run_scoped3A_57, %mul3A_56] : memref<16x10240xf32, #tpu.memory_space<vmem_shared>> -> memref<1x640xf32, #tpu.memory_space<vmem_shared>>
      %dma_start3A_91 = tpu.memref_squeeze %dma_start3A_90 : memref<1x640xf32, #tpu.memory_space<vmem_shared>> -> memref<640xf32, #tpu.memory_space<vmem_shared>>
      tpu.enqueue_dma source(%dma_start3A_91 : memref<640xf32, #tpu.memory_space<vmem_shared>>) target(%dma_start3A_89 : memref<640xf32, #tpu.memory_space<vmem>>) target_semaphore(%run_scoped3A_82 : memref<!tpu.dma_semaphore, #tpu.memory_space<semaphore_mem>>)
      %dma_wait3A = arith.constant 0 : i32
      %dma_wait3A_92 = tpu.memref_slice %arg6[%run_scoped3A_58, %dma_wait3A] : memref<16x640xf32, #tpu.memory_space<vmem>> -> memref<1x640xf32, #tpu.memory_space<vmem>>
      %dma_wait3A_93 = tpu.memref_squeeze %dma_wait3A_92 : memref<1x640xf32, #tpu.memory_space<vmem>> -> memref<640xf32, #tpu.memory_space<vmem>>
      %dma_wait3A_94 = tpu.memref_slice %arg8[%run_scoped3A_57, %mul3A_56] : memref<16x10240xf32, #tpu.memory_space<vmem_shared>> -> memref<1x640xf32, #tpu.memory_space<vmem_shared>>
      %dma_wait3A_95 = tpu.memref_squeeze %dma_wait3A_94 : memref<1x640xf32, #tpu.memory_space<vmem_shared>> -> memref<640xf32, #tpu.memory_space<vmem_shared>>
      %dma_wait3A_96 = arith.constant 0 : i32
      %dma_wait3A_97 = tpu.memref_slice %arg6[%run_scoped3A_58, %dma_wait3A_96] : memref<16x640xf32, #tpu.memory_space<vmem>> -> memref<1x640xf32, #tpu.memory_space<vmem>>
      %dma_wait3A_98 = tpu.memref_squeeze %dma_wait3A_97 : memref<1x640xf32, #tpu.memory_space<vmem>> -> memref<640xf32, #tpu.memory_space<vmem>>
      %dma_wait3A_99 = tpu.memref_slice %arg8[%run_scoped3A_57, %mul3A_56] : memref<16x10240xf32, #tpu.memory_space<vmem_shared>> -> memref<1x640xf32, #tpu.memory_space<vmem_shared>>
      %dma_wait3A_100 = tpu.memref_squeeze %dma_wait3A_99 : memref<1x640xf32, #tpu.memory_space<vmem_shared>> -> memref<640xf32, #tpu.memory_space<vmem_shared>>
      tpu.wait_dma2 semaphore(%run_scoped3A_82 : memref<!tpu.dma_semaphore, #tpu.memory_space<semaphore_mem>>) src(%dma_wait3A_100 : memref<640xf32, #tpu.memory_space<vmem_shared>>) dst(%dma_wait3A_98 : memref<640xf32, #tpu.memory_space<vmem>>)
      tpu.yield
    }) : () -> ()
    %mul3A_59 = arith.constant 640 : i32
    %mul3A_60 = arith.muli %arg1, %mul3A_59 : i32
    %run_scoped3A_61 = arith.constant 12 : i32
    %run_scoped3A_62 = arith.constant 12 : i32
    "tpu.region"() ({
      %run_scoped3A_82 = tpu.sem_alloc : memref<!tpu.dma_semaphore, #tpu.memory_space<semaphore_mem>>
      %dma_start3A = arith.constant 0 : i32
      %dma_start3A_83 = tpu.memref_slice %arg6[%run_scoped3A_62, %dma_start3A] : memref<16x640xf32, #tpu.memory_space<vmem>> -> memref<1x640xf32, #tpu.memory_space<vmem>>
      %dma_start3A_84 = tpu.memref_squeeze %dma_start3A_83 : memref<1x640xf32, #tpu.memory_space<vmem>> -> memref<640xf32, #tpu.memory_space<vmem>>
      %dma_start3A_85 = tpu.memref_slice %arg8[%run_scoped3A_61, %mul3A_60] : memref<16x10240xf32, #tpu.memory_space<vmem_shared>> -> memref<1x640xf32, #tpu.memory_space<vmem_shared>>
      %dma_start3A_86 = tpu.memref_squeeze %dma_start3A_85 : memref<1x640xf32, #tpu.memory_space<vmem_shared>> -> memref<640xf32, #tpu.memory_space<vmem_shared>>
      %dma_start3A_87 = arith.constant 0 : i32
      %dma_start3A_88 = tpu.memref_slice %arg6[%run_scoped3A_62, %dma_start3A_87] : memref<16x640xf32, #tpu.memory_space<vmem>> -> memref<1x640xf32, #tpu.memory_space<vmem>>
      %dma_start3A_89 = tpu.memref_squeeze %dma_start3A_88 : memref<1x640xf32, #tpu.memory_space<vmem>> -> memref<640xf32, #tpu.memory_space<vmem>>
      %dma_start3A_90 = tpu.memref_slice %arg8[%run_scoped3A_61, %mul3A_60] : memref<16x10240xf32, #tpu.memory_space<vmem_shared>> -> memref<1x640xf32, #tpu.memory_space<vmem_shared>>
      %dma_start3A_91 = tpu.memref_squeeze %dma_start3A_90 : memref<1x640xf32, #tpu.memory_space<vmem_shared>> -> memref<640xf32, #tpu.memory_space<vmem_shared>>
      tpu.enqueue_dma source(%dma_start3A_91 : memref<640xf32, #tpu.memory_space<vmem_shared>>) target(%dma_start3A_89 : memref<640xf32, #tpu.memory_space<vmem>>) target_semaphore(%run_scoped3A_82 : memref<!tpu.dma_semaphore, #tpu.memory_space<semaphore_mem>>)
      %dma_wait3A = arith.constant 0 : i32
      %dma_wait3A_92 = tpu.memref_slice %arg6[%run_scoped3A_62, %dma_wait3A] : memref<16x640xf32, #tpu.memory_space<vmem>> -> memref<1x640xf32, #tpu.memory_space<vmem>>
      %dma_wait3A_93 = tpu.memref_squeeze %dma_wait3A_92 : memref<1x640xf32, #tpu.memory_space<vmem>> -> memref<640xf32, #tpu.memory_space<vmem>>
      %dma_wait3A_94 = tpu.memref_slice %arg8[%run_scoped3A_61, %mul3A_60] : memref<16x10240xf32, #tpu.memory_space<vmem_shared>> -> memref<1x640xf32, #tpu.memory_space<vmem_shared>>
      %dma_wait3A_95 = tpu.memref_squeeze %dma_wait3A_94 : memref<1x640xf32, #tpu.memory_space<vmem_shared>> -> memref<640xf32, #tpu.memory_space<vmem_shared>>
      %dma_wait3A_96 = arith.constant 0 : i32
      %dma_wait3A_97 = tpu.memref_slice %arg6[%run_scoped3A_62, %dma_wait3A_96] : memref<16x640xf32, #tpu.memory_space<vmem>> -> memref<1x640xf32, #tpu.memory_space<vmem>>
      %dma_wait3A_98 = tpu.memref_squeeze %dma_wait3A_97 : memref<1x640xf32, #tpu.memory_space<vmem>> -> memref<640xf32, #tpu.memory_space<vmem>>
      %dma_wait3A_99 = tpu.memref_slice %arg8[%run_scoped3A_61, %mul3A_60] : memref<16x10240xf32, #tpu.memory_space<vmem_shared>> -> memref<1x640xf32, #tpu.memory_space<vmem_shared>>
      %dma_wait3A_100 = tpu.memref_squeeze %dma_wait3A_99 : memref<1x640xf32, #tpu.memory_space<vmem_shared>> -> memref<640xf32, #tpu.memory_space<vmem_shared>>
      tpu.wait_dma2 semaphore(%run_scoped3A_82 : memref<!tpu.dma_semaphore, #tpu.memory_space<semaphore_mem>>) src(%dma_wait3A_100 : memref<640xf32, #tpu.memory_space<vmem_shared>>) dst(%dma_wait3A_98 : memref<640xf32, #tpu.memory_space<vmem>>)
      tpu.yield
    }) : () -> ()
    %mul3A_63 = arith.constant 640 : i32
    %mul3A_64 = arith.muli %arg1, %mul3A_63 : i32
    %run_scoped3A_65 = arith.constant 13 : i32
    %run_scoped3A_66 = arith.constant 13 : i32
    "tpu.region"() ({
      %run_scoped3A_82 = tpu.sem_alloc : memref<!tpu.dma_semaphore, #tpu.memory_space<semaphore_mem>>
      %dma_start3A = arith.constant 0 : i32
      %dma_start3A_83 = tpu.memref_slice %arg6[%run_scoped3A_66, %dma_start3A] : memref<16x640xf32, #tpu.memory_space<vmem>> -> memref<1x640xf32, #tpu.memory_space<vmem>>
      %dma_start3A_84 = tpu.memref_squeeze %dma_start3A_83 : memref<1x640xf32, #tpu.memory_space<vmem>> -> memref<640xf32, #tpu.memory_space<vmem>>
      %dma_start3A_85 = tpu.memref_slice %arg8[%run_scoped3A_65, %mul3A_64] : memref<16x10240xf32, #tpu.memory_space<vmem_shared>> -> memref<1x640xf32, #tpu.memory_space<vmem_shared>>
      %dma_start3A_86 = tpu.memref_squeeze %dma_start3A_85 : memref<1x640xf32, #tpu.memory_space<vmem_shared>> -> memref<640xf32, #tpu.memory_space<vmem_shared>>
      %dma_start3A_87 = arith.constant 0 : i32
      %dma_start3A_88 = tpu.memref_slice %arg6[%run_scoped3A_66, %dma_start3A_87] : memref<16x640xf32, #tpu.memory_space<vmem>> -> memref<1x640xf32, #tpu.memory_space<vmem>>
      %dma_start3A_89 = tpu.memref_squeeze %dma_start3A_88 : memref<1x640xf32, #tpu.memory_space<vmem>> -> memref<640xf32, #tpu.memory_space<vmem>>
      %dma_start3A_90 = tpu.memref_slice %arg8[%run_scoped3A_65, %mul3A_64] : memref<16x10240xf32, #tpu.memory_space<vmem_shared>> -> memref<1x640xf32, #tpu.memory_space<vmem_shared>>
      %dma_start3A_91 = tpu.memref_squeeze %dma_start3A_90 : memref<1x640xf32, #tpu.memory_space<vmem_shared>> -> memref<640xf32, #tpu.memory_space<vmem_shared>>
      tpu.enqueue_dma source(%dma_start3A_91 : memref<640xf32, #tpu.memory_space<vmem_shared>>) target(%dma_start3A_89 : memref<640xf32, #tpu.memory_space<vmem>>) target_semaphore(%run_scoped3A_82 : memref<!tpu.dma_semaphore, #tpu.memory_space<semaphore_mem>>)
      %dma_wait3A = arith.constant 0 : i32
      %dma_wait3A_92 = tpu.memref_slice %arg6[%run_scoped3A_66, %dma_wait3A] : memref<16x640xf32, #tpu.memory_space<vmem>> -> memref<1x640xf32, #tpu.memory_space<vmem>>
      %dma_wait3A_93 = tpu.memref_squeeze %dma_wait3A_92 : memref<1x640xf32, #tpu.memory_space<vmem>> -> memref<640xf32, #tpu.memory_space<vmem>>
      %dma_wait3A_94 = tpu.memref_slice %arg8[%run_scoped3A_65, %mul3A_64] : memref<16x10240xf32, #tpu.memory_space<vmem_shared>> -> memref<1x640xf32, #tpu.memory_space<vmem_shared>>
      %dma_wait3A_95 = tpu.memref_squeeze %dma_wait3A_94 : memref<1x640xf32, #tpu.memory_space<vmem_shared>> -> memref<640xf32, #tpu.memory_space<vmem_shared>>
      %dma_wait3A_96 = arith.constant 0 : i32
      %dma_wait3A_97 = tpu.memref_slice %arg6[%run_scoped3A_66, %dma_wait3A_96] : memref<16x640xf32, #tpu.memory_space<vmem>> -> memref<1x640xf32, #tpu.memory_space<vmem>>
      %dma_wait3A_98 = tpu.memref_squeeze %dma_wait3A_97 : memref<1x640xf32, #tpu.memory_space<vmem>> -> memref<640xf32, #tpu.memory_space<vmem>>
      %dma_wait3A_99 = tpu.memref_slice %arg8[%run_scoped3A_65, %mul3A_64] : memref<16x10240xf32, #tpu.memory_space<vmem_shared>> -> memref<1x640xf32, #tpu.memory_space<vmem_shared>>
      %dma_wait3A_100 = tpu.memref_squeeze %dma_wait3A_99 : memref<1x640xf32, #tpu.memory_space<vmem_shared>> -> memref<640xf32, #tpu.memory_space<vmem_shared>>
      tpu.wait_dma2 semaphore(%run_scoped3A_82 : memref<!tpu.dma_semaphore, #tpu.memory_space<semaphore_mem>>) src(%dma_wait3A_100 : memref<640xf32, #tpu.memory_space<vmem_shared>>) dst(%dma_wait3A_98 : memref<640xf32, #tpu.memory_space<vmem>>)
      tpu.yield
    }) : () -> ()
    %mul3A_67 = arith.constant 640 : i32
    %mul3A_68 = arith.muli %arg1, %mul3A_67 : i32
    %run_scoped3A_69 = arith.constant 14 : i32
    %run_scoped3A_70 = arith.constant 14 : i32
    "tpu.region"() ({
      %run_scoped3A_82 = tpu.sem_alloc : memref<!tpu.dma_semaphore, #tpu.memory_space<semaphore_mem>>
      %dma_start3A = arith.constant 0 : i32
      %dma_start3A_83 = tpu.memref_slice %arg6[%run_scoped3A_70, %dma_start3A] : memref<16x640xf32, #tpu.memory_space<vmem>> -> memref<1x640xf32, #tpu.memory_space<vmem>>
      %dma_start3A_84 = tpu.memref_squeeze %dma_start3A_83 : memref<1x640xf32, #tpu.memory_space<vmem>> -> memref<640xf32, #tpu.memory_space<vmem>>
      %dma_start3A_85 = tpu.memref_slice %arg8[%run_scoped3A_69, %mul3A_68] : memref<16x10240xf32, #tpu.memory_space<vmem_shared>> -> memref<1x640xf32, #tpu.memory_space<vmem_shared>>
      %dma_start3A_86 = tpu.memref_squeeze %dma_start3A_85 : memref<1x640xf32, #tpu.memory_space<vmem_shared>> -> memref<640xf32, #tpu.memory_space<vmem_shared>>
      %dma_start3A_87 = arith.constant 0 : i32
      %dma_start3A_88 = tpu.memref_slice %arg6[%run_scoped3A_70, %dma_start3A_87] : memref<16x640xf32, #tpu.memory_space<vmem>> -> memref<1x640xf32, #tpu.memory_space<vmem>>
      %dma_start3A_89 = tpu.memref_squeeze %dma_start3A_88 : memref<1x640xf32, #tpu.memory_space<vmem>> -> memref<640xf32, #tpu.memory_space<vmem>>
      %dma_start3A_90 = tpu.memref_slice %arg8[%run_scoped3A_69, %mul3A_68] : memref<16x10240xf32, #tpu.memory_space<vmem_shared>> -> memref<1x640xf32, #tpu.memory_space<vmem_shared>>
      %dma_start3A_91 = tpu.memref_squeeze %dma_start3A_90 : memref<1x640xf32, #tpu.memory_space<vmem_shared>> -> memref<640xf32, #tpu.memory_space<vmem_shared>>
      tpu.enqueue_dma source(%dma_start3A_91 : memref<640xf32, #tpu.memory_space<vmem_shared>>) target(%dma_start3A_89 : memref<640xf32, #tpu.memory_space<vmem>>) target_semaphore(%run_scoped3A_82 : memref<!tpu.dma_semaphore, #tpu.memory_space<semaphore_mem>>)
      %dma_wait3A = arith.constant 0 : i32
      %dma_wait3A_92 = tpu.memref_slice %arg6[%run_scoped3A_70, %dma_wait3A] : memref<16x640xf32, #tpu.memory_space<vmem>> -> memref<1x640xf32, #tpu.memory_space<vmem>>
      %dma_wait3A_93 = tpu.memref_squeeze %dma_wait3A_92 : memref<1x640xf32, #tpu.memory_space<vmem>> -> memref<640xf32, #tpu.memory_space<vmem>>
      %dma_wait3A_94 = tpu.memref_slice %arg8[%run_scoped3A_69, %mul3A_68] : memref<16x10240xf32, #tpu.memory_space<vmem_shared>> -> memref<1x640xf32, #tpu.memory_space<vmem_shared>>
      %dma_wait3A_95 = tpu.memref_squeeze %dma_wait3A_94 : memref<1x640xf32, #tpu.memory_space<vmem_shared>> -> memref<640xf32, #tpu.memory_space<vmem_shared>>
      %dma_wait3A_96 = arith.constant 0 : i32
      %dma_wait3A_97 = tpu.memref_slice %arg6[%run_scoped3A_70, %dma_wait3A_96] : memref<16x640xf32, #tpu.memory_space<vmem>> -> memref<1x640xf32, #tpu.memory_space<vmem>>
      %dma_wait3A_98 = tpu.memref_squeeze %dma_wait3A_97 : memref<1x640xf32, #tpu.memory_space<vmem>> -> memref<640xf32, #tpu.memory_space<vmem>>
      %dma_wait3A_99 = tpu.memref_slice %arg8[%run_scoped3A_69, %mul3A_68] : memref<16x10240xf32, #tpu.memory_space<vmem_shared>> -> memref<1x640xf32, #tpu.memory_space<vmem_shared>>
      %dma_wait3A_100 = tpu.memref_squeeze %dma_wait3A_99 : memref<1x640xf32, #tpu.memory_space<vmem_shared>> -> memref<640xf32, #tpu.memory_space<vmem_shared>>
      tpu.wait_dma2 semaphore(%run_scoped3A_82 : memref<!tpu.dma_semaphore, #tpu.memory_space<semaphore_mem>>) src(%dma_wait3A_100 : memref<640xf32, #tpu.memory_space<vmem_shared>>) dst(%dma_wait3A_98 : memref<640xf32, #tpu.memory_space<vmem>>)
      tpu.yield
    }) : () -> ()
    %mul3A_71 = arith.constant 640 : i32
    %mul3A_72 = arith.muli %arg1, %mul3A_71 : i32
    %run_scoped3A_73 = arith.constant 15 : i32
    %run_scoped3A_74 = arith.constant 15 : i32
    "tpu.region"() ({
      %run_scoped3A_82 = tpu.sem_alloc : memref<!tpu.dma_semaphore, #tpu.memory_space<semaphore_mem>>
      %dma_start3A = arith.constant 0 : i32
      %dma_start3A_83 = tpu.memref_slice %arg6[%run_scoped3A_74, %dma_start3A] : memref<16x640xf32, #tpu.memory_space<vmem>> -> memref<1x640xf32, #tpu.memory_space<vmem>>
      %dma_start3A_84 = tpu.memref_squeeze %dma_start3A_83 : memref<1x640xf32, #tpu.memory_space<vmem>> -> memref<640xf32, #tpu.memory_space<vmem>>
      %dma_start3A_85 = tpu.memref_slice %arg8[%run_scoped3A_73, %mul3A_72] : memref<16x10240xf32, #tpu.memory_space<vmem_shared>> -> memref<1x640xf32, #tpu.memory_space<vmem_shared>>
      %dma_start3A_86 = tpu.memref_squeeze %dma_start3A_85 : memref<1x640xf32, #tpu.memory_space<vmem_shared>> -> memref<640xf32, #tpu.memory_space<vmem_shared>>
      %dma_start3A_87 = arith.constant 0 : i32
      %dma_start3A_88 = tpu.memref_slice %arg6[%run_scoped3A_74, %dma_start3A_87] : memref<16x640xf32, #tpu.memory_space<vmem>> -> memref<1x640xf32, #tpu.memory_space<vmem>>
      %dma_start3A_89 = tpu.memref_squeeze %dma_start3A_88 : memref<1x640xf32, #tpu.memory_space<vmem>> -> memref<640xf32, #tpu.memory_space<vmem>>
      %dma_start3A_90 = tpu.memref_slice %arg8[%run_scoped3A_73, %mul3A_72] : memref<16x10240xf32, #tpu.memory_space<vmem_shared>> -> memref<1x640xf32, #tpu.memory_space<vmem_shared>>
      %dma_start3A_91 = tpu.memref_squeeze %dma_start3A_90 : memref<1x640xf32, #tpu.memory_space<vmem_shared>> -> memref<640xf32, #tpu.memory_space<vmem_shared>>
      tpu.enqueue_dma source(%dma_start3A_91 : memref<640xf32, #tpu.memory_space<vmem_shared>>) target(%dma_start3A_89 : memref<640xf32, #tpu.memory_space<vmem>>) target_semaphore(%run_scoped3A_82 : memref<!tpu.dma_semaphore, #tpu.memory_space<semaphore_mem>>)
      %dma_wait3A = arith.constant 0 : i32
      %dma_wait3A_92 = tpu.memref_slice %arg6[%run_scoped3A_74, %dma_wait3A] : memref<16x640xf32, #tpu.memory_space<vmem>> -> memref<1x640xf32, #tpu.memory_space<vmem>>
      %dma_wait3A_93 = tpu.memref_squeeze %dma_wait3A_92 : memref<1x640xf32, #tpu.memory_space<vmem>> -> memref<640xf32, #tpu.memory_space<vmem>>
      %dma_wait3A_94 = tpu.memref_slice %arg8[%run_scoped3A_73, %mul3A_72] : memref<16x10240xf32, #tpu.memory_space<vmem_shared>> -> memref<1x640xf32, #tpu.memory_space<vmem_shared>>
      %dma_wait3A_95 = tpu.memref_squeeze %dma_wait3A_94 : memref<1x640xf32, #tpu.memory_space<vmem_shared>> -> memref<640xf32, #tpu.memory_space<vmem_shared>>
      %dma_wait3A_96 = arith.constant 0 : i32
      %dma_wait3A_97 = tpu.memref_slice %arg6[%run_scoped3A_74, %dma_wait3A_96] : memref<16x640xf32, #tpu.memory_space<vmem>> -> memref<1x640xf32, #tpu.memory_space<vmem>>
      %dma_wait3A_98 = tpu.memref_squeeze %dma_wait3A_97 : memref<1x640xf32, #tpu.memory_space<vmem>> -> memref<640xf32, #tpu.memory_space<vmem>>
      %dma_wait3A_99 = tpu.memref_slice %arg8[%run_scoped3A_73, %mul3A_72] : memref<16x10240xf32, #tpu.memory_space<vmem_shared>> -> memref<1x640xf32, #tpu.memory_space<vmem_shared>>
      %dma_wait3A_100 = tpu.memref_squeeze %dma_wait3A_99 : memref<1x640xf32, #tpu.memory_space<vmem_shared>> -> memref<640xf32, #tpu.memory_space<vmem_shared>>
      tpu.wait_dma2 semaphore(%run_scoped3A_82 : memref<!tpu.dma_semaphore, #tpu.memory_space<semaphore_mem>>) src(%dma_wait3A_100 : memref<640xf32, #tpu.memory_space<vmem_shared>>) dst(%dma_wait3A_98 : memref<640xf32, #tpu.memory_space<vmem>>)
      tpu.yield
    }) : () -> ()
    %scan3A_75 = arith.constant 0 : i32
    %scan3A_76 = arith.constant 40 : i32
    %scan3A_77 = arith.addi %scan3A_75, %scan3A_76 : i32
    %scan3A_78 = arith.constant 1 : i32
    scf.for %scan3A_82 = %scan3A_75 to %scan3A_77 step %scan3A_78  : i32 {
      %mul3A_83 = arith.constant 1 : i32
      %mul3A_84 = arith.muli %scan3A_82, %mul3A_83 : i32
      %add3A_85 = arith.constant 0 : i32
      %add3A_86 = arith.addi %add3A_85, %mul3A_84 : i32
      %mul3A_87 = arith.constant 16 : i32
      %mul3A_88 = arith.muli %add3A_86, %mul3A_87 : i32
      %get3A = arith.constant 0 : i32
      %get3A_89 = arith.index_cast %get3A : i32 to index
      %get3A_90 = arith.index_cast %mul3A_88 : i32 to index
      %get3A_91 = tpu.vector_load %arg6[%get3A_89, %get3A_90] {strides = array<i32>} : memref<16x640xf32, #tpu.memory_space<vmem>>, vector<16xf32>,
      %mul3A_92 = arith.constant 16 : i32
      %mul3A_93 = arith.muli %add3A_86, %mul3A_92 : i32
      %get3A_94 = arith.constant 1 : i32
      %get3A_95 = arith.index_cast %get3A_94 : i32 to index
      %get3A_96 = arith.index_cast %mul3A_93 : i32 to index
      %get3A_97 = tpu.vector_load %arg6[%get3A_95, %get3A_96] {strides = array<i32>} : memref<16x640xf32, #tpu.memory_space<vmem>>, vector<16xf32>,
      %add3A_98 = arith.addf %get3A_91, %get3A_97 : vector<16xf32>
      %mul3A_99 = arith.constant 16 : i32
      %mul3A_100 = arith.muli %add3A_86, %mul3A_99 : i32
      %get3A_101 = arith.constant 2 : i32
      %get3A_102 = arith.index_cast %get3A_101 : i32 to index
      %get3A_103 = arith.index_cast %mul3A_100 : i32 to index
      %get3A_104 = tpu.vector_load %arg6[%get3A_102, %get3A_103] {strides = array<i32>} : memref<16x640xf32, #tpu.memory_space<vmem>>, vector<16xf32>,
      %add3A_105 = arith.addf %add3A_98, %get3A_104 : vector<16xf32>
      %mul3A_106 = arith.constant 16 : i32
      %mul3A_107 = arith.muli %add3A_86, %mul3A_106 : i32
      %get3A_108 = arith.constant 3 : i32
      %get3A_109 = arith.index_cast %get3A_108 : i32 to index
      %get3A_110 = arith.index_cast %mul3A_107 : i32 to index
      %get3A_111 = tpu.vector_load %arg6[%get3A_109, %get3A_110] {strides = array<i32>} : memref<16x640xf32, #tpu.memory_space<vmem>>, vector<16xf32>,
      %add3A_112 = arith.addf %add3A_105, %get3A_111 : vector<16xf32>
      %mul3A_113 = arith.constant 16 : i32
      %mul3A_114 = arith.muli %add3A_86, %mul3A_113 : i32
      %get3A_115 = arith.constant 4 : i32
      %get3A_116 = arith.index_cast %get3A_115 : i32 to index
      %get3A_117 = arith.index_cast %mul3A_114 : i32 to index
      %get3A_118 = tpu.vector_load %arg6[%get3A_116, %get3A_117] {strides = array<i32>} : memref<16x640xf32, #tpu.memory_space<vmem>>, vector<16xf32>,
      %add3A_119 = arith.addf %add3A_112, %get3A_118 : vector<16xf32>
      %mul3A_120 = arith.constant 16 : i32
      %mul3A_121 = arith.muli %add3A_86, %mul3A_120 : i32
      %get3A_122 = arith.constant 5 : i32
      %get3A_123 = arith.index_cast %get3A_122 : i32 to index
      %get3A_124 = arith.index_cast %mul3A_121 : i32 to index
      %get3A_125 = tpu.vector_load %arg6[%get3A_123, %get3A_124] {strides = array<i32>} : memref<16x640xf32, #tpu.memory_space<vmem>>, vector<16xf32>,
      %add3A_126 = arith.addf %add3A_119, %get3A_125 : vector<16xf32>
      %mul3A_127 = arith.constant 16 : i32
      %mul3A_128 = arith.muli %add3A_86, %mul3A_127 : i32
      %get3A_129 = arith.constant 6 : i32
      %get3A_130 = arith.index_cast %get3A_129 : i32 to index
      %get3A_131 = arith.index_cast %mul3A_128 : i32 to index
      %get3A_132 = tpu.vector_load %arg6[%get3A_130, %get3A_131] {strides = array<i32>} : memref<16x640xf32, #tpu.memory_space<vmem>>, vector<16xf32>,
      %add3A_133 = arith.addf %add3A_126, %get3A_132 : vector<16xf32>
      %mul3A_134 = arith.constant 16 : i32
      %mul3A_135 = arith.muli %add3A_86, %mul3A_134 : i32
      %get3A_136 = arith.constant 7 : i32
      %get3A_137 = arith.index_cast %get3A_136 : i32 to index
      %get3A_138 = arith.index_cast %mul3A_135 : i32 to index
      %get3A_139 = tpu.vector_load %arg6[%get3A_137, %get3A_138] {strides = array<i32>} : memref<16x640xf32, #tpu.memory_space<vmem>>, vector<16xf32>,
      %add3A_140 = arith.addf %add3A_133, %get3A_139 : vector<16xf32>
      %mul3A_141 = arith.constant 16 : i32
      %mul3A_142 = arith.muli %add3A_86, %mul3A_141 : i32
      %get3A_143 = arith.constant 8 : i32
      %get3A_144 = arith.index_cast %get3A_143 : i32 to index
      %get3A_145 = arith.index_cast %mul3A_142 : i32 to index
      %get3A_146 = tpu.vector_load %arg6[%get3A_144, %get3A_145] {strides = array<i32>} : memref<16x640xf32, #tpu.memory_space<vmem>>, vector<16xf32>,
      %add3A_147 = arith.addf %add3A_140, %get3A_146 : vector<16xf32>
      %mul3A_148 = arith.constant 16 : i32
      %mul3A_149 = arith.muli %add3A_86, %mul3A_148 : i32
      %get3A_150 = arith.constant 9 : i32
      %get3A_151 = arith.index_cast %get3A_150 : i32 to index
      %get3A_152 = arith.index_cast %mul3A_149 : i32 to index
      %get3A_153 = tpu.vector_load %arg6[%get3A_151, %get3A_152] {strides = array<i32>} : memref<16x640xf32, #tpu.memory_space<vmem>>, vector<16xf32>,
      %add3A_154 = arith.addf %add3A_147, %get3A_153 : vector<16xf32>
      %mul3A_155 = arith.constant 16 : i32
      %mul3A_156 = arith.muli %add3A_86, %mul3A_155 : i32
      %get3A_157 = arith.constant 10 : i32
      %get3A_158 = arith.index_cast %get3A_157 : i32 to index
      %get3A_159 = arith.index_cast %mul3A_156 : i32 to index
      %get3A_160 = tpu.vector_load %arg6[%get3A_158, %get3A_159] {strides = array<i32>} : memref<16x640xf32, #tpu.memory_space<vmem>>, vector<16xf32>,
      %add3A_161 = arith.addf %add3A_154, %get3A_160 : vector<16xf32>
      %mul3A_162 = arith.constant 16 : i32
      %mul3A_163 = arith.muli %add3A_86, %mul3A_162 : i32
      %get3A_164 = arith.constant 11 : i32
      %get3A_165 = arith.index_cast %get3A_164 : i32 to index
      %get3A_166 = arith.index_cast %mul3A_163 : i32 to index
      %get3A_167 = tpu.vector_load %arg6[%get3A_165, %get3A_166] {strides = array<i32>} : memref<16x640xf32, #tpu.memory_space<vmem>>, vector<16xf32>,
      %add3A_168 = arith.addf %add3A_161, %get3A_167 : vector<16xf32>
      %mul3A_169 = arith.constant 16 : i32
      %mul3A_170 = arith.muli %add3A_86, %mul3A_169 : i32
      %get3A_171 = arith.constant 12 : i32
      %get3A_172 = arith.index_cast %get3A_171 : i32 to index
      %get3A_173 = arith.index_cast %mul3A_170 : i32 to index
      %get3A_174 = tpu.vector_load %arg6[%get3A_172, %get3A_173] {strides = array<i32>} : memref<16x640xf32, #tpu.memory_space<vmem>>, vector<16xf32>,
      %add3A_175 = arith.addf %add3A_168, %get3A_174 : vector<16xf32>
      %mul3A_176 = arith.constant 16 : i32
      %mul3A_177 = arith.muli %add3A_86, %mul3A_176 : i32
      %get3A_178 = arith.constant 13 : i32
      %get3A_179 = arith.index_cast %get3A_178 : i32 to index
      %get3A_180 = arith.index_cast %mul3A_177 : i32 to index
      %get3A_181 = tpu.vector_load %arg6[%get3A_179, %get3A_180] {strides = array<i32>} : memref<16x640xf32, #tpu.memory_space<vmem>>, vector<16xf32>,
      %add3A_182 = arith.addf %add3A_175, %get3A_181 : vector<16xf32>
      %mul3A_183 = arith.constant 16 : i32
      %mul3A_184 = arith.muli %add3A_86, %mul3A_183 : i32
      %get3A_185 = arith.constant 14 : i32
      %get3A_186 = arith.index_cast %get3A_185 : i32 to index
      %get3A_187 = arith.index_cast %mul3A_184 : i32 to index
      %get3A_188 = tpu.vector_load %arg6[%get3A_186, %get3A_187] {strides = array<i32>} : memref<16x640xf32, #tpu.memory_space<vmem>>, vector<16xf32>,
      %add3A_189 = arith.addf %add3A_182, %get3A_188 : vector<16xf32>
      %mul3A_190 = arith.constant 16 : i32
      %mul3A_191 = arith.muli %add3A_86, %mul3A_190 : i32
      %get3A_192 = arith.constant 15 : i32
      %get3A_193 = arith.index_cast %get3A_192 : i32 to index
      %get3A_194 = arith.index_cast %mul3A_191 : i32 to index
      %get3A_195 = tpu.vector_load %arg6[%get3A_193, %get3A_194] {strides = array<i32>} : memref<16x640xf32, #tpu.memory_space<vmem>>, vector<16xf32>,
      %add3A_196 = arith.addf %add3A_189, %get3A_195 : vector<16xf32>
      %mul3A_197 = arith.constant 16 : i32
      %mul3A_198 = arith.muli %add3A_86, %mul3A_197 : i32
      %iota3A = tpu.iota {dimensions = array<i32: 0>} : vector<16xi32>
      %add3A_199 = vector.broadcast %mul3A_198 : i32 to vector<16xi32>
      %add3A_200 = arith.addi %add3A_199, %iota3A : vector<16xi32>
      %broadcast_in_dim3A_201 = arith.constant 0 : i32
      %broadcast_in_dim3A_202 = vector.broadcast %broadcast_in_dim3A_201 : i32 to vector<16xi32>
      tpu.vector_store_idx %arg7[%add3A_200, %broadcast_in_dim3A_202], %add3A_196 : memref<640x16xf32, #tpu.memory_space<vmem>>[vector<16xi32>, vector<16xi32>], vector<16xf32>,
      %broadcast_in_dim3A_203 = arith.constant 1 : i32
      %broadcast_in_dim3A_204 = vector.broadcast %broadcast_in_dim3A_203 : i32 to vector<16xi32>
      tpu.vector_store_idx %arg7[%add3A_200, %broadcast_in_dim3A_204], %add3A_196 : memref<640x16xf32, #tpu.memory_space<vmem>>[vector<16xi32>, vector<16xi32>], vector<16xf32>,
      %broadcast_in_dim3A_205 = arith.constant 2 : i32
      %broadcast_in_dim3A_206 = vector.broadcast %broadcast_in_dim3A_205 : i32 to vector<16xi32>
      tpu.vector_store_idx %arg7[%add3A_200, %broadcast_in_dim3A_206], %add3A_196 : memref<640x16xf32, #tpu.memory_space<vmem>>[vector<16xi32>, vector<16xi32>], vector<16xf32>,
      %broadcast_in_dim3A_207 = arith.constant 3 : i32
      %broadcast_in_dim3A_208 = vector.broadcast %broadcast_in_dim3A_207 : i32 to vector<16xi32>
      tpu.vector_store_idx %arg7[%add3A_200, %broadcast_in_dim3A_208], %add3A_196 : memref<640x16xf32, #tpu.memory_space<vmem>>[vector<16xi32>, vector<16xi32>], vector<16xf32>,
      %broadcast_in_dim3A_209 = arith.constant 4 : i32
      %broadcast_in_dim3A_210 = vector.broadcast %broadcast_in_dim3A_209 : i32 to vector<16xi32>
      tpu.vector_store_idx %arg7[%add3A_200, %broadcast_in_dim3A_210], %add3A_196 : memref<640x16xf32, #tpu.memory_space<vmem>>[vector<16xi32>, vector<16xi32>], vector<16xf32>,
      %broadcast_in_dim3A_211 = arith.constant 5 : i32
      %broadcast_in_dim3A_212 = vector.broadcast %broadcast_in_dim3A_211 : i32 to vector<16xi32>
      tpu.vector_store_idx %arg7[%add3A_200, %broadcast_in_dim3A_212], %add3A_196 : memref<640x16xf32, #tpu.memory_space<vmem>>[vector<16xi32>, vector<16xi32>], vector<16xf32>,
      %broadcast_in_dim3A_213 = arith.constant 6 : i32
      %broadcast_in_dim3A_214 = vector.broadcast %broadcast_in_dim3A_213 : i32 to vector<16xi32>
      tpu.vector_store_idx %arg7[%add3A_200, %broadcast_in_dim3A_214], %add3A_196 : memref<640x16xf32, #tpu.memory_space<vmem>>[vector<16xi32>, vector<16xi32>], vector<16xf32>,
      %broadcast_in_dim3A_215 = arith.constant 7 : i32
      %broadcast_in_dim3A_216 = vector.broadcast %broadcast_in_dim3A_215 : i32 to vector<16xi32>
      tpu.vector_store_idx %arg7[%add3A_200, %broadcast_in_dim3A_216], %add3A_196 : memref<640x16xf32, #tpu.memory_space<vmem>>[vector<16xi32>, vector<16xi32>], vector<16xf32>,
      %broadcast_in_dim3A_217 = arith.constant 8 : i32
      %broadcast_in_dim3A_218 = vector.broadcast %broadcast_in_dim3A_217 : i32 to vector<16xi32>
      tpu.vector_store_idx %arg7[%add3A_200, %broadcast_in_dim3A_218], %add3A_196 : memref<640x16xf32, #tpu.memory_space<vmem>>[vector<16xi32>, vector<16xi32>], vector<16xf32>,
      %broadcast_in_dim3A_219 = arith.constant 9 : i32
      %broadcast_in_dim3A_220 = vector.broadcast %broadcast_in_dim3A_219 : i32 to vector<16xi32>
      tpu.vector_store_idx %arg7[%add3A_200, %broadcast_in_dim3A_220], %add3A_196 : memref<640x16xf32, #tpu.memory_space<vmem>>[vector<16xi32>, vector<16xi32>], vector<16xf32>,
      %broadcast_in_dim3A_221 = arith.constant 10 : i32
      %broadcast_in_dim3A_222 = vector.broadcast %broadcast_in_dim3A_221 : i32 to vector<16xi32>
      tpu.vector_store_idx %arg7[%add3A_200, %broadcast_in_dim3A_222], %add3A_196 : memref<640x16xf32, #tpu.memory_space<vmem>>[vector<16xi32>, vector<16xi32>], vector<16xf32>,
      %broadcast_in_dim3A_223 = arith.constant 11 : i32
      %broadcast_in_dim3A_224 = vector.broadcast %broadcast_in_dim3A_223 : i32 to vector<16xi32>
      tpu.vector_store_idx %arg7[%add3A_200, %broadcast_in_dim3A_224], %add3A_196 : memref<640x16xf32, #tpu.memory_space<vmem>>[vector<16xi32>, vector<16xi32>], vector<16xf32>,
      %broadcast_in_dim3A_225 = arith.constant 12 : i32
      %broadcast_in_dim3A_226 = vector.broadcast %broadcast_in_dim3A_225 : i32 to vector<16xi32>
      tpu.vector_store_idx %arg7[%add3A_200, %broadcast_in_dim3A_226], %add3A_196 : memref<640x16xf32, #tpu.memory_space<vmem>>[vector<16xi32>, vector<16xi32>], vector<16xf32>,
      %broadcast_in_dim3A_227 = arith.constant 13 : i32
      %broadcast_in_dim3A_228 = vector.broadcast %broadcast_in_dim3A_227 : i32 to vector<16xi32>
      tpu.vector_store_idx %arg7[%add3A_200, %broadcast_in_dim3A_228], %add3A_196 : memref<640x16xf32, #tpu.memory_space<vmem>>[vector<16xi32>, vector<16xi32>], vector<16xf32>,
      %broadcast_in_dim3A_229 = arith.constant 14 : i32
      %broadcast_in_dim3A_230 = vector.broadcast %broadcast_in_dim3A_229 : i32 to vector<16xi32>
      tpu.vector_store_idx %arg7[%add3A_200, %broadcast_in_dim3A_230], %add3A_196 : memref<640x16xf32, #tpu.memory_space<vmem>>[vector<16xi32>, vector<16xi32>], vector<16xf32>,
      %broadcast_in_dim3A_231 = arith.constant 15 : i32
      %broadcast_in_dim3A_232 = vector.broadcast %broadcast_in_dim3A_231 : i32 to vector<16xi32>
      tpu.vector_store_idx %arg7[%add3A_200, %broadcast_in_dim3A_232], %add3A_196 : memref<640x16xf32, #tpu.memory_space<vmem>>[vector<16xi32>, vector<16xi32>], vector<16xf32>,
    }
    %scan3A_79 = arith.constant 40 : i32
    %mul3A_80 = arith.constant 640 : i32
    %mul3A_81 = arith.muli %arg1, %mul3A_80 : i32
    "tpu.region"() ({
      %run_scoped3A_82 = tpu.sem_alloc : memref<!tpu.dma_semaphore, #tpu.memory_space<semaphore_mem>>
      %dma_start3A = arith.constant 0 : i32
      %dma_start3A_83 = tpu.memref_slice %arg3[%arg0, %mul3A_81, %dma_start3A] : memref<2x10240x16xf32, #tpu.memory_space<hbm>> -> memref<1x640x16xf32, #tpu.memory_space<hbm>>
      %dma_start3A_84 = tpu.memref_squeeze %dma_start3A_83 : memref<1x640x16xf32, #tpu.memory_space<hbm>> -> memref<640x16xf32, #tpu.memory_space<hbm>>
      %dma_start3A_85 = arith.constant 0 : i32
      %dma_start3A_86 = tpu.memref_slice %arg3[%arg0, %mul3A_81, %dma_start3A_85] : memref<2x10240x16xf32, #tpu.memory_space<hbm>> -> memref<1x640x16xf32, #tpu.memory_space<hbm>>
      %dma_start3A_87 = tpu.memref_squeeze %dma_start3A_86 : memref<1x640x16xf32, #tpu.memory_space<hbm>> -> memref<640x16xf32, #tpu.memory_space<hbm>>
      tpu.enqueue_dma source(%arg7 : memref<640x16xf32, #tpu.memory_space<vmem>>) target(%dma_start3A_87 : memref<640x16xf32, #tpu.memory_space<hbm>>) target_semaphore(%run_scoped3A_82 : memref<!tpu.dma_semaphore, #tpu.memory_space<semaphore_mem>>)
      %dma_wait3A = arith.constant 0 : i32
      %dma_wait3A_88 = tpu.memref_slice %arg3[%arg0, %mul3A_81, %dma_wait3A] : memref<2x10240x16xf32, #tpu.memory_space<hbm>> -> memref<1x640x16xf32, #tpu.memory_space<hbm>>
      %dma_wait3A_89 = tpu.memref_squeeze %dma_wait3A_88 : memref<1x640x16xf32, #tpu.memory_space<hbm>> -> memref<640x16xf32, #tpu.memory_space<hbm>>
      %dma_wait3A_90 = arith.constant 0 : i32
      %dma_wait3A_91 = tpu.memref_slice %arg3[%arg0, %mul3A_81, %dma_wait3A_90] : memref<2x10240x16xf32, #tpu.memory_space<hbm>> -> memref<1x640x16xf32, #tpu.memory_space<hbm>>
      %dma_wait3A_92 = tpu.memref_squeeze %dma_wait3A_91 : memref<1x640x16xf32, #tpu.memory_space<hbm>> -> memref<640x16xf32, #tpu.memory_space<hbm>>
      tpu.wait_dma2 semaphore(%run_scoped3A_82 : memref<!tpu.dma_semaphore, #tpu.memory_space<semaphore_mem>>) src(%arg7 : memref<640x16xf32, #tpu.memory_space<vmem>>) dst(%dma_wait3A_92 : memref<640x16xf32, #tpu.memory_space<hbm>>)
      tpu.yield
    }) : () -> ()
    return
  }
}

#map = affine_map<(d0, d1) -> (0, 0, 0, 0)>
#map1 = affine_map<(d0, d1) -> (0, 0)>
#map2 = affine_map<(d0, d1) -> (0, 0, 0)>
module attributes {stable_mosaic.version = 14 : i64} {
  func.func @_agg_body(%arg0: i32, %arg1: i32, %arg2: memref<2x32x80x125xi32, #tpu.memory_space<hbm>>, %arg3: memref<10240x64xf32, #tpu.memory_space<hbm>>, %arg4: memref<10240x64xf32, #tpu.memory_space<hbm>>, %arg5: memref<2x10240x64xf32, #tpu.memory_space<hbm>>, %arg6: memref<80x125xi32, #tpu.memory_space<vmem>>, %arg7: memref<80x125xi32, #tpu.memory_space<vmem>>, %arg8: memref<3x125x64xf32, #tpu.memory_space<vmem>>, %arg9: memref<10240x64xf32, #tpu.memory_space<vmem_shared>>, %arg10: memref<10240x64xf32, #tpu.memory_space<vmem_shared>>, %arg11: memref<3x!tpu.dma_semaphore, #tpu.memory_space<semaphore_mem>>, %arg12: memref<3x!tpu.dma_semaphore, #tpu.memory_space<semaphore_mem>>, %arg13: memref<2x!tpu.dma_semaphore, #tpu.memory_space<semaphore_mem>>) attributes {dimension_semantics = [#tpu.dimension_semantics<core_parallel>, #tpu.dimension_semantics<subcore_parallel>], iteration_bounds = array<i64: 2, 16>, scalar_prefetch = 0 : i64, scratch_operands = 8 : i64, tpu.core_type = #tpu.core_type<sc_vector_subcore>, window_params = [{transform_indices = #map}, {transform_indices = #map1}, {transform_indices = #map1}, {transform_indices = #map2}]} {
    %mul3A = arith.constant 16 : i32
    %mul3A_0 = arith.muli %arg0, %mul3A : i32
    %add3A = arith.addi %mul3A_0, %arg1 : i32
    %mul3A_1 = arith.constant 640 : i32
    %mul3A_2 = arith.muli %arg1, %mul3A_1 : i32
    %mul3A_3 = arith.constant 640 : i32
    %mul3A_4 = arith.muli %arg1, %mul3A_3 : i32
    %dma_start3A = arith.constant 0 : i32
    %dma_start3A_5 = tpu.memref_slice %arg13[%dma_start3A] : memref<2x!tpu.dma_semaphore, #tpu.memory_space<semaphore_mem>> -> memref<1x!tpu.dma_semaphore, #tpu.memory_space<semaphore_mem>>
    %dma_start3A_6 = tpu.memref_squeeze %dma_start3A_5 : memref<1x!tpu.dma_semaphore, #tpu.memory_space<semaphore_mem>> -> memref<!tpu.dma_semaphore, #tpu.memory_space<semaphore_mem>>
    %dma_start3A_7 = arith.constant 0 : i32
    %dma_start3A_8 = tpu.memref_slice %arg10[%mul3A_4, %dma_start3A_7] : memref<10240x64xf32, #tpu.memory_space<vmem_shared>> -> memref<640x64xf32, #tpu.memory_space<vmem_shared>>
    %dma_start3A_9 = arith.constant 0 : i32
    %dma_start3A_10 = tpu.memref_slice %arg4[%mul3A_2, %dma_start3A_9] : memref<10240x64xf32, #tpu.memory_space<hbm>> -> memref<640x64xf32, #tpu.memory_space<hbm>>
    tpu.enqueue_dma source(%dma_start3A_10 : memref<640x64xf32, #tpu.memory_space<hbm>>) target(%dma_start3A_8 : memref<640x64xf32, #tpu.memory_space<vmem_shared>>) target_semaphore(%dma_start3A_6 : memref<!tpu.dma_semaphore, #tpu.memory_space<semaphore_mem>>)
    %mul3A_11 = arith.constant 640 : i32
    %mul3A_12 = arith.muli %arg1, %mul3A_11 : i32
    %mul3A_13 = arith.constant 640 : i32
    %mul3A_14 = arith.muli %arg1, %mul3A_13 : i32
    %dma_start3A_15 = arith.constant 1 : i32
    %dma_start3A_16 = tpu.memref_slice %arg13[%dma_start3A_15] : memref<2x!tpu.dma_semaphore, #tpu.memory_space<semaphore_mem>> -> memref<1x!tpu.dma_semaphore, #tpu.memory_space<semaphore_mem>>
    %dma_start3A_17 = tpu.memref_squeeze %dma_start3A_16 : memref<1x!tpu.dma_semaphore, #tpu.memory_space<semaphore_mem>> -> memref<!tpu.dma_semaphore, #tpu.memory_space<semaphore_mem>>
    %dma_start3A_18 = arith.constant 0 : i32
    %dma_start3A_19 = tpu.memref_slice %arg9[%mul3A_14, %dma_start3A_18] : memref<10240x64xf32, #tpu.memory_space<vmem_shared>> -> memref<640x64xf32, #tpu.memory_space<vmem_shared>>
    %dma_start3A_20 = arith.constant 0 : i32
    %dma_start3A_21 = tpu.memref_slice %arg3[%mul3A_12, %dma_start3A_20] : memref<10240x64xf32, #tpu.memory_space<hbm>> -> memref<640x64xf32, #tpu.memory_space<hbm>>
    tpu.enqueue_dma source(%dma_start3A_21 : memref<640x64xf32, #tpu.memory_space<hbm>>) target(%dma_start3A_19 : memref<640x64xf32, #tpu.memory_space<vmem_shared>>) target_semaphore(%dma_start3A_17 : memref<!tpu.dma_semaphore, #tpu.memory_space<semaphore_mem>>)
    %run_scoped3A = arith.constant 0 : i32
    "tpu.region"() ({
      %run_scoped3A_128 = tpu.sem_alloc : memref<!tpu.dma_semaphore, #tpu.memory_space<semaphore_mem>>
      %dma_start3A_129 = arith.constant 0 : i32
      %dma_start3A_130 = arith.constant 0 : i32
      %dma_start3A_131 = tpu.memref_slice %arg2[%run_scoped3A, %add3A, %dma_start3A_129, %dma_start3A_130] : memref<2x32x80x125xi32, #tpu.memory_space<hbm>> -> memref<1x1x80x125xi32, #tpu.memory_space<hbm>>
      %dma_start3A_132 = tpu.memref_squeeze %dma_start3A_131 : memref<1x1x80x125xi32, #tpu.memory_space<hbm>> -> memref<80x125xi32, #tpu.memory_space<hbm>>
      %dma_start3A_133 = arith.constant 0 : i32
      %dma_start3A_134 = arith.constant 0 : i32
      %dma_start3A_135 = tpu.memref_slice %arg2[%run_scoped3A, %add3A, %dma_start3A_133, %dma_start3A_134] : memref<2x32x80x125xi32, #tpu.memory_space<hbm>> -> memref<1x1x80x125xi32, #tpu.memory_space<hbm>>
      %dma_start3A_136 = tpu.memref_squeeze %dma_start3A_135 : memref<1x1x80x125xi32, #tpu.memory_space<hbm>> -> memref<80x125xi32, #tpu.memory_space<hbm>>
      tpu.enqueue_dma source(%dma_start3A_136 : memref<80x125xi32, #tpu.memory_space<hbm>>) target(%arg6 : memref<80x125xi32, #tpu.memory_space<vmem>>) target_semaphore(%run_scoped3A_128 : memref<!tpu.dma_semaphore, #tpu.memory_space<semaphore_mem>>)
      %dma_wait3A_137 = arith.constant 0 : i32
      %dma_wait3A_138 = arith.constant 0 : i32
      %dma_wait3A_139 = tpu.memref_slice %arg2[%run_scoped3A, %add3A, %dma_wait3A_137, %dma_wait3A_138] : memref<2x32x80x125xi32, #tpu.memory_space<hbm>> -> memref<1x1x80x125xi32, #tpu.memory_space<hbm>>
      %dma_wait3A_140 = tpu.memref_squeeze %dma_wait3A_139 : memref<1x1x80x125xi32, #tpu.memory_space<hbm>> -> memref<80x125xi32, #tpu.memory_space<hbm>>
      %dma_wait3A_141 = arith.constant 0 : i32
      %dma_wait3A_142 = arith.constant 0 : i32
      %dma_wait3A_143 = tpu.memref_slice %arg2[%run_scoped3A, %add3A, %dma_wait3A_141, %dma_wait3A_142] : memref<2x32x80x125xi32, #tpu.memory_space<hbm>> -> memref<1x1x80x125xi32, #tpu.memory_space<hbm>>
      %dma_wait3A_144 = tpu.memref_squeeze %dma_wait3A_143 : memref<1x1x80x125xi32, #tpu.memory_space<hbm>> -> memref<80x125xi32, #tpu.memory_space<hbm>>
      tpu.wait_dma2 semaphore(%run_scoped3A_128 : memref<!tpu.dma_semaphore, #tpu.memory_space<semaphore_mem>>) src(%dma_wait3A_144 : memref<80x125xi32, #tpu.memory_space<hbm>>) dst(%arg6 : memref<80x125xi32, #tpu.memory_space<vmem>>)
      tpu.yield
    }) : () -> ()
    %run_scoped3A_22 = arith.constant 1 : i32
    "tpu.region"() ({
      %run_scoped3A_128 = tpu.sem_alloc : memref<!tpu.dma_semaphore, #tpu.memory_space<semaphore_mem>>
      %dma_start3A_129 = arith.constant 0 : i32
      %dma_start3A_130 = arith.constant 0 : i32
      %dma_start3A_131 = tpu.memref_slice %arg2[%run_scoped3A_22, %add3A, %dma_start3A_129, %dma_start3A_130] : memref<2x32x80x125xi32, #tpu.memory_space<hbm>> -> memref<1x1x80x125xi32, #tpu.memory_space<hbm>>
      %dma_start3A_132 = tpu.memref_squeeze %dma_start3A_131 : memref<1x1x80x125xi32, #tpu.memory_space<hbm>> -> memref<80x125xi32, #tpu.memory_space<hbm>>
      %dma_start3A_133 = arith.constant 0 : i32
      %dma_start3A_134 = arith.constant 0 : i32
      %dma_start3A_135 = tpu.memref_slice %arg2[%run_scoped3A_22, %add3A, %dma_start3A_133, %dma_start3A_134] : memref<2x32x80x125xi32, #tpu.memory_space<hbm>> -> memref<1x1x80x125xi32, #tpu.memory_space<hbm>>
      %dma_start3A_136 = tpu.memref_squeeze %dma_start3A_135 : memref<1x1x80x125xi32, #tpu.memory_space<hbm>> -> memref<80x125xi32, #tpu.memory_space<hbm>>
      tpu.enqueue_dma source(%dma_start3A_136 : memref<80x125xi32, #tpu.memory_space<hbm>>) target(%arg7 : memref<80x125xi32, #tpu.memory_space<vmem>>) target_semaphore(%run_scoped3A_128 : memref<!tpu.dma_semaphore, #tpu.memory_space<semaphore_mem>>)
      %dma_wait3A_137 = arith.constant 0 : i32
      %dma_wait3A_138 = arith.constant 0 : i32
      %dma_wait3A_139 = tpu.memref_slice %arg2[%run_scoped3A_22, %add3A, %dma_wait3A_137, %dma_wait3A_138] : memref<2x32x80x125xi32, #tpu.memory_space<hbm>> -> memref<1x1x80x125xi32, #tpu.memory_space<hbm>>
      %dma_wait3A_140 = tpu.memref_squeeze %dma_wait3A_139 : memref<1x1x80x125xi32, #tpu.memory_space<hbm>> -> memref<80x125xi32, #tpu.memory_space<hbm>>
      %dma_wait3A_141 = arith.constant 0 : i32
      %dma_wait3A_142 = arith.constant 0 : i32
      %dma_wait3A_143 = tpu.memref_slice %arg2[%run_scoped3A_22, %add3A, %dma_wait3A_141, %dma_wait3A_142] : memref<2x32x80x125xi32, #tpu.memory_space<hbm>> -> memref<1x1x80x125xi32, #tpu.memory_space<hbm>>
      %dma_wait3A_144 = tpu.memref_squeeze %dma_wait3A_143 : memref<1x1x80x125xi32, #tpu.memory_space<hbm>> -> memref<80x125xi32, #tpu.memory_space<hbm>>
      tpu.wait_dma2 semaphore(%run_scoped3A_128 : memref<!tpu.dma_semaphore, #tpu.memory_space<semaphore_mem>>) src(%dma_wait3A_144 : memref<80x125xi32, #tpu.memory_space<hbm>>) dst(%arg7 : memref<80x125xi32, #tpu.memory_space<vmem>>)
      tpu.yield
    }) : () -> ()
    %mul3A_23 = arith.constant 640 : i32
    %mul3A_24 = arith.muli %arg1, %mul3A_23 : i32
    %mul3A_25 = arith.constant 640 : i32
    %mul3A_26 = arith.muli %arg1, %mul3A_25 : i32
    %dma_wait3A = arith.constant 0 : i32
    %dma_wait3A_27 = tpu.memref_slice %arg13[%dma_wait3A] : memref<2x!tpu.dma_semaphore, #tpu.memory_space<semaphore_mem>> -> memref<1x!tpu.dma_semaphore, #tpu.memory_space<semaphore_mem>>
    %dma_wait3A_28 = tpu.memref_squeeze %dma_wait3A_27 : memref<1x!tpu.dma_semaphore, #tpu.memory_space<semaphore_mem>> -> memref<!tpu.dma_semaphore, #tpu.memory_space<semaphore_mem>>
    %dma_wait3A_29 = arith.constant 0 : i32
    %dma_wait3A_30 = tpu.memref_slice %arg10[%mul3A_26, %dma_wait3A_29] : memref<10240x64xf32, #tpu.memory_space<vmem_shared>> -> memref<640x64xf32, #tpu.memory_space<vmem_shared>>
    %dma_wait3A_31 = arith.constant 0 : i32
    %dma_wait3A_32 = tpu.memref_slice %arg4[%mul3A_24, %dma_wait3A_31] : memref<10240x64xf32, #tpu.memory_space<hbm>> -> memref<640x64xf32, #tpu.memory_space<hbm>>
    tpu.wait_dma2 semaphore(%dma_wait3A_28 : memref<!tpu.dma_semaphore, #tpu.memory_space<semaphore_mem>>) src(%dma_wait3A_32 : memref<640x64xf32, #tpu.memory_space<hbm>>) dst(%dma_wait3A_30 : memref<640x64xf32, #tpu.memory_space<vmem_shared>>)
    %mul3A_33 = arith.constant 640 : i32
    %mul3A_34 = arith.muli %arg1, %mul3A_33 : i32
    %mul3A_35 = arith.constant 640 : i32
    %mul3A_36 = arith.muli %arg1, %mul3A_35 : i32
    %dma_wait3A_37 = arith.constant 1 : i32
    %dma_wait3A_38 = tpu.memref_slice %arg13[%dma_wait3A_37] : memref<2x!tpu.dma_semaphore, #tpu.memory_space<semaphore_mem>> -> memref<1x!tpu.dma_semaphore, #tpu.memory_space<semaphore_mem>>
    %dma_wait3A_39 = tpu.memref_squeeze %dma_wait3A_38 : memref<1x!tpu.dma_semaphore, #tpu.memory_space<semaphore_mem>> -> memref<!tpu.dma_semaphore, #tpu.memory_space<semaphore_mem>>
    %dma_wait3A_40 = arith.constant 0 : i32
    %dma_wait3A_41 = tpu.memref_slice %arg9[%mul3A_36, %dma_wait3A_40] : memref<10240x64xf32, #tpu.memory_space<vmem_shared>> -> memref<640x64xf32, #tpu.memory_space<vmem_shared>>
    %dma_wait3A_42 = arith.constant 0 : i32
    %dma_wait3A_43 = tpu.memref_slice %arg3[%mul3A_34, %dma_wait3A_42] : memref<10240x64xf32, #tpu.memory_space<hbm>> -> memref<640x64xf32, #tpu.memory_space<hbm>>
    tpu.wait_dma2 semaphore(%dma_wait3A_39 : memref<!tpu.dma_semaphore, #tpu.memory_space<semaphore_mem>>) src(%dma_wait3A_43 : memref<640x64xf32, #tpu.memory_space<hbm>>) dst(%dma_wait3A_41 : memref<640x64xf32, #tpu.memory_space<vmem_shared>>)
    %barrier3A = arith.constant 0 : index
    tpu.barrier barrier_id(%barrier3A)
    %dma_start3A_44 = arith.constant 0 : i32
    %dma_start3A_45 = arith.constant 0 : i32
    %dma_start3A_46 = arith.constant 0 : i32
    %dma_start3A_47 = arith.constant 0 : i32
    %dma_start3A_48 = arith.constant 0 : i32
    %dma_start3A_49 = tpu.memref_slice %arg8[%dma_start3A_45, %dma_start3A_47, %dma_start3A_48] : memref<3x125x64xf32, #tpu.memory_space<vmem>> -> memref<1x125x64xf32, #tpu.memory_space<vmem>>
    %dma_start3A_50 = tpu.memref_squeeze %dma_start3A_49 : memref<1x125x64xf32, #tpu.memory_space<vmem>> -> memref<125x64xf32, #tpu.memory_space<vmem>>
    %dma_start3A_51 = arith.constant 0 : i32
    %dma_start3A_52 = tpu.memref_slice %arg6[%dma_start3A_44, %dma_start3A_51] : memref<80x125xi32, #tpu.memory_space<vmem>> -> memref<1x125xi32, #tpu.memory_space<vmem>>
    %dma_start3A_53 = tpu.memref_squeeze %dma_start3A_52 : memref<1x125xi32, #tpu.memory_space<vmem>> -> memref<125xi32, #tpu.memory_space<vmem>>
    %dma_start3A_54 = arith.constant 0 : i32
    %dma_start3A_55 = arith.constant 0 : i32
    %dma_start3A_56 = tpu.memref_slice %arg9[%dma_start3A_54, %dma_start3A_55] : memref<10240x64xf32, #tpu.memory_space<vmem_shared>> -> memref<10240x64xf32, #tpu.memory_space<vmem_shared>>
    %dma_start3A_57 = tpu.memref_slice %arg11[%dma_start3A_46] : memref<3x!tpu.dma_semaphore, #tpu.memory_space<semaphore_mem>> -> memref<1x!tpu.dma_semaphore, #tpu.memory_space<semaphore_mem>>
    %dma_start3A_58 = tpu.memref_squeeze %dma_start3A_57 : memref<1x!tpu.dma_semaphore, #tpu.memory_space<semaphore_mem>> -> memref<!tpu.dma_semaphore, #tpu.memory_space<semaphore_mem>>
    tpu.enqueue_indirect_dma source(%dma_start3A_56 : memref<10240x64xf32, #tpu.memory_space<vmem_shared>>) target(%dma_start3A_50 : memref<125x64xf32, #tpu.memory_space<vmem>>) offsets(%dma_start3A_53 : memref<125xi32, #tpu.memory_space<vmem>>) semaphore(%dma_start3A_58 : memref<!tpu.dma_semaphore, #tpu.memory_space<semaphore_mem>>)
    %dma_start3A_59 = arith.constant 1 : i32
    %dma_start3A_60 = arith.constant 1 : i32
    %dma_start3A_61 = arith.constant 1 : i32
    %dma_start3A_62 = arith.constant 0 : i32
    %dma_start3A_63 = arith.constant 0 : i32
    %dma_start3A_64 = tpu.memref_slice %arg8[%dma_start3A_60, %dma_start3A_62, %dma_start3A_63] : memref<3x125x64xf32, #tpu.memory_space<vmem>> -> memref<1x125x64xf32, #tpu.memory_space<vmem>>
    %dma_start3A_65 = tpu.memref_squeeze %dma_start3A_64 : memref<1x125x64xf32, #tpu.memory_space<vmem>> -> memref<125x64xf32, #tpu.memory_space<vmem>>
    %dma_start3A_66 = arith.constant 0 : i32
    %dma_start3A_67 = tpu.memref_slice %arg6[%dma_start3A_59, %dma_start3A_66] : memref<80x125xi32, #tpu.memory_space<vmem>> -> memref<1x125xi32, #tpu.memory_space<vmem>>
    %dma_start3A_68 = tpu.memref_squeeze %dma_start3A_67 : memref<1x125xi32, #tpu.memory_space<vmem>> -> memref<125xi32, #tpu.memory_space<vmem>>
    %dma_start3A_69 = arith.constant 0 : i32
    %dma_start3A_70 = arith.constant 0 : i32
    %dma_start3A_71 = tpu.memref_slice %arg9[%dma_start3A_69, %dma_start3A_70] : memref<10240x64xf32, #tpu.memory_space<vmem_shared>> -> memref<10240x64xf32, #tpu.memory_space<vmem_shared>>
    %dma_start3A_72 = tpu.memref_slice %arg11[%dma_start3A_61] : memref<3x!tpu.dma_semaphore, #tpu.memory_space<semaphore_mem>> -> memref<1x!tpu.dma_semaphore, #tpu.memory_space<semaphore_mem>>
    %dma_start3A_73 = tpu.memref_squeeze %dma_start3A_72 : memref<1x!tpu.dma_semaphore, #tpu.memory_space<semaphore_mem>> -> memref<!tpu.dma_semaphore, #tpu.memory_space<semaphore_mem>>
    tpu.enqueue_indirect_dma source(%dma_start3A_71 : memref<10240x64xf32, #tpu.memory_space<vmem_shared>>) target(%dma_start3A_65 : memref<125x64xf32, #tpu.memory_space<vmem>>) offsets(%dma_start3A_68 : memref<125xi32, #tpu.memory_space<vmem>>) semaphore(%dma_start3A_73 : memref<!tpu.dma_semaphore, #tpu.memory_space<semaphore_mem>>)
    %scan3A = arith.constant 0 : i32
    %scan3A_74 = arith.constant 80 : i32
    %scan3A_75 = arith.addi %scan3A, %scan3A_74 : i32
    %scan3A_76 = arith.constant 1 : i32
    scf.for %scan3A_128 = %scan3A to %scan3A_75 step %scan3A_76  : i32 {
      %mul3A_129 = arith.constant 1 : i32
      %mul3A_130 = arith.muli %scan3A_128, %mul3A_129 : i32
      %add3A_131 = arith.constant 0 : i32
      %add3A_132 = arith.addi %add3A_131, %mul3A_130 : i32
      %rem3A = arith.constant 3 : i32
      %rem3A_133 = arith.remsi %add3A_132, %rem3A : i32
      %dma_wait3A_134 = arith.constant 0 : i32
      %dma_wait3A_135 = arith.constant 0 : i32
      %dma_wait3A_136 = tpu.memref_slice %arg8[%rem3A_133, %dma_wait3A_134, %dma_wait3A_135] : memref<3x125x64xf32, #tpu.memory_space<vmem>> -> memref<1x125x64xf32, #tpu.memory_space<vmem>>
      %dma_wait3A_137 = tpu.memref_squeeze %dma_wait3A_136 : memref<1x125x64xf32, #tpu.memory_space<vmem>> -> memref<125x64xf32, #tpu.memory_space<vmem>>
      %dma_wait3A_138 = arith.constant 0 : i32
      %dma_wait3A_139 = tpu.memref_slice %arg6[%add3A_132, %dma_wait3A_138] : memref<80x125xi32, #tpu.memory_space<vmem>> -> memref<1x125xi32, #tpu.memory_space<vmem>>
      %dma_wait3A_140 = tpu.memref_squeeze %dma_wait3A_139 : memref<1x125xi32, #tpu.memory_space<vmem>> -> memref<125xi32, #tpu.memory_space<vmem>>
      %dma_wait3A_141 = arith.constant 0 : i32
      %dma_wait3A_142 = arith.constant 0 : i32
      %dma_wait3A_143 = tpu.memref_slice %arg9[%dma_wait3A_141, %dma_wait3A_142] : memref<10240x64xf32, #tpu.memory_space<vmem_shared>> -> memref<10240x64xf32, #tpu.memory_space<vmem_shared>>
      %dma_wait3A_144 = tpu.memref_slice %arg11[%rem3A_133] : memref<3x!tpu.dma_semaphore, #tpu.memory_space<semaphore_mem>> -> memref<1x!tpu.dma_semaphore, #tpu.memory_space<semaphore_mem>>
      %dma_wait3A_145 = tpu.memref_squeeze %dma_wait3A_144 : memref<1x!tpu.dma_semaphore, #tpu.memory_space<semaphore_mem>> -> memref<!tpu.dma_semaphore, #tpu.memory_space<semaphore_mem>>
      tpu.wait_indirect_dma semaphore(%dma_wait3A_145 : memref<!tpu.dma_semaphore, #tpu.memory_space<semaphore_mem>>) src(%dma_wait3A_143 : memref<10240x64xf32, #tpu.memory_space<vmem_shared>>) dst(%dma_wait3A_137 : memref<125x64xf32, #tpu.memory_space<vmem>>)
      %dma_start3A_146 = arith.constant 0 : i32
      %dma_start3A_147 = arith.constant 0 : i32
      %dma_start3A_148 = tpu.memref_slice %arg8[%rem3A_133, %dma_start3A_146, %dma_start3A_147] : memref<3x125x64xf32, #tpu.memory_space<vmem>> -> memref<1x125x64xf32, #tpu.memory_space<vmem>>
      %dma_start3A_149 = tpu.memref_squeeze %dma_start3A_148 : memref<1x125x64xf32, #tpu.memory_space<vmem>> -> memref<125x64xf32, #tpu.memory_space<vmem>>
      %dma_start3A_150 = arith.constant 0 : i32
      %dma_start3A_151 = tpu.memref_slice %arg7[%add3A_132, %dma_start3A_150] : memref<80x125xi32, #tpu.memory_space<vmem>> -> memref<1x125xi32, #tpu.memory_space<vmem>>
      %dma_start3A_152 = tpu.memref_squeeze %dma_start3A_151 : memref<1x125xi32, #tpu.memory_space<vmem>> -> memref<125xi32, #tpu.memory_space<vmem>>
      %dma_start3A_153 = arith.constant 0 : i32
      %dma_start3A_154 = arith.constant 0 : i32
      %dma_start3A_155 = tpu.memref_slice %arg10[%dma_start3A_153, %dma_start3A_154] : memref<10240x64xf32, #tpu.memory_space<vmem_shared>> -> memref<10240x64xf32, #tpu.memory_space<vmem_shared>>
      %dma_start3A_156 = tpu.memref_slice %arg12[%rem3A_133] : memref<3x!tpu.dma_semaphore, #tpu.memory_space<semaphore_mem>> -> memref<1x!tpu.dma_semaphore, #tpu.memory_space<semaphore_mem>>
      %dma_start3A_157 = tpu.memref_squeeze %dma_start3A_156 : memref<1x!tpu.dma_semaphore, #tpu.memory_space<semaphore_mem>> -> memref<!tpu.dma_semaphore, #tpu.memory_space<semaphore_mem>>
      tpu.enqueue_indirect_dma source(%dma_start3A_149 : memref<125x64xf32, #tpu.memory_space<vmem>>) target(%dma_start3A_155 : memref<10240x64xf32, #tpu.memory_space<vmem_shared>>) offsets(%dma_start3A_152 : memref<125xi32, #tpu.memory_space<vmem>>) semaphore(%dma_start3A_157 : memref<!tpu.dma_semaphore, #tpu.memory_space<semaphore_mem>>) {add = true}
      %add3A_158 = arith.constant 2 : i32
      %add3A_159 = arith.addi %add3A_132, %add3A_158 : i32
      %lt3A = arith.constant 80 : i32
      %lt3A_160 = arith.cmpi slt, %add3A_159, %lt3A : i32
      %convert_element_type3A = arith.extui %lt3A_160 : i1 to i32
      %cond3A = arith.constant 0 : i32
      %cond3A_161 = arith.cmpi ne, %convert_element_type3A, %cond3A : i32
      scf.if %cond3A_161 {
        %rem3A_162 = arith.constant 3 : i32
        %rem3A_163 = arith.remsi %add3A_159, %rem3A_162 : i32
        %ge3A = arith.constant 1 : i32
        %ge3A_164 = arith.cmpi sge, %add3A_132, %ge3A : i32
        %convert_element_type3A_165 = arith.extui %ge3A_164 : i1 to i32
        %cond3A_166 = arith.constant 0 : i32
        %cond3A_167 = arith.cmpi ne, %convert_element_type3A_165, %cond3A_166 : i32
        scf.if %cond3A_167 {
          %sub3A = arith.constant 1 : i32
          %sub3A_180 = arith.subi %add3A_132, %sub3A : i32
          %dma_wait3A_181 = arith.constant 0 : i32
          %dma_wait3A_182 = arith.constant 0 : i32
          %dma_wait3A_183 = tpu.memref_slice %arg8[%rem3A_163, %dma_wait3A_181, %dma_wait3A_182] : memref<3x125x64xf32, #tpu.memory_space<vmem>> -> memref<1x125x64xf32, #tpu.memory_space<vmem>>
          %dma_wait3A_184 = tpu.memref_squeeze %dma_wait3A_183 : memref<1x125x64xf32, #tpu.memory_space<vmem>> -> memref<125x64xf32, #tpu.memory_space<vmem>>
          %dma_wait3A_185 = arith.constant 0 : i32
          %dma_wait3A_186 = tpu.memref_slice %arg7[%sub3A_180, %dma_wait3A_185] : memref<80x125xi32, #tpu.memory_space<vmem>> -> memref<1x125xi32, #tpu.memory_space<vmem>>
          %dma_wait3A_187 = tpu.memref_squeeze %dma_wait3A_186 : memref<1x125xi32, #tpu.memory_space<vmem>> -> memref<125xi32, #tpu.memory_space<vmem>>
          %dma_wait3A_188 = arith.constant 0 : i32
          %dma_wait3A_189 = arith.constant 0 : i32
          %dma_wait3A_190 = tpu.memref_slice %arg10[%dma_wait3A_188, %dma_wait3A_189] : memref<10240x64xf32, #tpu.memory_space<vmem_shared>> -> memref<10240x64xf32, #tpu.memory_space<vmem_shared>>
          %dma_wait3A_191 = tpu.memref_slice %arg12[%rem3A_163] : memref<3x!tpu.dma_semaphore, #tpu.memory_space<semaphore_mem>> -> memref<1x!tpu.dma_semaphore, #tpu.memory_space<semaphore_mem>>
          %dma_wait3A_192 = tpu.memref_squeeze %dma_wait3A_191 : memref<1x!tpu.dma_semaphore, #tpu.memory_space<semaphore_mem>> -> memref<!tpu.dma_semaphore, #tpu.memory_space<semaphore_mem>>
          tpu.wait_indirect_dma semaphore(%dma_wait3A_192 : memref<!tpu.dma_semaphore, #tpu.memory_space<semaphore_mem>>) src(%dma_wait3A_184 : memref<125x64xf32, #tpu.memory_space<vmem>>) dst(%dma_wait3A_190 : memref<10240x64xf32, #tpu.memory_space<vmem_shared>>)
        } else {
        }
        %dma_start3A_168 = arith.constant 0 : i32
        %dma_start3A_169 = arith.constant 0 : i32
        %dma_start3A_170 = tpu.memref_slice %arg8[%rem3A_163, %dma_start3A_168, %dma_start3A_169] : memref<3x125x64xf32, #tpu.memory_space<vmem>> -> memref<1x125x64xf32, #tpu.memory_space<vmem>>
        %dma_start3A_171 = tpu.memref_squeeze %dma_start3A_170 : memref<1x125x64xf32, #tpu.memory_space<vmem>> -> memref<125x64xf32, #tpu.memory_space<vmem>>
        %dma_start3A_172 = arith.constant 0 : i32
        %dma_start3A_173 = tpu.memref_slice %arg6[%add3A_159, %dma_start3A_172] : memref<80x125xi32, #tpu.memory_space<vmem>> -> memref<1x125xi32, #tpu.memory_space<vmem>>
        %dma_start3A_174 = tpu.memref_squeeze %dma_start3A_173 : memref<1x125xi32, #tpu.memory_space<vmem>> -> memref<125xi32, #tpu.memory_space<vmem>>
        %dma_start3A_175 = arith.constant 0 : i32
        %dma_start3A_176 = arith.constant 0 : i32
        %dma_start3A_177 = tpu.memref_slice %arg9[%dma_start3A_175, %dma_start3A_176] : memref<10240x64xf32, #tpu.memory_space<vmem_shared>> -> memref<10240x64xf32, #tpu.memory_space<vmem_shared>>
        %dma_start3A_178 = tpu.memref_slice %arg11[%rem3A_163] : memref<3x!tpu.dma_semaphore, #tpu.memory_space<semaphore_mem>> -> memref<1x!tpu.dma_semaphore, #tpu.memory_space<semaphore_mem>>
        %dma_start3A_179 = tpu.memref_squeeze %dma_start3A_178 : memref<1x!tpu.dma_semaphore, #tpu.memory_space<semaphore_mem>> -> memref<!tpu.dma_semaphore, #tpu.memory_space<semaphore_mem>>
        tpu.enqueue_indirect_dma source(%dma_start3A_177 : memref<10240x64xf32, #tpu.memory_space<vmem_shared>>) target(%dma_start3A_171 : memref<125x64xf32, #tpu.memory_space<vmem>>) offsets(%dma_start3A_174 : memref<125xi32, #tpu.memory_space<vmem>>) semaphore(%dma_start3A_179 : memref<!tpu.dma_semaphore, #tpu.memory_space<semaphore_mem>>)
      } else {
      }
    }
    %scan3A_77 = arith.constant 80 : i32
    %dma_wait3A_78 = arith.constant 2 : i32
    %dma_wait3A_79 = arith.constant 77 : i32
    %dma_wait3A_80 = arith.constant 2 : i32
    %dma_wait3A_81 = arith.constant 0 : i32
    %dma_wait3A_82 = arith.constant 0 : i32
    %dma_wait3A_83 = tpu.memref_slice %arg8[%dma_wait3A_78, %dma_wait3A_81, %dma_wait3A_82] : memref<3x125x64xf32, #tpu.memory_space<vmem>> -> memref<1x125x64xf32, #tpu.memory_space<vmem>>
    %dma_wait3A_84 = tpu.memref_squeeze %dma_wait3A_83 : memref<1x125x64xf32, #tpu.memory_space<vmem>> -> memref<125x64xf32, #tpu.memory_space<vmem>>
    %dma_wait3A_85 = arith.constant 0 : i32
    %dma_wait3A_86 = tpu.memref_slice %arg7[%dma_wait3A_79, %dma_wait3A_85] : memref<80x125xi32, #tpu.memory_space<vmem>> -> memref<1x125xi32, #tpu.memory_space<vmem>>
    %dma_wait3A_87 = tpu.memref_squeeze %dma_wait3A_86 : memref<1x125xi32, #tpu.memory_space<vmem>> -> memref<125xi32, #tpu.memory_space<vmem>>
    %dma_wait3A_88 = arith.constant 0 : i32
    %dma_wait3A_89 = arith.constant 0 : i32
    %dma_wait3A_90 = tpu.memref_slice %arg10[%dma_wait3A_88, %dma_wait3A_89] : memref<10240x64xf32, #tpu.memory_space<vmem_shared>> -> memref<10240x64xf32, #tpu.memory_space<vmem_shared>>
    %dma_wait3A_91 = tpu.memref_slice %arg12[%dma_wait3A_80] : memref<3x!tpu.dma_semaphore, #tpu.memory_space<semaphore_mem>> -> memref<1x!tpu.dma_semaphore, #tpu.memory_space<semaphore_mem>>
    %dma_wait3A_92 = tpu.memref_squeeze %dma_wait3A_91 : memref<1x!tpu.dma_semaphore, #tpu.memory_space<semaphore_mem>> -> memref<!tpu.dma_semaphore, #tpu.memory_space<semaphore_mem>>
    tpu.wait_indirect_dma semaphore(%dma_wait3A_92 : memref<!tpu.dma_semaphore, #tpu.memory_space<semaphore_mem>>) src(%dma_wait3A_84 : memref<125x64xf32, #tpu.memory_space<vmem>>) dst(%dma_wait3A_90 : memref<10240x64xf32, #tpu.memory_space<vmem_shared>>)
    %dma_wait3A_93 = arith.constant 0 : i32
    %dma_wait3A_94 = arith.constant 78 : i32
    %dma_wait3A_95 = arith.constant 0 : i32
    %dma_wait3A_96 = arith.constant 0 : i32
    %dma_wait3A_97 = arith.constant 0 : i32
    %dma_wait3A_98 = tpu.memref_slice %arg8[%dma_wait3A_93, %dma_wait3A_96, %dma_wait3A_97] : memref<3x125x64xf32, #tpu.memory_space<vmem>> -> memref<1x125x64xf32, #tpu.memory_space<vmem>>
    %dma_wait3A_99 = tpu.memref_squeeze %dma_wait3A_98 : memref<1x125x64xf32, #tpu.memory_space<vmem>> -> memref<125x64xf32, #tpu.memory_space<vmem>>
    %dma_wait3A_100 = arith.constant 0 : i32
    %dma_wait3A_101 = tpu.memref_slice %arg7[%dma_wait3A_94, %dma_wait3A_100] : memref<80x125xi32, #tpu.memory_space<vmem>> -> memref<1x125xi32, #tpu.memory_space<vmem>>
    %dma_wait3A_102 = tpu.memref_squeeze %dma_wait3A_101 : memref<1x125xi32, #tpu.memory_space<vmem>> -> memref<125xi32, #tpu.memory_space<vmem>>
    %dma_wait3A_103 = arith.constant 0 : i32
    %dma_wait3A_104 = arith.constant 0 : i32
    %dma_wait3A_105 = tpu.memref_slice %arg10[%dma_wait3A_103, %dma_wait3A_104] : memref<10240x64xf32, #tpu.memory_space<vmem_shared>> -> memref<10240x64xf32, #tpu.memory_space<vmem_shared>>
    %dma_wait3A_106 = tpu.memref_slice %arg12[%dma_wait3A_95] : memref<3x!tpu.dma_semaphore, #tpu.memory_space<semaphore_mem>> -> memref<1x!tpu.dma_semaphore, #tpu.memory_space<semaphore_mem>>
    %dma_wait3A_107 = tpu.memref_squeeze %dma_wait3A_106 : memref<1x!tpu.dma_semaphore, #tpu.memory_space<semaphore_mem>> -> memref<!tpu.dma_semaphore, #tpu.memory_space<semaphore_mem>>
    tpu.wait_indirect_dma semaphore(%dma_wait3A_107 : memref<!tpu.dma_semaphore, #tpu.memory_space<semaphore_mem>>) src(%dma_wait3A_99 : memref<125x64xf32, #tpu.memory_space<vmem>>) dst(%dma_wait3A_105 : memref<10240x64xf32, #tpu.memory_space<vmem_shared>>)
    %dma_wait3A_108 = arith.constant 1 : i32
    %dma_wait3A_109 = arith.constant 79 : i32
    %dma_wait3A_110 = arith.constant 1 : i32
    %dma_wait3A_111 = arith.constant 0 : i32
    %dma_wait3A_112 = arith.constant 0 : i32
    %dma_wait3A_113 = tpu.memref_slice %arg8[%dma_wait3A_108, %dma_wait3A_111, %dma_wait3A_112] : memref<3x125x64xf32, #tpu.memory_space<vmem>> -> memref<1x125x64xf32, #tpu.memory_space<vmem>>
    %dma_wait3A_114 = tpu.memref_squeeze %dma_wait3A_113 : memref<1x125x64xf32, #tpu.memory_space<vmem>> -> memref<125x64xf32, #tpu.memory_space<vmem>>
    %dma_wait3A_115 = arith.constant 0 : i32
    %dma_wait3A_116 = tpu.memref_slice %arg7[%dma_wait3A_109, %dma_wait3A_115] : memref<80x125xi32, #tpu.memory_space<vmem>> -> memref<1x125xi32, #tpu.memory_space<vmem>>
    %dma_wait3A_117 = tpu.memref_squeeze %dma_wait3A_116 : memref<1x125xi32, #tpu.memory_space<vmem>> -> memref<125xi32, #tpu.memory_space<vmem>>
    %dma_wait3A_118 = arith.constant 0 : i32
    %dma_wait3A_119 = arith.constant 0 : i32
    %dma_wait3A_120 = tpu.memref_slice %arg10[%dma_wait3A_118, %dma_wait3A_119] : memref<10240x64xf32, #tpu.memory_space<vmem_shared>> -> memref<10240x64xf32, #tpu.memory_space<vmem_shared>>
    %dma_wait3A_121 = tpu.memref_slice %arg12[%dma_wait3A_110] : memref<3x!tpu.dma_semaphore, #tpu.memory_space<semaphore_mem>> -> memref<1x!tpu.dma_semaphore, #tpu.memory_space<semaphore_mem>>
    %dma_wait3A_122 = tpu.memref_squeeze %dma_wait3A_121 : memref<1x!tpu.dma_semaphore, #tpu.memory_space<semaphore_mem>> -> memref<!tpu.dma_semaphore, #tpu.memory_space<semaphore_mem>>
    tpu.wait_indirect_dma semaphore(%dma_wait3A_122 : memref<!tpu.dma_semaphore, #tpu.memory_space<semaphore_mem>>) src(%dma_wait3A_114 : memref<125x64xf32, #tpu.memory_space<vmem>>) dst(%dma_wait3A_120 : memref<10240x64xf32, #tpu.memory_space<vmem_shared>>)
    %barrier3A_123 = arith.constant 0 : index
    tpu.barrier barrier_id(%barrier3A_123)
    %mul3A_124 = arith.constant 640 : i32
    %mul3A_125 = arith.muli %arg1, %mul3A_124 : i32
    %mul3A_126 = arith.constant 640 : i32
    %mul3A_127 = arith.muli %arg1, %mul3A_126 : i32
    "tpu.region"() ({
      %run_scoped3A_128 = tpu.sem_alloc : memref<!tpu.dma_semaphore, #tpu.memory_space<semaphore_mem>>
      %dma_start3A_129 = arith.constant 0 : i32
      %dma_start3A_130 = tpu.memref_slice %arg5[%arg0, %mul3A_127, %dma_start3A_129] : memref<2x10240x64xf32, #tpu.memory_space<hbm>> -> memref<1x640x64xf32, #tpu.memory_space<hbm>>
      %dma_start3A_131 = tpu.memref_squeeze %dma_start3A_130 : memref<1x640x64xf32, #tpu.memory_space<hbm>> -> memref<640x64xf32, #tpu.memory_space<hbm>>
      %dma_start3A_132 = arith.constant 0 : i32
      %dma_start3A_133 = tpu.memref_slice %arg10[%mul3A_125, %dma_start3A_132] : memref<10240x64xf32, #tpu.memory_space<vmem_shared>> -> memref<640x64xf32, #tpu.memory_space<vmem_shared>>
      tpu.enqueue_dma source(%dma_start3A_133 : memref<640x64xf32, #tpu.memory_space<vmem_shared>>) target(%dma_start3A_131 : memref<640x64xf32, #tpu.memory_space<hbm>>) target_semaphore(%run_scoped3A_128 : memref<!tpu.dma_semaphore, #tpu.memory_space<semaphore_mem>>)
      %dma_wait3A_134 = arith.constant 0 : i32
      %dma_wait3A_135 = tpu.memref_slice %arg5[%arg0, %mul3A_127, %dma_wait3A_134] : memref<2x10240x64xf32, #tpu.memory_space<hbm>> -> memref<1x640x64xf32, #tpu.memory_space<hbm>>
      %dma_wait3A_136 = tpu.memref_squeeze %dma_wait3A_135 : memref<1x640x64xf32, #tpu.memory_space<hbm>> -> memref<640x64xf32, #tpu.memory_space<hbm>>
      %dma_wait3A_137 = arith.constant 0 : i32
      %dma_wait3A_138 = tpu.memref_slice %arg10[%mul3A_125, %dma_wait3A_137] : memref<10240x64xf32, #tpu.memory_space<vmem_shared>> -> memref<640x64xf32, #tpu.memory_space<vmem_shared>>
      tpu.wait_dma2 semaphore(%run_scoped3A_128 : memref<!tpu.dma_semaphore, #tpu.memory_space<semaphore_mem>>) src(%dma_wait3A_138 : memref<640x64xf32, #tpu.memory_space<vmem_shared>>) dst(%dma_wait3A_136 : memref<640x64xf32, #tpu.memory_space<hbm>>)
      tpu.yield
    }) : () -> ()
    return
  }
}

module attributes {stable_mosaic.version = 14 : i64} {
  func.func @_mm_body(%arg0: i32, %arg1: memref<2000x128xf32, #tpu.memory_space<vmem>>, %arg2: memref<128x64xf32, #tpu.memory_space<vmem>>, %arg3: memref<2000x64xf32, #tpu.memory_space<vmem>>) attributes {dimension_semantics = [#tpu.dimension_semantics<arbitrary>], iteration_bounds = array<i64: 5>, scalar_prefetch = 0 : i64, scratch_operands = 0 : i64, tpu.core_type = #tpu.core_type<tc>, window_params = [{transform_indices = @transform_0, window_bounds = array<i64: 2000, 128>}, {pipeline_mode = #tpu.pipeline_mode<synchronous>, transform_indices = @transform_1, window_bounds = array<i64: 128, 64>}, {transform_indices = @transform_2, window_bounds = array<i64: 2000, 64>}]} {
    %get3A = arith.constant 0 : index
    %get3A_0 = arith.constant 0 : index
    %get3A_1 = vector.load %arg1[%get3A, %get3A_0] : memref<2000x128xf32, #tpu.memory_space<vmem>>, vector<2000x128xf32>
    %get3A_2 = arith.constant 0 : index
    %get3A_3 = arith.constant 0 : index
    %get3A_4 = vector.load %arg2[%get3A_2, %get3A_3] : memref<128x64xf32, #tpu.memory_space<vmem>>, vector<128x64xf32>
    %dot_general3A = arith.constant dense<0.000000e+00> : vector<2000x64xf32>
    %dot_general3A_5 = tpu.matmul %get3A_1, %get3A_4, %dot_general3A {dimension_numbers = #tpu.dot_dimension_numbers<[1], [0], [0], [1], [0, 0, 1, 1], [], []>, transpose_lhs_hint = false} : vector<2000x128xf32>, vector<128x64xf32>, vector<2000x64xf32> -> vector<2000x64xf32>
    %swap3A = arith.constant 0 : index
    %swap3A_6 = arith.constant 0 : index
    %swap3A_7 = vector.load %arg3[%swap3A, %swap3A_6] : memref<2000x64xf32, #tpu.memory_space<vmem>>, vector<2000x64xf32>
    tpu.vector_store %arg3[%swap3A, %swap3A_6], %dot_general3A_5 {strides = array<i32>} : memref<2000x64xf32, #tpu.memory_space<vmem>>, vector<2000x64xf32>,
    return
  }
  func.func @transform_0(%arg0: i32) -> (i32, i32) {
    %c0_i32 = arith.constant 0 : i32
    %c0_i32_0 = arith.constant 0 : i32
    return %arg0, %c0_i32 : i32, i32
  }
  func.func @transform_1(%arg0: i32) -> (i32, i32) {
    %c0_i32 = arith.constant 0 : i32
    %c0_i32_0 = arith.constant 0 : i32
    %c0_i32_1 = arith.constant 0 : i32
    return %c0_i32, %c0_i32_0 : i32, i32
  }
  func.func @transform_2(%arg0: i32) -> (i32, i32) {
    %c0_i32 = arith.constant 0 : i32
    %c0_i32_0 = arith.constant 0 : i32
    return %arg0, %c0_i32 : i32, i32
  }
}

module attributes {stable_mosaic.version = 14 : i64} {
  func.func @_scale_body(%arg0: i32, %arg1: memref<2000x64xf32, #tpu.memory_space<vmem>>, %arg2: memref<2x2000x16xf32, #tpu.memory_space<vmem>>, %arg3: memref<2000x64xf32, #tpu.memory_space<vmem>>) attributes {dimension_semantics = [#tpu.dimension_semantics<arbitrary>], iteration_bounds = array<i64: 5>, scalar_prefetch = 0 : i64, scratch_operands = 0 : i64, tpu.core_type = #tpu.core_type<tc>, window_params = [{transform_indices = @transform_0, window_bounds = array<i64: 2000, 64>}, {transform_indices = @transform_1, window_bounds = array<i64: 2, 2000, 16>}, {transform_indices = @transform_2, window_bounds = array<i64: 2000, 64>}]} {
    %get3A = arith.constant 0 : index
    %get3A_0 = arith.constant 0 : index
    %get3A_1 = vector.load %arg1[%get3A, %get3A_0] : memref<2000x64xf32, #tpu.memory_space<vmem>>, vector<2000x64xf32>
    %get3A_2 = arith.constant 0 : index
    %get3A_3 = arith.constant 0 : index
    %get3A_4 = arith.constant 0 : index
    %get3A_5 = vector.load %arg2[%get3A_2, %get3A_3, %get3A_4] : memref<2x2000x16xf32, #tpu.memory_space<vmem>>, vector<2x2000x16xf32>
    %slice3A = vector.extract_strided_slice %get3A_5 {offsets = [0, 0, 0], sizes = [1, 2000, 1], strides = [1, 1, 1]} : vector<2x2000x16xf32> to vector<1x2000x1xf32>
    %squeeze3A = vector.shape_cast %slice3A : vector<1x2000x1xf32> to vector<2000x1xf32>
    %slice3A_6 = vector.extract_strided_slice %get3A_5 {offsets = [1, 0, 0], sizes = [1, 2000, 1], strides = [1, 1, 1]} : vector<2x2000x16xf32> to vector<1x2000x1xf32>
    %squeeze3A_7 = vector.shape_cast %slice3A_6 : vector<1x2000x1xf32> to vector<2000x1xf32>
    %add3A = arith.addf %squeeze3A, %squeeze3A_7 : vector<2000x1xf32>
    %add3A_8 = arith.constant 1.000000e+00 : f32
    %add3A_9 = vector.broadcast %add3A_8 : f32 to vector<2000x1xf32>
    %add3A_10 = arith.addf %add3A, %add3A_9 : vector<2000x1xf32>
    %rsqrt3A = math.rsqrt %add3A_10 : vector<2000x1xf32>
    %mul3A = vector.broadcast %rsqrt3A : vector<2000x1xf32> to vector<2000x64xf32>
    %mul3A_11 = arith.mulf %get3A_1, %mul3A : vector<2000x64xf32>
    %swap3A = arith.constant 0 : index
    %swap3A_12 = arith.constant 0 : index
    %swap3A_13 = vector.load %arg3[%swap3A, %swap3A_12] : memref<2000x64xf32, #tpu.memory_space<vmem>>, vector<2000x64xf32>
    tpu.vector_store %arg3[%swap3A, %swap3A_12], %mul3A_11 {strides = array<i32>} : memref<2000x64xf32, #tpu.memory_space<vmem>>, vector<2000x64xf32>,
    return
  }
  func.func @transform_0(%arg0: i32) -> (i32, i32) {
    %c0_i32 = arith.constant 0 : i32
    %c0_i32_0 = arith.constant 0 : i32
    return %arg0, %c0_i32 : i32, i32
  }
  func.func @transform_1(%arg0: i32) -> (i32, i32, i32) {
    %c0_i32 = arith.constant 0 : i32
    %c0_i32_0 = arith.constant 0 : i32
    %c0_i32_1 = arith.constant 0 : i32
    return %c0_i32, %arg0, %c0_i32_0 : i32, i32, i32
  }
  func.func @transform_2(%arg0: i32) -> (i32, i32) {
    %c0_i32 = arith.constant 0 : i32
    %c0_i32_0 = arith.constant 0 : i32
    return %arg0, %c0_i32 : i32, i32
  }
}

module attributes {stable_mosaic.version = 14 : i64} {
  func.func @_tc2_body(%arg0: i32, %arg1: memref<2x2000x64xf32, #tpu.memory_space<vmem>>, %arg2: memref<2000x64xf32, #tpu.memory_space<vmem>>, %arg3: memref<2x2000x16xf32, #tpu.memory_space<vmem>>, %arg4: memref<1x64xf32, #tpu.memory_space<vmem>>, %arg5: memref<64x64xf32, #tpu.memory_space<vmem>>, %arg6: memref<2000x64xf32, #tpu.memory_space<vmem>>) attributes {dimension_semantics = [#tpu.dimension_semantics<arbitrary>], iteration_bounds = array<i64: 5>, scalar_prefetch = 0 : i64, scratch_operands = 0 : i64, tpu.core_type = #tpu.core_type<tc>, window_params = [{transform_indices = @transform_0, window_bounds = array<i64: 2, 2000, 64>}, {transform_indices = @transform_1, window_bounds = array<i64: 2000, 64>}, {transform_indices = @transform_2, window_bounds = array<i64: 2, 2000, 16>}, {pipeline_mode = #tpu.pipeline_mode<synchronous>, transform_indices = @transform_3, window_bounds = array<i64: 1, 64>}, {pipeline_mode = #tpu.pipeline_mode<synchronous>, transform_indices = @transform_4, window_bounds = array<i64: 64, 64>}, {transform_indices = @transform_5, window_bounds = array<i64: 2000, 64>}]} {
    %get3A = arith.constant 0 : index
    %get3A_0 = arith.constant 0 : index
    %get3A_1 = arith.constant 0 : index
    %get3A_2 = vector.load %arg3[%get3A, %get3A_0, %get3A_1] : memref<2x2000x16xf32, #tpu.memory_space<vmem>>, vector<2x2000x16xf32>
    %slice3A = vector.extract_strided_slice %get3A_2 {offsets = [0, 0, 0], sizes = [1, 2000, 1], strides = [1, 1, 1]} : vector<2x2000x16xf32> to vector<1x2000x1xf32>
    %squeeze3A = vector.shape_cast %slice3A : vector<1x2000x1xf32> to vector<2000x1xf32>
    %slice3A_3 = vector.extract_strided_slice %get3A_2 {offsets = [1, 0, 0], sizes = [1, 2000, 1], strides = [1, 1, 1]} : vector<2x2000x16xf32> to vector<1x2000x1xf32>
    %squeeze3A_4 = vector.shape_cast %slice3A_3 : vector<1x2000x1xf32> to vector<2000x1xf32>
    %add3A = arith.addf %squeeze3A, %squeeze3A_4 : vector<2000x1xf32>
    %add3A_5 = arith.constant 1.000000e+00 : f32
    %add3A_6 = vector.broadcast %add3A_5 : f32 to vector<2000x1xf32>
    %add3A_7 = arith.addf %add3A, %add3A_6 : vector<2000x1xf32>
    %rsqrt3A = math.rsqrt %add3A_7 : vector<2000x1xf32>
    %get3A_8 = arith.constant 0 : index
    %get3A_9 = arith.constant 0 : index
    %get3A_10 = arith.constant 0 : index
    %get3A_11 = vector.load %arg1[%get3A_8, %get3A_9, %get3A_10] : memref<2x2000x64xf32, #tpu.memory_space<vmem>>, vector<1x2000x64xf32>
    %get3A_12 = vector.shape_cast %get3A_11 : vector<1x2000x64xf32> to vector<2000x64xf32>
    %get3A_13 = arith.constant 1 : index
    %get3A_14 = arith.constant 0 : index
    %get3A_15 = arith.constant 0 : index
    %get3A_16 = vector.load %arg1[%get3A_13, %get3A_14, %get3A_15] : memref<2x2000x64xf32, #tpu.memory_space<vmem>>, vector<1x2000x64xf32>
    %get3A_17 = vector.shape_cast %get3A_16 : vector<1x2000x64xf32> to vector<2000x64xf32>
    %add3A_18 = arith.addf %get3A_12, %get3A_17 : vector<2000x64xf32>
    %get3A_19 = arith.constant 0 : index
    %get3A_20 = arith.constant 0 : index
    %get3A_21 = vector.load %arg2[%get3A_19, %get3A_20] : memref<2000x64xf32, #tpu.memory_space<vmem>>, vector<2000x64xf32>
    %add3A_22 = arith.addf %add3A_18, %get3A_21 : vector<2000x64xf32>
    %mul3A = vector.broadcast %rsqrt3A : vector<2000x1xf32> to vector<2000x64xf32>
    %mul3A_23 = arith.mulf %add3A_22, %mul3A : vector<2000x64xf32>
    %get3A_24 = arith.constant 0 : index
    %get3A_25 = arith.constant 0 : index
    %get3A_26 = vector.load %arg4[%get3A_24, %get3A_25] : memref<1x64xf32, #tpu.memory_space<vmem>>, vector<1x64xf32>
    %add3A_27 = vector.broadcast %get3A_26 : vector<1x64xf32> to vector<2000x64xf32>
    %add3A_28 = arith.addf %mul3A_23, %add3A_27 : vector<2000x64xf32>
    %max3A = arith.constant 0.000000e+00 : f32
    %max3A_29 = vector.broadcast %max3A : f32 to vector<2000x64xf32>
    %max3A_30 = arith.maximumf %add3A_28, %max3A_29 : vector<2000x64xf32>
    %get3A_31 = arith.constant 0 : index
    %get3A_32 = arith.constant 0 : index
    %get3A_33 = vector.load %arg5[%get3A_31, %get3A_32] : memref<64x64xf32, #tpu.memory_space<vmem>>, vector<64x64xf32>
    %dot_general3A = arith.constant dense<0.000000e+00> : vector<2000x64xf32>
    %dot_general3A_34 = tpu.matmul %max3A_30, %get3A_33, %dot_general3A {dimension_numbers = #tpu.dot_dimension_numbers<[1], [0], [0], [1], [0, 0, 1, 1], [], []>, transpose_lhs_hint = false} : vector<2000x64xf32>, vector<64x64xf32>, vector<2000x64xf32> -> vector<2000x64xf32>
    %mul3A_35 = vector.broadcast %rsqrt3A : vector<2000x1xf32> to vector<2000x64xf32>
    %mul3A_36 = arith.mulf %dot_general3A_34, %mul3A_35 : vector<2000x64xf32>
    %swap3A = arith.constant 0 : index
    %swap3A_37 = arith.constant 0 : index
    %swap3A_38 = vector.load %arg6[%swap3A, %swap3A_37] : memref<2000x64xf32, #tpu.memory_space<vmem>>, vector<2000x64xf32>
    tpu.vector_store %arg6[%swap3A, %swap3A_37], %mul3A_36 {strides = array<i32>} : memref<2000x64xf32, #tpu.memory_space<vmem>>, vector<2000x64xf32>,
    return
  }
  func.func @transform_0(%arg0: i32) -> (i32, i32, i32) {
    %c0_i32 = arith.constant 0 : i32
    %c0_i32_0 = arith.constant 0 : i32
    %c0_i32_1 = arith.constant 0 : i32
    return %c0_i32, %arg0, %c0_i32_0 : i32, i32, i32
  }
  func.func @transform_1(%arg0: i32) -> (i32, i32) {
    %c0_i32 = arith.constant 0 : i32
    %c0_i32_0 = arith.constant 0 : i32
    return %arg0, %c0_i32 : i32, i32
  }
  func.func @transform_2(%arg0: i32) -> (i32, i32, i32) {
    %c0_i32 = arith.constant 0 : i32
    %c0_i32_0 = arith.constant 0 : i32
    %c0_i32_1 = arith.constant 0 : i32
    return %c0_i32, %arg0, %c0_i32_0 : i32, i32, i32
  }
  func.func @transform_3(%arg0: i32) -> (i32, i32) {
    %c0_i32 = arith.constant 0 : i32
    %c0_i32_0 = arith.constant 0 : i32
    %c0_i32_1 = arith.constant 0 : i32
    return %c0_i32, %c0_i32_0 : i32, i32
  }
  func.func @transform_4(%arg0: i32) -> (i32, i32) {
    %c0_i32 = arith.constant 0 : i32
    %c0_i32_0 = arith.constant 0 : i32
    %c0_i32_1 = arith.constant 0 : i32
    return %c0_i32, %c0_i32_0 : i32, i32
  }
  func.func @transform_5(%arg0: i32) -> (i32, i32) {
    %c0_i32 = arith.constant 0 : i32
    %c0_i32_0 = arith.constant 0 : i32
    return %arg0, %c0_i32 : i32, i32
  }
}

module attributes {stable_mosaic.version = 14 : i64} {
  func.func @_tc3_body(%arg0: i32, %arg1: memref<2x2000x64xf32, #tpu.memory_space<vmem>>, %arg2: memref<2000x64xf32, #tpu.memory_space<vmem>>, %arg3: memref<2x2000x16xf32, #tpu.memory_space<vmem>>, %arg4: memref<1x64xf32, #tpu.memory_space<vmem>>, %arg5: memref<64x32xf32, #tpu.memory_space<vmem>>, %arg6: memref<1x32xf32, #tpu.memory_space<vmem>>, %arg7: memref<2000x32xf32, #tpu.memory_space<vmem>>) attributes {dimension_semantics = [#tpu.dimension_semantics<arbitrary>], iteration_bounds = array<i64: 5>, scalar_prefetch = 0 : i64, scratch_operands = 0 : i64, tpu.core_type = #tpu.core_type<tc>, window_params = [{transform_indices = @transform_0, window_bounds = array<i64: 2, 2000, 64>}, {transform_indices = @transform_1, window_bounds = array<i64: 2000, 64>}, {transform_indices = @transform_2, window_bounds = array<i64: 2, 2000, 16>}, {pipeline_mode = #tpu.pipeline_mode<synchronous>, transform_indices = @transform_3, window_bounds = array<i64: 1, 64>}, {pipeline_mode = #tpu.pipeline_mode<synchronous>, transform_indices = @transform_4, window_bounds = array<i64: 64, 32>}, {pipeline_mode = #tpu.pipeline_mode<synchronous>, transform_indices = @transform_5, window_bounds = array<i64: 1, 32>}, {transform_indices = @transform_6, window_bounds = array<i64: 2000, 32>}]} {
    %get3A = arith.constant 0 : index
    %get3A_0 = arith.constant 0 : index
    %get3A_1 = arith.constant 0 : index
    %get3A_2 = vector.load %arg3[%get3A, %get3A_0, %get3A_1] : memref<2x2000x16xf32, #tpu.memory_space<vmem>>, vector<2x2000x16xf32>
    %slice3A = vector.extract_strided_slice %get3A_2 {offsets = [0, 0, 0], sizes = [1, 2000, 1], strides = [1, 1, 1]} : vector<2x2000x16xf32> to vector<1x2000x1xf32>
    %squeeze3A = vector.shape_cast %slice3A : vector<1x2000x1xf32> to vector<2000x1xf32>
    %slice3A_3 = vector.extract_strided_slice %get3A_2 {offsets = [1, 0, 0], sizes = [1, 2000, 1], strides = [1, 1, 1]} : vector<2x2000x16xf32> to vector<1x2000x1xf32>
    %squeeze3A_4 = vector.shape_cast %slice3A_3 : vector<1x2000x1xf32> to vector<2000x1xf32>
    %add3A = arith.addf %squeeze3A, %squeeze3A_4 : vector<2000x1xf32>
    %add3A_5 = arith.constant 1.000000e+00 : f32
    %add3A_6 = vector.broadcast %add3A_5 : f32 to vector<2000x1xf32>
    %add3A_7 = arith.addf %add3A, %add3A_6 : vector<2000x1xf32>
    %rsqrt3A = math.rsqrt %add3A_7 : vector<2000x1xf32>
    %get3A_8 = arith.constant 0 : index
    %get3A_9 = arith.constant 0 : index
    %get3A_10 = arith.constant 0 : index
    %get3A_11 = vector.load %arg1[%get3A_8, %get3A_9, %get3A_10] : memref<2x2000x64xf32, #tpu.memory_space<vmem>>, vector<1x2000x64xf32>
    %get3A_12 = vector.shape_cast %get3A_11 : vector<1x2000x64xf32> to vector<2000x64xf32>
    %get3A_13 = arith.constant 1 : index
    %get3A_14 = arith.constant 0 : index
    %get3A_15 = arith.constant 0 : index
    %get3A_16 = vector.load %arg1[%get3A_13, %get3A_14, %get3A_15] : memref<2x2000x64xf32, #tpu.memory_space<vmem>>, vector<1x2000x64xf32>
    %get3A_17 = vector.shape_cast %get3A_16 : vector<1x2000x64xf32> to vector<2000x64xf32>
    %add3A_18 = arith.addf %get3A_12, %get3A_17 : vector<2000x64xf32>
    %get3A_19 = arith.constant 0 : index
    %get3A_20 = arith.constant 0 : index
    %get3A_21 = vector.load %arg2[%get3A_19, %get3A_20] : memref<2000x64xf32, #tpu.memory_space<vmem>>, vector<2000x64xf32>
    %add3A_22 = arith.addf %add3A_18, %get3A_21 : vector<2000x64xf32>
    %mul3A = vector.broadcast %rsqrt3A : vector<2000x1xf32> to vector<2000x64xf32>
    %mul3A_23 = arith.mulf %add3A_22, %mul3A : vector<2000x64xf32>
    %get3A_24 = arith.constant 0 : index
    %get3A_25 = arith.constant 0 : index
    %get3A_26 = vector.load %arg4[%get3A_24, %get3A_25] : memref<1x64xf32, #tpu.memory_space<vmem>>, vector<1x64xf32>
    %add3A_27 = vector.broadcast %get3A_26 : vector<1x64xf32> to vector<2000x64xf32>
    %add3A_28 = arith.addf %mul3A_23, %add3A_27 : vector<2000x64xf32>
    %max3A = arith.constant 0.000000e+00 : f32
    %max3A_29 = vector.broadcast %max3A : f32 to vector<2000x64xf32>
    %max3A_30 = arith.maximumf %add3A_28, %max3A_29 : vector<2000x64xf32>
    %get3A_31 = arith.constant 0 : index
    %get3A_32 = arith.constant 0 : index
    %get3A_33 = vector.load %arg5[%get3A_31, %get3A_32] : memref<64x32xf32, #tpu.memory_space<vmem>>, vector<64x32xf32>
    %dot_general3A = arith.constant dense<0.000000e+00> : vector<2000x32xf32>
    %dot_general3A_34 = tpu.matmul %max3A_30, %get3A_33, %dot_general3A {dimension_numbers = #tpu.dot_dimension_numbers<[1], [0], [0], [1], [0, 0, 1, 1], [], []>, transpose_lhs_hint = false} : vector<2000x64xf32>, vector<64x32xf32>, vector<2000x32xf32> -> vector<2000x32xf32>
    %get3A_35 = arith.constant 0 : index
    %get3A_36 = arith.constant 0 : index
    %get3A_37 = vector.load %arg6[%get3A_35, %get3A_36] : memref<1x32xf32, #tpu.memory_space<vmem>>, vector<1x32xf32>
    %add3A_38 = vector.broadcast %get3A_37 : vector<1x32xf32> to vector<2000x32xf32>
    %add3A_39 = arith.addf %dot_general3A_34, %add3A_38 : vector<2000x32xf32>
    %reduce_max3A = arith.constant dense<0xFF800000> : vector<2000xf32>
    %reduce_max3A_40 = vector.multi_reduction <maximumf>, %add3A_39, %reduce_max3A [1] : vector<2000x32xf32> to vector<2000xf32>
    %broadcast_in_dim3A = vector.shape_cast %reduce_max3A_40 : vector<2000xf32> to vector<2000x1xf32>
    %sub3A = vector.broadcast %broadcast_in_dim3A : vector<2000x1xf32> to vector<2000x32xf32>
    %sub3A_41 = arith.subf %add3A_39, %sub3A : vector<2000x32xf32>
    %exp3A = math.exp %sub3A_41 : vector<2000x32xf32>
    %reduce_sum3A = arith.constant dense<0.000000e+00> : vector<2000xf32>
    %reduce_sum3A_42 = vector.multi_reduction <add>, %exp3A, %reduce_sum3A [1] : vector<2000x32xf32> to vector<2000xf32>
    %broadcast_in_dim3A_43 = vector.shape_cast %reduce_sum3A_42 : vector<2000xf32> to vector<2000x1xf32>
    %log3A = math.log %broadcast_in_dim3A_43 : vector<2000x1xf32>
    %add3A_44 = arith.addf %log3A, %broadcast_in_dim3A : vector<2000x1xf32>
    %sub3A_45 = vector.broadcast %add3A_44 : vector<2000x1xf32> to vector<2000x32xf32>
    %sub3A_46 = arith.subf %add3A_39, %sub3A_45 : vector<2000x32xf32>
    %swap3A = arith.constant 0 : index
    %swap3A_47 = arith.constant 0 : index
    %swap3A_48 = vector.load %arg7[%swap3A, %swap3A_47] : memref<2000x32xf32, #tpu.memory_space<vmem>>, vector<2000x32xf32>
    tpu.vector_store %arg7[%swap3A, %swap3A_47], %sub3A_46 {strides = array<i32>} : memref<2000x32xf32, #tpu.memory_space<vmem>>, vector<2000x32xf32>,
    return
  }
  func.func @transform_0(%arg0: i32) -> (i32, i32, i32) {
    %c0_i32 = arith.constant 0 : i32
    %c0_i32_0 = arith.constant 0 : i32
    %c0_i32_1 = arith.constant 0 : i32
    return %c0_i32, %arg0, %c0_i32_0 : i32, i32, i32
  }
  func.func @transform_1(%arg0: i32) -> (i32, i32) {
    %c0_i32 = arith.constant 0 : i32
    %c0_i32_0 = arith.constant 0 : i32
    return %arg0, %c0_i32 : i32, i32
  }
  func.func @transform_2(%arg0: i32) -> (i32, i32, i32) {
    %c0_i32 = arith.constant 0 : i32
    %c0_i32_0 = arith.constant 0 : i32
    %c0_i32_1 = arith.constant 0 : i32
    return %c0_i32, %arg0, %c0_i32_0 : i32, i32, i32
  }
  func.func @transform_3(%arg0: i32) -> (i32, i32) {
    %c0_i32 = arith.constant 0 : i32
    %c0_i32_0 = arith.constant 0 : i32
    %c0_i32_1 = arith.constant 0 : i32
    return %c0_i32, %c0_i32_0 : i32, i32
  }
  func.func @transform_4(%arg0: i32) -> (i32, i32) {
    %c0_i32 = arith.constant 0 : i32
    %c0_i32_0 = arith.constant 0 : i32
    %c0_i32_1 = arith.constant 0 : i32
    return %c0_i32, %c0_i32_0 : i32, i32
  }
  func.func @transform_5(%arg0: i32) -> (i32, i32) {
    %c0_i32 = arith.constant 0 : i32
    %c0_i32_0 = arith.constant 0 : i32
    %c0_i32_1 = arith.constant 0 : i32
    return %c0_i32, %c0_i32_0 : i32, i32
  }
  func.func @transform_6(%arg0: i32) -> (i32, i32) {
    %c0_i32 = arith.constant 0 : i32
    %c0_i32_0 = arith.constant 0 : i32
    return %arg0, %c0_i32 : i32, i32
  }
}

</mosaic_0001>

<sc_bundles>
// kernel: kernel.12.cloned.1.call-start
scs
__scs_entry_jumppad:
0x0: {  	(pc) =	sbr.rel $0x88, $3  }
0x1: {  	(tag) =	ssettag $0x0;
	lr =	simm.s32 $0x1  }
0x2: {  	[smem:$0x3F99] =	sst lr;
	_ =	strace $0xD0000000  }
0x3: {  	_ = 	snop  }
0x4: {  	_ = 	snop  }
0x5: {  	_ = 	snop  }
0x6: {  	_ = 	snop  }
0x7: {  	_ = 	snop  }
__scs_overlays_trampoline_lowered:
0x8: {  	[smem:$0x3FA8] =	sst s0  }
0x9: {  	[smem:$0x3FA9] =	sst s1  }
0xa: {  	[smem:$0x3FAA] =	sst s2  }
0xb: {  	[smem:$0x3FAB] =	sst s3  }
0xc: {  	[smem:$0x3FAC] =	sst s4  }
0xd: {  	[smem:$0x3FAD] =	sst s5  }
0xe: {  	[smem:$0x3FAE] =	sst s6  }
0xf: {  	[smem:$0x3FAF] =	sst s7  }
0x10: {  	[smem:$0x3FB0] =	sst s8  }
0x11: {  	[smem:$0x3FB1] =	sst s9;
	s0 =	simm.s32 @!p0 $0x0  }
0x12: {  	s1 =	sld [smem:$0x3F97];
	s0 =	simm.s32 @p0 $0x1  }
0x13: {  	[smem:$0x3FB2] =	sst s0;
	s0 =	simm.s32 @!p1 $0x0  }
0x14: {  	s2 =	sld [smem:$0x3F96];
	s0 =	simm.s32 @p1 $0x1  }
0x15: {  	[smem:$0x3FB3] =	sst s0;
	s0 =	simm.s32 @!p2 $0x0  }
0x16: {  	s3 =	sld [smem:$0x3FDB];
	s0 =	simm.s32 @p2 $0x1  }
0x17: {  	s4 =	simm.s32 $0x1BF5;
	[smem:$0x3FB5] =	sst s0  }
0x18: {  	s0 =	sld [smem:$0x3F98];
	_ =	swait.ge [sflag:s4], $0x0  }
0x19: {  	s7 =	sld [smem:$0x3F99]  }
0x1a: {  	s8 =	sadd.s32 $0xFFFFE003, lr  }
0x1b: {  	s9 =	sadd.s32 $0xFFFFFEF7, lr;
	s5 =	simm.s32 $0xFFFFFFFF;
	p2 =	slt.u32 s8, $0xFFFFF086  }
0x1c: {  	p1 =	slt.u32 s9, $0xF7A;
	s5 =	simm.s32 @!p2 $0x0  }
0x1d: {  	s5 =	simm.s32 @p1 $0x1;
	p0 =	seq.s32 s7, s2  }
0x1e: {  	s7 =	smul.u32 @!p0 $0xF7A, s2;
	p2 =	seq.s32 @!p0 s5, $0x0  }
0x1f: {  	s9 =	smul.u32 $0xF7A, s1;
	s8 =	simm.s32 @!p0 $0x1BF5;
	p2 =	por !p2, p0  }
0x20: {  	[sflag:s8] =	ssyncset.s32 @!p0 $0xFFFFF086;
	s6 =	sadd.s32 @!p0 s3, s7;
	s7 =	simm.s32 @!p0 $0x108  }
0x21: {  	s3 =	sadd.s32 s3, s9;
	s6 =	sadd.s32 @!p0 $0x88, s6;
	s7 =	simm.s32 @p2 $0x1082  }
0x22: {  	[simem:s7], [sflag:s8] =	dma.local @!p0 [hbm:s6], $0xF7A  }
0x23: {  	s9 =	sor.u32 $0xD0000000, s2;
	s6 =	simm.s32 $0x108;
	_ =	swait.ge @!p0 [sflag:s8], $0x0  }
0x24: {  	s3 =	sadd.s32 $0x88, s3;
	s6 =	simm.s32 @!p1 $0x1082;
	[sflag:s4] =	ssyncset.s32 $0xFFFFF086  }
0x25: {  	[simem:s6], [sflag:s4] =	dma.local [hbm:s3], $0xF7A  }
0x26: {  	[smem:$0x3F99] =	sst s1;
	(tag) =	ssettag s2;
	_ =	strace s9  }
0x27: {  	s1 =	sld [smem:$0x3FA9]  }
0x28: {  	s2 =	sld [smem:$0x3FAA]  }
0x29: {  	s4 =	sld [smem:$0x3FAC]  }
0x2a: {  	p0 =	seq.s32 s5, $0x0;
	s5 =	sld [smem:$0x3FAD]  }
0x2b: {  	s6 =	sld [smem:$0x3FAE]  }
0x2c: {  	s7 =	sld [smem:$0x3FAF]  }
0x2d: {  	s3 =	simm.s32 $0x108;
	s8 =	sld [smem:$0x3FB0]  }
0x2e: {  	s3 =	simm.s32 @!p0 $0x1082;
	s9 =	sld [smem:$0x3FB1]  }
0x2f: {  	lr =	sadd.s32 s0, s3;
	s0 =	sld [smem:$0x3FA8]  }
0x30: {  	s3 =	sld [smem:$0x3FAB]  }
0x31: {  	[smem:$0x3FB4] =	sst s10  }
0x32: {  	s10 =	sld [smem:$0x3FB2];
	_ =	sdelay $0x3  }
0x33: {  	p0 =	seq.s32 s10, $0x1;
	s10 =	sld [smem:$0x3FB4];
	_ =	sdelay $0x3  }
0x34: {  	[smem:$0x3FB4] =	sst s10  }
0x35: {  	s10 =	sld [smem:$0x3FB3];
	_ =	sdelay $0x3  }
0x36: {  	p1 =	seq.s32 s10, $0x1;
	s10 =	sld [smem:$0x3FB4];
	_ =	sdelay $0x3  }
0x37: {  	[smem:$0x3FB4] =	sst s10  }
0x38: {  	s10 =	sld [smem:$0x3FB5]  }
0x39: {  	_ = 	snop;
	(pc) =	sbr.ind lr, $3  }
0x3a: {  	_ = 	snop  }
0x3b: {  	_ = 	snop  }
0x3c: {  	p2 =	seq.s32 s10, $0x1;
	s10 =	sld [smem:$0x3FB4]  }
0x3d: {  	_ =	shalt  }
0x3e: {  	_ =	shalt  }
0x3f: {  	_ =	shalt  }
0x40: {  	_ =	shalt  }
0x41: {  	_ =	shalt  }
0x42: {  	_ =	shalt  }
0x43: {  	_ =	shalt  }
0x44: {  	_ =	shalt  }
0x45: {  	_ =	shalt  }
0x46: {  	_ =	shalt  }
0x47: {  	_ =	shalt  }
0x48: {  	_ =	shalt  }
0x49: {  	_ =	shalt  }
0x4a: {  	_ =	shalt  }
0x4b: {  	_ =	shalt  }
0x4c: {  	_ =	shalt  }
0x4d: {  	_ =	shalt  }
0x4e: {  	_ =	shalt  }
0x4f: {  	_ =	shalt  }
0x50: {  	_ =	shalt  }
0x51: {  	_ =	shalt  }
0x52: {  	_ =	shalt  }
0x53: {  	_ =	shalt  }
0x54: {  	_ =	shalt  }
0x55: {  	_ =	shalt  }
0x56: {  	_ =	shalt  }
0x57: {  	_ =	shalt  }
0x58: {  	_ =	shalt  }
0x59: {  	_ =	shalt  }
0x5a: {  	_ =	shalt  }
0x5b: {  	_ =	shalt  }
0x5c: {  	_ =	shalt  }
0x5d: {  	_ =	shalt  }
0x5e: {  	_ =	shalt  }
0x5f: {  	_ =	shalt  }
0x60: {  	_ =	shalt  }
0x61: {  	_ =	shalt  }
0x62: {  	_ =	shalt  }
0x63: {  	_ =	shalt  }
0x64: {  	_ =	shalt  }
0x65: {  	_ =	shalt  }
0x66: {  	_ =	shalt  }
0x67: {  	_ =	shalt  }
0x68: {  	_ =	shalt  }
0x69: {  	_ =	shalt  }
0x6a: {  	_ =	shalt  }
0x6b: {  	_ =	shalt  }
0x6c: {  	_ =	shalt  }
0x6d: {  	_ =	shalt  }
0x6e: {  	_ =	shalt  }
0x6f: {  	_ =	shalt  }
0x70: {  	_ =	shalt  }
0x71: {  	_ =	shalt  }
0x72: {  	_ =	shalt  }
0x73: {  	_ =	shalt  }
0x74: {  	_ =	shalt  }
0x75: {  	_ =	shalt  }
0x76: {  	_ =	shalt  }
0x77: {  	_ =	shalt  }
0x78: {  	_ =	shalt  }
0x79: {  	_ =	shalt  }
0x7a: {  	_ =	shalt  }
0x7b: {  	_ =	shalt  }
0x7c: {  	_ =	shalt  }
0x7d: {  	_ =	shalt  }
0x7e: {  	_ =	shalt  }
0x7f: {  	_ =	shalt  }
0x80: {  	_ =	shalt  }
0x81: {  	_ =	shalt  }
0x82: {  	_ =	shalt  }
0x83: {  	_ =	shalt  }
0x84: {  	_ =	shalt  }
0x85: {  	_ =	shalt  }
0x86: {  	_ =	shalt  }
0x87: {  	_ =	shalt  }
.Lfunc_end0:
.L_simem_size_0:
called_computation.1_lowered:
.L_overlay_start_0:
0x88: {  	s2 =	sld [smem:$0x3FD9]  }
0x89: {  	s3 =	sld [smem:$0x3FFE];
	_ =	sdelay $0x1  }
0x8a: {  	s1 =	srdreg.scid  }
0x8b: {  	s0 =	sand.u32 $0x1, s1  }
0x8c: {  	s16 =	sshll.u32 s0, $0xA;
	s2 =	sadd.s32 s3, s2  }
0x8d: {  	s2 =	sadd.s32 s2, s16  }
0x8e: {  	[smem:$0x3FC0] =	sst s2  }
0x8f: {  	_ = 	snop  }
0x90: {  	(tm) =	ssettm $0x1  }
0x91: {  	s17 =	sld [smem:$0x3FFB];
	_ =	sdelay $0x3  }
0x92: {  	_ =	strace s17  }
0x93: {  	s2 =	sld [smem:$0x3FFC];
	_ =	sdelay $0x3  }
0x94: {  	_ =	strace s2  }
0x95: {  	s2 =	sld [smem:$0x3FFD];
	_ =	sdelay $0x3  }
0x96: {  	_ =	strace s2  }
0x97: {  	_ =	strace $0x8FFFFFFF  }
0x98: {  	s18 =	sld [smem:$0x3FDB];
	_ =	sdelay $0x1  }
0x99: {  	s19 =	simm.s32 $_scs_section_size  }
0x9a: {  	s4 =	simm.s32 $_size__tile_overlayer_lowered;
	s5 =	simm.s32 $_tile_overlayer_lowered  }
0x9b: {  	s22 =	simm.s32 $0x1BFF;
	s21 =	sshll.u32 s5, $0x1;
	s2 =	sadd.s32 s19, s18  }
0x9c: {  	s6 =	simm.s32 $0x0;
	s20 =	sshll.u32 s4, $0x1;
	s4 =	sadd.s32 s21, s2  }
0x9d: {  	[timem:s6], [sflag:s22] =	dma.local [hbm:s4], s20  }
0x9e: {  	_ =	swait.ge [sflag:s22], s20  }
0x9f: {  	s3 =	ssub.s32 $0x0, s20;
	[sflag:s22] =	ssyncset.done $0x0  }
0xa0: {  	[sflag:s22] =	ssyncadd.s32 s3;
	_ =	sdelay $0x1  }
0xa1: {  	s23 =	simm.s32 $0x1B8B  }
0xa2: {  	_ =	swait.ge [sflag:s23], $0x1  }
0xa3: {  	[sflag:s23] =	ssyncset.done $0x0  }
0xa4: {  	s25 =	simm.s32 $0x1B8E;
	s24 =	sld [smem:$0x3FFE];
	[sflag:s23] =	ssyncadd.s32 $0xFFFFFFFF  }
0xa5: {  	s26 =	simm.s32 $execute0_lowered;
	[smem:$0x3FD2] =	sst s25  }
0xa6: {  	s4 =	sshll.u32 s26, $0x1;
	_ =	strace $0x80000049;
	[dreg:$0x1] =	wrdreg $0xFFFFFFFF  }
0xa7: {  	s28 =	simm.s32 $_size_execute0_lowered;
	s2 =	sadd.s32 s2, s4;
	[dreg:$0x0] =	wrdreg $0x0  }
0xa8: {  	s4 =	sshll.u32 s28, $0x1;
	[dreg:$0x2] =	wrdreg s2  }
0xa9: {  	[dreg:$0x3] =	wrdreg s4  }
0xaa: {  	[dreg:$0x4] =	wrdreg $0xC0  }
0xab: {  	_ =	task [dreg:s6], $0x5FFFF  }
0xac: {  	[dreg:$0x1] =	wrdreg $0xFFFFFFFF  }
0xad: {  	[dreg:$0x0] =	wrdreg $0x60  }
0xae: {  	[dreg:$0x2] =	wrdreg s24  }
0xaf: {  	[dreg:$0x3] =	wrdreg $0x14DC00  }
0xb0: {  	[dreg:$0x4] =	wrdreg $0xADC00  }
0xb1: {  	[dreg:$0x5] =	wrdreg $0x9  }
0xb2: {  	_ =	task.clear_ibuf [dreg:s6], $0x6FFFF;
	_ =	strace $0x90000049  }
0xb3: {  	s29 =	simm.s32 $0x9;
	_ =	strace $0x8000004B  }
0xb4: {  	_ =	swait.ge [sflag:s29], $0x1  }
0xb5: {  	[sflag:s29] =	ssyncadd.s32 $0xFFFFFFFF  }
0xb6: {  	_ =	strace $0x9000004B  }
0xb7: {  	_ =	sfence  }
0xb8: {  	s30 =	sld [smem:$0x0];
	_ =	sdelay $0x2  }
0xb9: {  	s31 =	sshll.u32 s1, $0xD;
	s1 =	sshrl.u32 s1, $0x2  }
0xba: {  	s3 =	sand.u32 $0x4000, s31;
	s1 =	sadd.s32 s1, s30  }
0xbb: {  	s0 =	sor.u32 s3, s0;
	s1 =	sshll.u32 s1, $0x11  }
0xbc: {  	s0 =	sor.u32 s1, s0  }
0xbd: {  	s0 =	sadd.s32 $0x8F2B, s0  }
0xbe: {  	[sflag:s0] =	ssyncadd.remote.s32 $0x1  }
0xbf: {  	_ =	sfence.sel $0xFFFF  }
0xc0: {  	[dreg:$0x0] =	wrdreg $0xFFFFFFFF;
	(pc) =	sbr.abs _section_cstart, $3  }
0xc1: {  	[dreg:$0x1] =	wrdreg $0xFFFFFFFF  }
0xc2: {  	_ =	task.clear_ibuf [dreg:s6], $0x2FFFF;
	_ =	strace $0x9FFFFFFF  }
0xc3: {  	(tm) =	ssettm $0x7FFFFFFF  }
tec
execute0_lowered:
.L_overlay_start_1:
0x0: {  	(tag) =	ssettag $0x1  }
0x1: {  	s0 =	srdreg.scid  }
0x2: {  	s1 =	rddreg [dreg:$0x0];
	s11 =	stileid.u32  }
0x3: {  	s2 =	rddreg [dreg:$0x1];
	s16 =	simm.s32 $0x9;
	s17 =	simm.s32 $0x7  }
0x4: {  	s18 =	simm.s32 $0x8;
	s19 =	simm.s32 $0x7D;
	s23 =	simm.s32 $0x6  }
0x5: {  	s24 =	simm.s32 $0x4;
	s25 =	simm.s32 $0x5;
	s0 =	sand.u32 $0x1, s0  }
0x6: {  	s26 =	simm.s32 $0x0;
	s8 =	smul.u32 $0xA000, s11;
	s3 =	sshll.u32 s0, $0x4  }
0x7: {  	s6 =	smul.u32 $0xA0000, s0;
	s0 =	ssub.s32 $0x2, s0;
	s4 =	sor.u32 s11, s3  }
0x8: {  	s3 =	rddreg [dreg:$0x2];
	s7 =	sshrl.u32 s8, $0x3;
	s9 =	sshrl.u32 s0, $0x1  }
0x9: {  	s13 =	sadd.s32 s8, s2;
	s5 =	smul.u32 $0x2800, s4;
	s4 =	simm.s32 $0x0  }
0xa: {  	s6 =	sadd.s32 s8, s6;
	s10 =	sadd.s32 s7, s1;
	s0 =	ssub.s32 s0, s9  }
0xb: {  	s15 =	sadd.s32 s8, s3;
	s13 =	sshrl.u32 s13, $0x3;
	[smem:$0x7FF] =	sst s4  }
0xc: {  	s6 =	sshrl.u32 s6, $0x3;
	s29 =	sadd.s32 $0xA2600, s10;
	s31 =	sadd.s32 $0x8E600, s10  }
0xd: {  	s12 =	smax.u32 s0, $0x1;
	_ =	strace $0x8000004A;
	[dreg:$0x4] =	wrdreg s29  }
0xe: {  	s15 =	sshrl.u32 s15, $0x3;
	s5 =	sshrl.u32 s5, $0x3;
	[dreg:$0x6] =	wrdreg s31  }
0xf: {  	s5 =	sadd.s32 s5, s1;
	s1 =	sadd.s32 s6, s1;
	s6 =	sshll.u32 s11, $0x6  }
0x10: {  	s30 =	sor.u32 $0x1C07, s6;
	s9 =	sadd.s32 $0x2600, s5;
	s10 =	sadd.s32 $0xC600, s5  }
0x11: {  	s11 =	sadd.s32 $0xB6600, s1;
	s14 =	sor.u32 $0x1C08, s6;
	[dreg:$0x5] =	wrdreg s30  }
.LBB2_1:
0x12: {  	s0 =	rddreg [dreg:$0x4]  }
0x13: {  	s1 =	rddreg [dreg:$0x5]  }
0x14: {  	[spmem:s13], [sflag:s1] =	dma.local [hbm:s0], $0x1400  }
0x15: {  	s0 =	rddreg [dreg:$0x6]  }
0x16: {  	[spmem:s15], [sflag:s14] =	dma.local [hbm:s0], $0x1400  }
0x17: {  	[tilespmem:s4], [sflag:$0x9] =	stream.linear.gather [hbm4b:s9+s4], $0x2800, $0x38;
	[tilespmem:$0x1EDC0] =	vst v63  }
0x18: {  	_ =	swait.ge [sflag:s16], $0x2800  }
0x19: {  	[sflag:s16] =	ssyncset.done $0x0  }
0x1a: {  	s5 =	simm.s32 $0x2800;
	[sflag:s16] =	ssyncadd.s32 $0xFFFFD800  }
0x1b: {  	[tilespmem:s5], [sflag:$0x9] =	stream.linear.gather [hbm4b:s10+s4], $0x2800, $0x38;
	[tilespmem:$0x1EDC0] =	vst v63  }
0x1c: {  	_ =	swait.ge [sflag:s16], $0x2800  }
0x1d: {  	[sflag:s16] =	ssyncset.done $0x0  }
0x1e: {  	[sflag:s16] =	ssyncadd.s32 $0xFFFFD800  }
0x1f: {  	_ =	swait.ge [sflag:s17], $0x1400  }
0x20: {  	[sflag:s17] =	ssyncset.done $0x0  }
0x21: {  	[sflag:s17] =	ssyncadd.s32 $0xFFFFEC00  }
0x22: {  	s20 =	simm.s32 $0x5000;
	s21 =	smul.u32 $0xAB, s4;
	_ =	swait.ge [sflag:s18], $0x1400  }
0x23: {  	s22 =	simm.s32 $0x80;
	p0 =	por $0x0, $0x0;
	[sflag:s18] =	ssyncset.done $0x0  }
0x24: {  	s1 =	simm.s32 $0x2;
	s0 =	sshrl.u32 s21, $0x9;
	[sflag:s18] =	ssyncadd.s32 $0xFFFFEC00  }
0x25: {  	s21 =	smul.u32 @!p0 $0xAB, s1;
	s0 =	sand.u32 $0x7F, s0;
	[bflag:$0x0] =	sbarrier.arrive $0xFFFF  }
0x26: {  	[tilespmem:s20], [sflag:$0x1] =	stream.indirect.gather [spmem:s3], $0x40, s4, s19, $0xb8;
	[tilespmem:$0x1EDC0] =	vst v63  }
0x27: {  	s7 =	simm.s32 $0x6F40;
	s21 =	sshrl.u32 @!p0 s21, $0x9;
	s20 =	smul.u32 $0x3, s0  }
0x28: {  	[tilespmem:s7], [sflag:$0x2] =	stream.indirect.gather [spmem:s3], $0x40, s22, s19, $0xb8;
	[tilespmem:$0x1EDC0] =	vst v63  }
0x29: {  	s28 =	simm.s32 $0x1;
	s21 =	sand.u32 @!p0 $0x7F, s21;
	s20 =	ssub.s32 $0x0, s20  }
0x2a: {  	s30 =	simm.s32 $0x2880;
	s21 =	smul.u32 @!p0 $0x3, s21;
	s20 =	sand.u32 $0xFF, s20  }
0x2b: {  	p1 =	por @!p0 $0x1, $0x1;
	s22 =	smul.u32 $0x7D00, s20;
	s29 =	sadd.s32 $0x1, s20  }
0x2c: {  	s31 =	smul.u32 $0xAB, s28;
	p1 =	por p1, p0;
	_ =	swait.ge [sflag:s29], $0x1F40  }
0x2d: {  	s21 =	ssub.s32 @!p0 $0x2, s21;
	s22 =	sshrl.u32 s22, $0x2;
	[sflag:s29] =	ssyncset.done $0x0  }
0x2e: {  	s20 =	sor.u32 $0x4, s20;
	s22 =	sadd.s32 $0x5000, s22;
	[sflag:s29] =	ssyncadd.s32 $0xFFFFE0C0  }
0x2f: {  	[spmem:s2] =	stream.indirect.scatter.add.f32 [tilespmem:s22], [sflag:s20], $0x40, s5, s19, $0xb8;
	[tilespmem:$0x1EDC0] =	vst v63  }
0x30: {  	s1 =	simm.s32 $0x2;
	s0 =	simm.s32 $0x100;
	s20 =	sand.u32 @!p0 $0xFF, s21  }
0x31: {  	s29 =	simm.s32 $0x180;
	s22 =	simm.s32 @!p0 $0x7D;
	s21 =	sadd.s32 @!p1 $0x4, s20  }
0x32: {  	s5 =	smul.u32 @!p0 $0x7D00, s20;
	s20 =	sadd.s32 @!p0 $0x1, s20;
	_ =	swait.ge @!p1 [sflag:s21], $0x1F40  }
.LBB2_2:
0x33: {  	s7 =	sshrl.u32 s31, $0x9  }
0x34: {  	[sflag:s21] =	ssyncset.done @!p1 $0x0;
	s5 =	sshrl.u32 @!p0 s5, $0x2;
	s8 =	smov.u32 s1  }
0x35: {  	s31 =	smul.u32 $0xAB, s1;
	[sflag:s21] =	ssyncadd.s32 @!p1 $0xFFFFE0C0;
	s5 =	sadd.s32 @!p0 $0x5000, s5  }
0x36: {  	[tilespmem:s5], [sflag:s20] =	stream.indirect.gather @!p0 [spmem:s3], $0x40, s0, s22, $0xb8;
	[tilespmem:$0x1EDC0] =	vst v63  }
0x37: {  	s1 =	sadd.s32 $0x1, s1;
	s0 =	sand.u32 $0x7F, s7  }
0x38: {  	s5 =	sadd.s32 $0x2, s28;
	p0 =	sgt.u32 s28, $0x4D;
	s7 =	smul.u32 $0x3, s0  }
0x39: {  	p2 =	sne.s32 s1, $0x50;
	s20 =	smul.u32 @!p0 $0xAB, s5  }
0x3a: {  	p1 =	seq.s32 @!p0 s28, $0x0;
	s0 =	smov.u32 s29;
	s7 =	ssub.s32 s28, s7  }
0x3b: {  	s28 =	smov.u32 s8;
	s8 =	sshrl.u32 @!p0 s20, $0x9;
	s7 =	sand.u32 $0xFF, s7  }
0x3c: {  	s8 =	sand.u32 @!p0 $0x7F, s8;
	s20 =	smul.u32 $0x7D00, s7  }
0x3d: {  	s21 =	sadd.s32 $0x1, s7;
	s8 =	smul.u32 @!p0 $0x3, s8  }
0x3e: {  	p1 =	por p1, p0;
	s7 =	sor.u32 $0x4, s7;
	_ =	swait.ge [sflag:s21], $0x1F40  }
0x3f: {  	s20 =	sshrl.u32 s20, $0x2;
	s5 =	ssub.s32 @!p0 s5, s8;
	[sflag:s21] =	ssyncset.done $0x0  }
.Ltmp0:
0x40: {  	s20 =	sadd.s32 $0x5000, s20;
	[sflag:s21] =	ssyncadd.s32 $0xFFFFE0C0;
	(pc) =	sbr.rel @p2 .LBB2_2-.Ltmp0, $4  }
0x41: {  	[spmem:s2] =	stream.indirect.scatter.add.f32 [tilespmem:s20], [sflag:s7], $0x40, s30, s19, $0xb8;
	[tilespmem:$0x1EDC0] =	vst v63  }
0x42: {  	s7 =	sand.u32 @!p0 $0xFF, s5;
	s30 =	sadd.s32 $0x80, s30  }
0x43: {  	s21 =	sadd.s32 @!p1 $0x4, s7;
	s5 =	smul.u32 @!p0 $0x7D00, s7;
	s20 =	sadd.s32 @!p0 $0x1, s7  }
0x44: {  	s22 =	simm.s32 @!p0 $0x7D;
	s29 =	sadd.s32 $0x80, s29;
	_ =	swait.ge @!p1 [sflag:s21], $0x1F40  }
0x45: {  	[sflag:s21] =	ssyncset.done @!p1 $0x0;
	s1 =	sshrl.u32 @!p0 s5, $0x2  }
0x46: {  	s8 =	sshrl.u32 s31, $0x9;
	[sflag:s21] =	ssyncadd.s32 @!p1 $0xFFFFE0C0;
	s1 =	sadd.s32 @!p0 $0x5000, s1  }
0x47: {  	[tilespmem:s1], [sflag:s20] =	stream.indirect.gather @!p0 [spmem:s3], $0x40, s0, s22, $0xb8;
	[tilespmem:$0x1EDC0] =	vst v63  }
0x48: {  	s22 =	sand.u32 $0x7F, s8  }
0x49: {  	s1 =	sadd.s32 $0x2, s28;
	p0 =	sgt.u32 s28, $0x4D;
	s0 =	smul.u32 $0x3, s22  }
0x4a: {  	s5 =	smul.u32 @!p0 $0xAB, s1  }
0x4b: {  	s0 =	ssub.s32 s28, s0  }
0x4c: {  	s5 =	sshrl.u32 @!p0 s5, $0x9;
	s0 =	sand.u32 $0xFF, s0  }
0x4d: {  	s5 =	sand.u32 @!p0 $0x7F, s5;
	s7 =	smul.u32 $0x7D00, s0;
	s8 =	sadd.s32 $0x1, s0  }
0x4e: {  	p1 =	seq.s32 @!p0 s28, $0x0;
	s5 =	smul.u32 @!p0 $0x3, s5;
	_ =	swait.ge [sflag:s8], $0x1F40  }
0x4f: {  	s0 =	sor.u32 $0x4, s0;
	s7 =	sshrl.u32 s7, $0x2;
	[sflag:s8] =	ssyncset.done $0x0  }
0x50: {  	s1 =	ssub.s32 @!p0 s1, s5;
	s7 =	sadd.s32 $0x5000, s7;
	[sflag:s8] =	ssyncadd.s32 $0xFFFFE0C0  }
0x51: {  	[spmem:s2] =	stream.indirect.scatter.add.f32 [tilespmem:s7], [sflag:s0], $0x40, s30, s19, $0xb8;
	[tilespmem:$0x1EDC0] =	vst v63  }
0x52: {  	p1 =	por p1, p0;
	s0 =	sand.u32 @!p0 $0xFF, s1  }
0x53: {  	s1 =	sadd.s32 @!p1 $0x4, s0;
	s5 =	smul.u32 @!p0 $0x7D00, s0  }
0x54: {  	_ =	swait.ge @!p1 [sflag:s1], $0x1F40  }
0x55: {  	s7 =	simm.s32 @!p0 $0x7D;
	[sflag:s1] =	ssyncset.done @!p1 $0x0;
	s5 =	sshrl.u32 @!p0 s5, $0x2  }
0x56: {  	s0 =	sadd.s32 @!p0 $0x1, s0;
	[sflag:s1] =	ssyncadd.s32 @!p1 $0xFFFFE0C0;
	s1 =	sadd.s32 @!p0 $0x5000, s5  }
0x57: {  	[tilespmem:s1], [sflag:s0] =	stream.indirect.gather @!p0 [spmem:s3], $0x40, s29, s7, $0xb8;
	[tilespmem:$0x1EDC0] =	vst v63  }
0x58: {  	_ =	swait.ge [sflag:s23], $0x1F40  }
0x59: {  	[sflag:s23] =	ssyncset.done $0x0  }
0x5a: {  	[sflag:s23] =	ssyncadd.s32 $0xFFFFE0C0  }
0x5b: {  	_ =	swait.ge [sflag:s24], $0x1F40  }
0x5c: {  	[sflag:s24] =	ssyncset.done $0x0  }
0x5d: {  	[sflag:s24] =	ssyncadd.s32 $0xFFFFE0C0  }
0x5e: {  	_ =	swait.ge [sflag:s25], $0x1F40  }
0x5f: {  	s26 =	sadd.s32 $0x1, s26;
	[sflag:s25] =	ssyncset.done $0x0  }
0x60: {  	p0 =	sne.s32 s26, s12;
	[sflag:s25] =	ssyncadd.s32 $0xFFFFE0C0  }
.Ltmp1:
0x61: {  	s31 =	sor.u32 $0x1C09, s6;
	[bflag:$0x0] =	sbarrier.arrive $0xFFFF;
	(pc) =	sbr.rel @p0 .LBB2_1-.Ltmp1, $4  }
0x62: {  	[hbm:s11], [sflag:s31] =	dma.local [spmem:s13], $0x1400  }
0x63: {  	_ =	swait.ge [sflag:s16], $0x1400  }
0x64: {  	[sflag:s16] =	ssyncset.done $0x0  }
0x65: {  	[sflag:s16] =	ssyncadd.s32 $0xFFFFEC00  }
0x66: {  	_ =	sfence.sel $0x180000  }
0x67: {  	[bflag:$0x0] =	sbarrier.arrive $0xFFFF  }
0x68: {  	_ =	strace $0x9000004A  }
0x69: {  	s0 =	stileid.u32;
	[bflag:$0x2] =	sbarrier.arrive $0xFFFF  }
0x6a: {  	p0 =	sne.s32 s0, $0x0;
	s0 =	rddreg [dreg:$0x3]  }
0x6b: {  	s0 =	sadd.s32 @!p0 $0x100000, s0  }
0x6c: {  	[sflag:s0] =	ssyncadd.tile.s32 @!p0 $0x1;
	_ =	shalt  }
.Lfunc_end2:
_tile_overlayer_lowered:
.L_overlay_start_2:
0x6d: {  	(tag) =	ssettag $0x2  }
0x6e: {  	s0 =	rddreg [dreg:$0x0];
	s2 =	stileid.u32  }
0x6f: {  	s1 =	rddreg [dreg:$0x1];
	p0 =	sne.s32 s2, $0x0  }
0x70: {  	s3 =	rddreg [dreg:$0x2];
	[bflag:$0x3] =	sbarrier.arrive $0xFFFF;
	s2 =	simm.s32 @!p0 $0x1C09  }
0x71: {  	[timem:s3], [sflag:s2] =	dma.local @!p0 [hbm:s0], s1  }
0x72: {  	s0 =	simm.s32 @!p0 $0x9  }
0x73: {  	_ =	swait.ge @!p0 [sflag:s0], s1  }
0x74: {  	s1 =	ssub.s32 @!p0 $0x0, s1;
	[sflag:s0] =	ssyncset.done @!p0 $0x0  }
0x75: {  	[sflag:s0] =	ssyncadd.s32 @!p0 s1  }
0x76: {  	[bflag:$0x3] =	sbarrier.arrive $0xFFFF  }
0x77: {  	_ =	shalt  }

// kernel: kernel.15.cloned.1.call-start
scs
__scs_entry_jumppad:
0x0: {  	(pc) =	sbr.rel $0x88, $3  }
0x1: {  	(tag) =	ssettag $0x0;
	lr =	simm.s32 $0x1  }
0x2: {  	[smem:$0x3F99] =	sst lr;
	_ =	strace $0xD0000000  }
0x3: {  	_ = 	snop  }
0x4: {  	_ = 	snop  }
0x5: {  	_ = 	snop  }
0x6: {  	_ = 	snop  }
0x7: {  	_ = 	snop  }
__scs_overlays_trampoline_lowered:
0x8: {  	[smem:$0x3FA8] =	sst s0  }
0x9: {  	[smem:$0x3FA9] =	sst s1  }
0xa: {  	[smem:$0x3FAA] =	sst s2  }
0xb: {  	[smem:$0x3FAB] =	sst s3  }
0xc: {  	[smem:$0x3FAC] =	sst s4  }
0xd: {  	[smem:$0x3FAD] =	sst s5  }
0xe: {  	[smem:$0x3FAE] =	sst s6  }
0xf: {  	[smem:$0x3FAF] =	sst s7  }
0x10: {  	[smem:$0x3FB0] =	sst s8  }
0x11: {  	[smem:$0x3FB1] =	sst s9;
	s0 =	simm.s32 @!p0 $0x0  }
0x12: {  	s1 =	sld [smem:$0x3F97];
	s0 =	simm.s32 @p0 $0x1  }
0x13: {  	[smem:$0x3FB2] =	sst s0;
	s0 =	simm.s32 @!p1 $0x0  }
0x14: {  	s2 =	sld [smem:$0x3F96];
	s0 =	simm.s32 @p1 $0x1  }
0x15: {  	[smem:$0x3FB3] =	sst s0;
	s0 =	simm.s32 @!p2 $0x0  }
0x16: {  	s3 =	sld [smem:$0x3FDB];
	s0 =	simm.s32 @p2 $0x1  }
0x17: {  	s4 =	simm.s32 $0x1BF5;
	[smem:$0x3FB5] =	sst s0  }
0x18: {  	s0 =	sld [smem:$0x3F98];
	_ =	swait.ge [sflag:s4], $0x0  }
0x19: {  	s7 =	sld [smem:$0x3F99]  }
0x1a: {  	s8 =	sadd.s32 $0xFFFFE003, lr  }
0x1b: {  	s9 =	sadd.s32 $0xFFFFFEF7, lr;
	s5 =	simm.s32 $0xFFFFFFFF;
	p2 =	slt.u32 s8, $0xFFFFF086  }
0x1c: {  	p1 =	slt.u32 s9, $0xF7A;
	s5 =	simm.s32 @!p2 $0x0  }
0x1d: {  	s5 =	simm.s32 @p1 $0x1;
	p0 =	seq.s32 s7, s2  }
0x1e: {  	s7 =	smul.u32 @!p0 $0xF7A, s2;
	p2 =	seq.s32 @!p0 s5, $0x0  }
0x1f: {  	s9 =	smul.u32 $0xF7A, s1;
	s8 =	simm.s32 @!p0 $0x1BF5;
	p2 =	por !p2, p0  }
0x20: {  	[sflag:s8] =	ssyncset.s32 @!p0 $0xFFFFF086;
	s6 =	sadd.s32 @!p0 s3, s7;
	s7 =	simm.s32 @!p0 $0x108  }
0x21: {  	s3 =	sadd.s32 s3, s9;
	s6 =	sadd.s32 @!p0 $0x88, s6;
	s7 =	simm.s32 @p2 $0x1082  }
0x22: {  	[simem:s7], [sflag:s8] =	dma.local @!p0 [hbm:s6], $0xF7A  }
0x23: {  	s9 =	sor.u32 $0xD0000000, s2;
	s6 =	simm.s32 $0x108;
	_ =	swait.ge @!p0 [sflag:s8], $0x0  }
0x24: {  	s3 =	sadd.s32 $0x88, s3;
	s6 =	simm.s32 @!p1 $0x1082;
	[sflag:s4] =	ssyncset.s32 $0xFFFFF086  }
0x25: {  	[simem:s6], [sflag:s4] =	dma.local [hbm:s3], $0xF7A  }
0x26: {  	[smem:$0x3F99] =	sst s1;
	(tag) =	ssettag s2;
	_ =	strace s9  }
0x27: {  	s1 =	sld [smem:$0x3FA9]  }
0x28: {  	s2 =	sld [smem:$0x3FAA]  }
0x29: {  	s4 =	sld [smem:$0x3FAC]  }
0x2a: {  	p0 =	seq.s32 s5, $0x0;
	s5 =	sld [smem:$0x3FAD]  }
0x2b: {  	s6 =	sld [smem:$0x3FAE]  }
0x2c: {  	s7 =	sld [smem:$0x3FAF]  }
0x2d: {  	s3 =	simm.s32 $0x108;
	s8 =	sld [smem:$0x3FB0]  }
0x2e: {  	s3 =	simm.s32 @!p0 $0x1082;
	s9 =	sld [smem:$0x3FB1]  }
0x2f: {  	lr =	sadd.s32 s0, s3;
	s0 =	sld [smem:$0x3FA8]  }
0x30: {  	s3 =	sld [smem:$0x3FAB]  }
0x31: {  	[smem:$0x3FB4] =	sst s10  }
0x32: {  	s10 =	sld [smem:$0x3FB2];
	_ =	sdelay $0x3  }
0x33: {  	p0 =	seq.s32 s10, $0x1;
	s10 =	sld [smem:$0x3FB4];
	_ =	sdelay $0x3  }
0x34: {  	[smem:$0x3FB4] =	sst s10  }
0x35: {  	s10 =	sld [smem:$0x3FB3];
	_ =	sdelay $0x3  }
0x36: {  	p1 =	seq.s32 s10, $0x1;
	s10 =	sld [smem:$0x3FB4];
	_ =	sdelay $0x3  }
0x37: {  	[smem:$0x3FB4] =	sst s10  }
0x38: {  	s10 =	sld [smem:$0x3FB5]  }
0x39: {  	_ = 	snop;
	(pc) =	sbr.ind lr, $3  }
0x3a: {  	_ = 	snop  }
0x3b: {  	_ = 	snop  }
0x3c: {  	p2 =	seq.s32 s10, $0x1;
	s10 =	sld [smem:$0x3FB4]  }
0x3d: {  	_ =	shalt  }
0x3e: {  	_ =	shalt  }
0x3f: {  	_ =	shalt  }
0x40: {  	_ =	shalt  }
0x41: {  	_ =	shalt  }
0x42: {  	_ =	shalt  }
0x43: {  	_ =	shalt  }
0x44: {  	_ =	shalt  }
0x45: {  	_ =	shalt  }
0x46: {  	_ =	shalt  }
0x47: {  	_ =	shalt  }
0x48: {  	_ =	shalt  }
0x49: {  	_ =	shalt  }
0x4a: {  	_ =	shalt  }
0x4b: {  	_ =	shalt  }
0x4c: {  	_ =	shalt  }
0x4d: {  	_ =	shalt  }
0x4e: {  	_ =	shalt  }
0x4f: {  	_ =	shalt  }
0x50: {  	_ =	shalt  }
0x51: {  	_ =	shalt  }
0x52: {  	_ =	shalt  }
0x53: {  	_ =	shalt  }
0x54: {  	_ =	shalt  }
0x55: {  	_ =	shalt  }
0x56: {  	_ =	shalt  }
0x57: {  	_ =	shalt  }
0x58: {  	_ =	shalt  }
0x59: {  	_ =	shalt  }
0x5a: {  	_ =	shalt  }
0x5b: {  	_ =	shalt  }
0x5c: {  	_ =	shalt  }
0x5d: {  	_ =	shalt  }
0x5e: {  	_ =	shalt  }
0x5f: {  	_ =	shalt  }
0x60: {  	_ =	shalt  }
0x61: {  	_ =	shalt  }
0x62: {  	_ =	shalt  }
0x63: {  	_ =	shalt  }
0x64: {  	_ =	shalt  }
0x65: {  	_ =	shalt  }
0x66: {  	_ =	shalt  }
0x67: {  	_ =	shalt  }
0x68: {  	_ =	shalt  }
0x69: {  	_ =	shalt  }
0x6a: {  	_ =	shalt  }
0x6b: {  	_ =	shalt  }
0x6c: {  	_ =	shalt  }
0x6d: {  	_ =	shalt  }
0x6e: {  	_ =	shalt  }
0x6f: {  	_ =	shalt  }
0x70: {  	_ =	shalt  }
0x71: {  	_ =	shalt  }
0x72: {  	_ =	shalt  }
0x73: {  	_ =	shalt  }
0x74: {  	_ =	shalt  }
0x75: {  	_ =	shalt  }
0x76: {  	_ =	shalt  }
0x77: {  	_ =	shalt  }
0x78: {  	_ =	shalt  }
0x79: {  	_ =	shalt  }
0x7a: {  	_ =	shalt  }
0x7b: {  	_ =	shalt  }
0x7c: {  	_ =	shalt  }
0x7d: {  	_ =	shalt  }
0x7e: {  	_ =	shalt  }
0x7f: {  	_ =	shalt  }
0x80: {  	_ =	shalt  }
0x81: {  	_ =	shalt  }
0x82: {  	_ =	shalt  }
0x83: {  	_ =	shalt  }
0x84: {  	_ =	shalt  }
0x85: {  	_ =	shalt  }
0x86: {  	_ =	shalt  }
0x87: {  	_ =	shalt  }
.Lfunc_end0:
.L_simem_size_0:
called_computation.2_lowered:
.L_overlay_start_0:
0x88: {  	s2 =	sld [smem:$0x3FD9]  }
0x89: {  	s3 =	sld [smem:$0x3FFE];
	_ =	sdelay $0x1  }
0x8a: {  	s1 =	srdreg.scid  }
0x8b: {  	s0 =	sand.u32 $0x1, s1  }
0x8c: {  	s16 =	sshll.u32 s0, $0xA;
	s2 =	sadd.s32 s3, s2  }
0x8d: {  	s2 =	sadd.s32 s2, s16  }
0x8e: {  	[smem:$0x3FC0] =	sst s2  }
0x8f: {  	_ = 	snop  }
0x90: {  	(tm) =	ssettm $0x1  }
0x91: {  	s17 =	sld [smem:$0x3FFB];
	_ =	sdelay $0x3  }
0x92: {  	_ =	strace s17  }
0x93: {  	s2 =	sld [smem:$0x3FFC];
	_ =	sdelay $0x3  }
0x94: {  	_ =	strace s2  }
0x95: {  	s2 =	sld [smem:$0x3FFD];
	_ =	sdelay $0x3  }
0x96: {  	_ =	strace s2  }
0x97: {  	_ =	strace $0x8FFFFFFF  }
0x98: {  	s18 =	sld [smem:$0x3FDB];
	_ =	sdelay $0x1  }
0x99: {  	s19 =	simm.s32 $_scs_section_size  }
0x9a: {  	s4 =	simm.s32 $_size__tile_overlayer_lowered;
	s5 =	simm.s32 $_tile_overlayer_lowered  }
0x9b: {  	s22 =	simm.s32 $0x1BFF;
	s21 =	sshll.u32 s5, $0x1;
	s2 =	sadd.s32 s19, s18  }
0x9c: {  	s6 =	simm.s32 $0x0;
	s20 =	sshll.u32 s4, $0x1;
	s4 =	sadd.s32 s21, s2  }
0x9d: {  	[timem:s6], [sflag:s22] =	dma.local [hbm:s4], s20  }
0x9e: {  	_ =	swait.ge [sflag:s22], s20  }
0x9f: {  	s3 =	ssub.s32 $0x0, s20;
	[sflag:s22] =	ssyncset.done $0x0  }
0xa0: {  	[sflag:s22] =	ssyncadd.s32 s3;
	_ =	sdelay $0x1  }
0xa1: {  	s23 =	simm.s32 $0x1B8B  }
0xa2: {  	_ =	swait.ge [sflag:s23], $0x1  }
0xa3: {  	[sflag:s23] =	ssyncset.done $0x0  }
0xa4: {  	s25 =	simm.s32 $0x1B8E;
	s24 =	sld [smem:$0x3FFE];
	[sflag:s23] =	ssyncadd.s32 $0xFFFFFFFF  }
0xa5: {  	s26 =	simm.s32 $execute0_lowered;
	[smem:$0x3FD2] =	sst s25  }
0xa6: {  	s4 =	sshll.u32 s26, $0x1;
	_ =	strace $0x8000004C;
	[dreg:$0x1] =	wrdreg $0xFFFFFFFF  }
0xa7: {  	s28 =	simm.s32 $_size_execute0_lowered;
	s2 =	sadd.s32 s2, s4;
	[dreg:$0x0] =	wrdreg $0x0  }
0xa8: {  	s4 =	sshll.u32 s28, $0x1;
	[dreg:$0x2] =	wrdreg s2  }
0xa9: {  	[dreg:$0x3] =	wrdreg s4  }
0xaa: {  	[dreg:$0x4] =	wrdreg $0xC0  }
0xab: {  	_ =	task [dreg:s6], $0x5FFFF  }
0xac: {  	[dreg:$0x1] =	wrdreg $0xFFFFFFFF  }
0xad: {  	[dreg:$0x0] =	wrdreg $0x60  }
0xae: {  	[dreg:$0x2] =	wrdreg s24  }
0xaf: {  	[dreg:$0x3] =	wrdreg $0x14DC00  }
0xb0: {  	[dreg:$0x4] =	wrdreg $0xADC00  }
0xb1: {  	[dreg:$0x5] =	wrdreg $0x9  }
0xb2: {  	_ =	task.clear_ibuf [dreg:s6], $0x6FFFF;
	_ =	strace $0x9000004C  }
0xb3: {  	s29 =	simm.s32 $0x9;
	_ =	strace $0x8000004E  }
0xb4: {  	_ =	swait.ge [sflag:s29], $0x1  }
0xb5: {  	[sflag:s29] =	ssyncadd.s32 $0xFFFFFFFF  }
0xb6: {  	_ =	strace $0x9000004E  }
0xb7: {  	_ =	sfence  }
0xb8: {  	s30 =	sld [smem:$0x0];
	_ =	sdelay $0x2  }
0xb9: {  	s31 =	sshll.u32 s1, $0xD;
	s1 =	sshrl.u32 s1, $0x2  }
0xba: {  	s3 =	sand.u32 $0x4000, s31;
	s1 =	sadd.s32 s1, s30  }
0xbb: {  	s0 =	sor.u32 s3, s0;
	s1 =	sshll.u32 s1, $0x11  }
0xbc: {  	s0 =	sor.u32 s1, s0  }
0xbd: {  	s0 =	sadd.s32 $0x8F2B, s0  }
0xbe: {  	[sflag:s0] =	ssyncadd.remote.s32 $0x1  }
0xbf: {  	_ =	sfence.sel $0xFFFF  }
0xc0: {  	[dreg:$0x0] =	wrdreg $0xFFFFFFFF;
	(pc) =	sbr.abs _section_cstart, $3  }
0xc1: {  	[dreg:$0x1] =	wrdreg $0xFFFFFFFF  }
0xc2: {  	_ =	task.clear_ibuf [dreg:s6], $0x2FFFF;
	_ =	strace $0x9FFFFFFF  }
0xc3: {  	(tm) =	ssettm $0x7FFFFFFF  }
tec
execute0_lowered:
.L_overlay_start_1:
0x0: {  	(tag) =	ssettag $0x1  }
0x1: {  	s0 =	srdreg.scid  }
0x2: {  	s1 =	rddreg [dreg:$0x0];
	s11 =	stileid.u32  }
0x3: {  	s2 =	rddreg [dreg:$0x1];
	s16 =	simm.s32 $0x9;
	s17 =	simm.s32 $0x7  }
0x4: {  	s18 =	simm.s32 $0x8;
	s19 =	simm.s32 $0x7D;
	s23 =	simm.s32 $0x6  }
0x5: {  	s24 =	simm.s32 $0x4;
	s25 =	simm.s32 $0x5;
	s0 =	sand.u32 $0x1, s0  }
0x6: {  	s26 =	simm.s32 $0x0;
	s8 =	smul.u32 $0xA000, s11;
	s3 =	sshll.u32 s0, $0x4  }
0x7: {  	s6 =	smul.u32 $0xA0000, s0;
	s0 =	ssub.s32 $0x2, s0;
	s4 =	sor.u32 s11, s3  }
0x8: {  	s3 =	rddreg [dreg:$0x2];
	s7 =	sshrl.u32 s8, $0x3;
	s9 =	sshrl.u32 s0, $0x1  }
0x9: {  	s13 =	sadd.s32 s8, s2;
	s5 =	smul.u32 $0x2800, s4;
	s4 =	simm.s32 $0x0  }
0xa: {  	s6 =	sadd.s32 s8, s6;
	s10 =	sadd.s32 s7, s1;
	s0 =	ssub.s32 s0, s9  }
0xb: {  	s15 =	sadd.s32 s8, s3;
	s13 =	sshrl.u32 s13, $0x3;
	[smem:$0x7FF] =	sst s4  }
0xc: {  	s6 =	sshrl.u32 s6, $0x3;
	s29 =	sadd.s32 $0xA2600, s10;
	s31 =	sadd.s32 $0x66600, s10  }
0xd: {  	s12 =	smax.u32 s0, $0x1;
	_ =	strace $0x8000004D;
	[dreg:$0x4] =	wrdreg s29  }
0xe: {  	s15 =	sshrl.u32 s15, $0x3;
	s5 =	sshrl.u32 s5, $0x3;
	[dreg:$0x6] =	wrdreg s31  }
0xf: {  	s5 =	sadd.s32 s5, s1;
	s1 =	sadd.s32 s6, s1;
	s6 =	sshll.u32 s11, $0x6  }
0x10: {  	s30 =	sor.u32 $0x1C07, s6;
	s9 =	sadd.s32 $0x2600, s5;
	s10 =	sadd.s32 $0xC600, s5  }
0x11: {  	s11 =	sadd.s32 $0x7A600, s1;
	s14 =	sor.u32 $0x1C08, s6;
	[dreg:$0x5] =	wrdreg s30  }
.LBB2_1:
0x12: {  	s0 =	rddreg [dreg:$0x4]  }
0x13: {  	s1 =	rddreg [dreg:$0x5]  }
0x14: {  	[spmem:s13], [sflag:s1] =	dma.local [hbm:s0], $0x1400  }
0x15: {  	s0 =	rddreg [dreg:$0x6]  }
0x16: {  	[spmem:s15], [sflag:s14] =	dma.local [hbm:s0], $0x1400  }
0x17: {  	[tilespmem:s4], [sflag:$0x9] =	stream.linear.gather [hbm4b:s9+s4], $0x2800, $0x38;
	[tilespmem:$0x1EDC0] =	vst v63  }
0x18: {  	_ =	swait.ge [sflag:s16], $0x2800  }
0x19: {  	[sflag:s16] =	ssyncset.done $0x0  }
0x1a: {  	s5 =	simm.s32 $0x2800;
	[sflag:s16] =	ssyncadd.s32 $0xFFFFD800  }
0x1b: {  	[tilespmem:s5], [sflag:$0x9] =	stream.linear.gather [hbm4b:s10+s4], $0x2800, $0x38;
	[tilespmem:$0x1EDC0] =	vst v63  }
0x1c: {  	_ =	swait.ge [sflag:s16], $0x2800  }
0x1d: {  	[sflag:s16] =	ssyncset.done $0x0  }
0x1e: {  	[sflag:s16] =	ssyncadd.s32 $0xFFFFD800  }
0x1f: {  	_ =	swait.ge [sflag:s17], $0x1400  }
0x20: {  	[sflag:s17] =	ssyncset.done $0x0  }
0x21: {  	[sflag:s17] =	ssyncadd.s32 $0xFFFFEC00  }
0x22: {  	s20 =	simm.s32 $0x5000;
	s21 =	smul.u32 $0xAB, s4;
	_ =	swait.ge [sflag:s18], $0x1400  }
0x23: {  	s22 =	simm.s32 $0x80;
	p0 =	por $0x0, $0x0;
	[sflag:s18] =	ssyncset.done $0x0  }
0x24: {  	s1 =	simm.s32 $0x2;
	s0 =	sshrl.u32 s21, $0x9;
	[sflag:s18] =	ssyncadd.s32 $0xFFFFEC00  }
0x25: {  	s21 =	smul.u32 @!p0 $0xAB, s1;
	s0 =	sand.u32 $0x7F, s0;
	[bflag:$0x0] =	sbarrier.arrive $0xFFFF  }
0x26: {  	[tilespmem:s20], [sflag:$0x1] =	stream.indirect.gather [spmem:s3], $0x40, s4, s19, $0xb8;
	[tilespmem:$0x1EDC0] =	vst v63  }
0x27: {  	s7 =	simm.s32 $0x6F40;
	s21 =	sshrl.u32 @!p0 s21, $0x9;
	s20 =	smul.u32 $0x3, s0  }
0x28: {  	[tilespmem:s7], [sflag:$0x2] =	stream.indirect.gather [spmem:s3], $0x40, s22, s19, $0xb8;
	[tilespmem:$0x1EDC0] =	vst v63  }
0x29: {  	s28 =	simm.s32 $0x1;
	s21 =	sand.u32 @!p0 $0x7F, s21;
	s20 =	ssub.s32 $0x0, s20  }
0x2a: {  	s30 =	simm.s32 $0x2880;
	s21 =	smul.u32 @!p0 $0x3, s21;
	s20 =	sand.u32 $0xFF, s20  }
0x2b: {  	p1 =	por @!p0 $0x1, $0x1;
	s22 =	smul.u32 $0x7D00, s20;
	s29 =	sadd.s32 $0x1, s20  }
0x2c: {  	s31 =	smul.u32 $0xAB, s28;
	p1 =	por p1, p0;
	_ =	swait.ge [sflag:s29], $0x1F40  }
0x2d: {  	s21 =	ssub.s32 @!p0 $0x2, s21;
	s22 =	sshrl.u32 s22, $0x2;
	[sflag:s29] =	ssyncset.done $0x0  }
0x2e: {  	s20 =	sor.u32 $0x4, s20;
	s22 =	sadd.s32 $0x5000, s22;
	[sflag:s29] =	ssyncadd.s32 $0xFFFFE0C0  }
0x2f: {  	[spmem:s2] =	stream.indirect.scatter.add.f32 [tilespmem:s22], [sflag:s20], $0x40, s5, s19, $0xb8;
	[tilespmem:$0x1EDC0] =	vst v63  }
0x30: {  	s1 =	simm.s32 $0x2;
	s0 =	simm.s32 $0x100;
	s20 =	sand.u32 @!p0 $0xFF, s21  }
0x31: {  	s29 =	simm.s32 $0x180;
	s22 =	simm.s32 @!p0 $0x7D;
	s21 =	sadd.s32 @!p1 $0x4, s20  }
0x32: {  	s5 =	smul.u32 @!p0 $0x7D00, s20;
	s20 =	sadd.s32 @!p0 $0x1, s20;
	_ =	swait.ge @!p1 [sflag:s21], $0x1F40  }
.LBB2_2:
0x33: {  	s7 =	sshrl.u32 s31, $0x9  }
0x34: {  	[sflag:s21] =	ssyncset.done @!p1 $0x0;
	s5 =	sshrl.u32 @!p0 s5, $0x2;
	s8 =	smov.u32 s1  }
0x35: {  	s31 =	smul.u32 $0xAB, s1;
	[sflag:s21] =	ssyncadd.s32 @!p1 $0xFFFFE0C0;
	s5 =	sadd.s32 @!p0 $0x5000, s5  }
0x36: {  	[tilespmem:s5], [sflag:s20] =	stream.indirect.gather @!p0 [spmem:s3], $0x40, s0, s22, $0xb8;
	[tilespmem:$0x1EDC0] =	vst v63  }
0x37: {  	s1 =	sadd.s32 $0x1, s1;
	s0 =	sand.u32 $0x7F, s7  }
0x38: {  	s5 =	sadd.s32 $0x2, s28;
	p0 =	sgt.u32 s28, $0x4D;
	s7 =	smul.u32 $0x3, s0  }
0x39: {  	p2 =	sne.s32 s1, $0x50;
	s20 =	smul.u32 @!p0 $0xAB, s5  }
0x3a: {  	p1 =	seq.s32 @!p0 s28, $0x0;
	s0 =	smov.u32 s29;
	s7 =	ssub.s32 s28, s7  }
0x3b: {  	s28 =	smov.u32 s8;
	s8 =	sshrl.u32 @!p0 s20, $0x9;
	s7 =	sand.u32 $0xFF, s7  }
0x3c: {  	s8 =	sand.u32 @!p0 $0x7F, s8;
	s20 =	smul.u32 $0x7D00, s7  }
0x3d: {  	s21 =	sadd.s32 $0x1, s7;
	s8 =	smul.u32 @!p0 $0x3, s8  }
0x3e: {  	p1 =	por p1, p0;
	s7 =	sor.u32 $0x4, s7;
	_ =	swait.ge [sflag:s21], $0x1F40  }
0x3f: {  	s20 =	sshrl.u32 s20, $0x2;
	s5 =	ssub.s32 @!p0 s5, s8;
	[sflag:s21] =	ssyncset.done $0x0  }
.Ltmp0:
0x40: {  	s20 =	sadd.s32 $0x5000, s20;
	[sflag:s21] =	ssyncadd.s32 $0xFFFFE0C0;
	(pc) =	sbr.rel @p2 .LBB2_2-.Ltmp0, $4  }
0x41: {  	[spmem:s2] =	stream.indirect.scatter.add.f32 [tilespmem:s20], [sflag:s7], $0x40, s30, s19, $0xb8;
	[tilespmem:$0x1EDC0] =	vst v63  }
0x42: {  	s7 =	sand.u32 @!p0 $0xFF, s5;
	s30 =	sadd.s32 $0x80, s30  }
0x43: {  	s21 =	sadd.s32 @!p1 $0x4, s7;
	s5 =	smul.u32 @!p0 $0x7D00, s7;
	s20 =	sadd.s32 @!p0 $0x1, s7  }
0x44: {  	s22 =	simm.s32 @!p0 $0x7D;
	s29 =	sadd.s32 $0x80, s29;
	_ =	swait.ge @!p1 [sflag:s21], $0x1F40  }
0x45: {  	[sflag:s21] =	ssyncset.done @!p1 $0x0;
	s1 =	sshrl.u32 @!p0 s5, $0x2  }
0x46: {  	s8 =	sshrl.u32 s31, $0x9;
	[sflag:s21] =	ssyncadd.s32 @!p1 $0xFFFFE0C0;
	s1 =	sadd.s32 @!p0 $0x5000, s1  }
0x47: {  	[tilespmem:s1], [sflag:s20] =	stream.indirect.gather @!p0 [spmem:s3], $0x40, s0, s22, $0xb8;
	[tilespmem:$0x1EDC0] =	vst v63  }
0x48: {  	s22 =	sand.u32 $0x7F, s8  }
0x49: {  	s1 =	sadd.s32 $0x2, s28;
	p0 =	sgt.u32 s28, $0x4D;
	s0 =	smul.u32 $0x3, s22  }
0x4a: {  	s5 =	smul.u32 @!p0 $0xAB, s1  }
0x4b: {  	s0 =	ssub.s32 s28, s0  }
0x4c: {  	s5 =	sshrl.u32 @!p0 s5, $0x9;
	s0 =	sand.u32 $0xFF, s0  }
0x4d: {  	s5 =	sand.u32 @!p0 $0x7F, s5;
	s7 =	smul.u32 $0x7D00, s0;
	s8 =	sadd.s32 $0x1, s0  }
0x4e: {  	p1 =	seq.s32 @!p0 s28, $0x0;
	s5 =	smul.u32 @!p0 $0x3, s5;
	_ =	swait.ge [sflag:s8], $0x1F40  }
0x4f: {  	s0 =	sor.u32 $0x4, s0;
	s7 =	sshrl.u32 s7, $0x2;
	[sflag:s8] =	ssyncset.done $0x0  }
0x50: {  	s1 =	ssub.s32 @!p0 s1, s5;
	s7 =	sadd.s32 $0x5000, s7;
	[sflag:s8] =	ssyncadd.s32 $0xFFFFE0C0  }
0x51: {  	[spmem:s2] =	stream.indirect.scatter.add.f32 [tilespmem:s7], [sflag:s0], $0x40, s30, s19, $0xb8;
	[tilespmem:$0x1EDC0] =	vst v63  }
0x52: {  	p1 =	por p1, p0;
	s0 =	sand.u32 @!p0 $0xFF, s1  }
0x53: {  	s1 =	sadd.s32 @!p1 $0x4, s0;
	s5 =	smul.u32 @!p0 $0x7D00, s0  }
0x54: {  	_ =	swait.ge @!p1 [sflag:s1], $0x1F40  }
0x55: {  	s7 =	simm.s32 @!p0 $0x7D;
	[sflag:s1] =	ssyncset.done @!p1 $0x0;
	s5 =	sshrl.u32 @!p0 s5, $0x2  }
0x56: {  	s0 =	sadd.s32 @!p0 $0x1, s0;
	[sflag:s1] =	ssyncadd.s32 @!p1 $0xFFFFE0C0;
	s1 =	sadd.s32 @!p0 $0x5000, s5  }
0x57: {  	[tilespmem:s1], [sflag:s0] =	stream.indirect.gather @!p0 [spmem:s3], $0x40, s29, s7, $0xb8;
	[tilespmem:$0x1EDC0] =	vst v63  }
0x58: {  	_ =	swait.ge [sflag:s23], $0x1F40  }
0x59: {  	[sflag:s23] =	ssyncset.done $0x0  }
0x5a: {  	[sflag:s23] =	ssyncadd.s32 $0xFFFFE0C0  }
0x5b: {  	_ =	swait.ge [sflag:s24], $0x1F40  }
0x5c: {  	[sflag:s24] =	ssyncset.done $0x0  }
0x5d: {  	[sflag:s24] =	ssyncadd.s32 $0xFFFFE0C0  }
0x5e: {  	_ =	swait.ge [sflag:s25], $0x1F40  }
0x5f: {  	s26 =	sadd.s32 $0x1, s26;
	[sflag:s25] =	ssyncset.done $0x0  }
0x60: {  	p0 =	sne.s32 s26, s12;
	[sflag:s25] =	ssyncadd.s32 $0xFFFFE0C0  }
.Ltmp1:
0x61: {  	s31 =	sor.u32 $0x1C09, s6;
	[bflag:$0x0] =	sbarrier.arrive $0xFFFF;
	(pc) =	sbr.rel @p0 .LBB2_1-.Ltmp1, $4  }
0x62: {  	[hbm:s11], [sflag:s31] =	dma.local [spmem:s13], $0x1400  }
0x63: {  	_ =	swait.ge [sflag:s16], $0x1400  }
0x64: {  	[sflag:s16] =	ssyncset.done $0x0  }
0x65: {  	[sflag:s16] =	ssyncadd.s32 $0xFFFFEC00  }
0x66: {  	_ =	sfence.sel $0x180000  }
0x67: {  	[bflag:$0x0] =	sbarrier.arrive $0xFFFF  }
0x68: {  	_ =	strace $0x9000004D  }
0x69: {  	s0 =	stileid.u32;
	[bflag:$0x2] =	sbarrier.arrive $0xFFFF  }
0x6a: {  	p0 =	sne.s32 s0, $0x0;
	s0 =	rddreg [dreg:$0x3]  }
0x6b: {  	s0 =	sadd.s32 @!p0 $0x100000, s0  }
0x6c: {  	[sflag:s0] =	ssyncadd.tile.s32 @!p0 $0x1;
	_ =	shalt  }
.Lfunc_end2:
_tile_overlayer_lowered:
.L_overlay_start_2:
0x6d: {  	(tag) =	ssettag $0x2  }
0x6e: {  	s0 =	rddreg [dreg:$0x0];
	s2 =	stileid.u32  }
0x6f: {  	s1 =	rddreg [dreg:$0x1];
	p0 =	sne.s32 s2, $0x0  }
0x70: {  	s3 =	rddreg [dreg:$0x2];
	[bflag:$0x3] =	sbarrier.arrive $0xFFFF;
	s2 =	simm.s32 @!p0 $0x1C09  }
0x71: {  	[timem:s3], [sflag:s2] =	dma.local @!p0 [hbm:s0], s1  }
0x72: {  	s0 =	simm.s32 @!p0 $0x9  }
0x73: {  	_ =	swait.ge @!p0 [sflag:s0], s1  }
0x74: {  	s1 =	ssub.s32 @!p0 $0x0, s1;
	[sflag:s0] =	ssyncset.done @!p0 $0x0  }
0x75: {  	[sflag:s0] =	ssyncadd.s32 @!p0 s1  }
0x76: {  	[bflag:$0x3] =	sbarrier.arrive $0xFFFF  }
0x77: {  	_ =	shalt  }

// kernel: kernel.9.cloned.1.call-start
scs
__scs_entry_jumppad:
0x0: {  	(pc) =	sbr.rel $0x88, $3  }
0x1: {  	(tag) =	ssettag $0x0;
	lr =	simm.s32 $0x1  }
0x2: {  	[smem:$0x3F99] =	sst lr;
	_ =	strace $0xD0000000  }
0x3: {  	_ = 	snop  }
0x4: {  	_ = 	snop  }
0x5: {  	_ = 	snop  }
0x6: {  	_ = 	snop  }
0x7: {  	_ = 	snop  }
__scs_overlays_trampoline_lowered:
0x8: {  	[smem:$0x3FA8] =	sst s0  }
0x9: {  	[smem:$0x3FA9] =	sst s1  }
0xa: {  	[smem:$0x3FAA] =	sst s2  }
0xb: {  	[smem:$0x3FAB] =	sst s3  }
0xc: {  	[smem:$0x3FAC] =	sst s4  }
0xd: {  	[smem:$0x3FAD] =	sst s5  }
0xe: {  	[smem:$0x3FAE] =	sst s6  }
0xf: {  	[smem:$0x3FAF] =	sst s7  }
0x10: {  	[smem:$0x3FB0] =	sst s8  }
0x11: {  	[smem:$0x3FB1] =	sst s9;
	s0 =	simm.s32 @!p0 $0x0  }
0x12: {  	s1 =	sld [smem:$0x3F97];
	s0 =	simm.s32 @p0 $0x1  }
0x13: {  	[smem:$0x3FB2] =	sst s0;
	s0 =	simm.s32 @!p1 $0x0  }
0x14: {  	s2 =	sld [smem:$0x3F96];
	s0 =	simm.s32 @p1 $0x1  }
0x15: {  	[smem:$0x3FB3] =	sst s0;
	s0 =	simm.s32 @!p2 $0x0  }
0x16: {  	s3 =	sld [smem:$0x3FDB];
	s0 =	simm.s32 @p2 $0x1  }
0x17: {  	s4 =	simm.s32 $0x1BF5;
	[smem:$0x3FB5] =	sst s0  }
0x18: {  	s0 =	sld [smem:$0x3F98];
	_ =	swait.ge [sflag:s4], $0x0  }
0x19: {  	s7 =	sld [smem:$0x3F99]  }
0x1a: {  	s8 =	sadd.s32 $0xFFFFE003, lr  }
0x1b: {  	s9 =	sadd.s32 $0xFFFFFEF7, lr;
	s5 =	simm.s32 $0xFFFFFFFF;
	p2 =	slt.u32 s8, $0xFFFFF086  }
0x1c: {  	p1 =	slt.u32 s9, $0xF7A;
	s5 =	simm.s32 @!p2 $0x0  }
0x1d: {  	s5 =	simm.s32 @p1 $0x1;
	p0 =	seq.s32 s7, s2  }
0x1e: {  	s7 =	smul.u32 @!p0 $0xF7A, s2;
	p2 =	seq.s32 @!p0 s5, $0x0  }
0x1f: {  	s9 =	smul.u32 $0xF7A, s1;
	s8 =	simm.s32 @!p0 $0x1BF5;
	p2 =	por !p2, p0  }
0x20: {  	[sflag:s8] =	ssyncset.s32 @!p0 $0xFFFFF086;
	s6 =	sadd.s32 @!p0 s3, s7;
	s7 =	simm.s32 @!p0 $0x108  }
0x21: {  	s3 =	sadd.s32 s3, s9;
	s6 =	sadd.s32 @!p0 $0x88, s6;
	s7 =	simm.s32 @p2 $0x1082  }
0x22: {  	[simem:s7], [sflag:s8] =	dma.local @!p0 [hbm:s6], $0xF7A  }
0x23: {  	s9 =	sor.u32 $0xD0000000, s2;
	s6 =	simm.s32 $0x108;
	_ =	swait.ge @!p0 [sflag:s8], $0x0  }
0x24: {  	s3 =	sadd.s32 $0x88, s3;
	s6 =	simm.s32 @!p1 $0x1082;
	[sflag:s4] =	ssyncset.s32 $0xFFFFF086  }
0x25: {  	[simem:s6], [sflag:s4] =	dma.local [hbm:s3], $0xF7A  }
0x26: {  	[smem:$0x3F99] =	sst s1;
	(tag) =	ssettag s2;
	_ =	strace s9  }
0x27: {  	s1 =	sld [smem:$0x3FA9]  }
0x28: {  	s2 =	sld [smem:$0x3FAA]  }
0x29: {  	s4 =	sld [smem:$0x3FAC]  }
0x2a: {  	p0 =	seq.s32 s5, $0x0;
	s5 =	sld [smem:$0x3FAD]  }
0x2b: {  	s6 =	sld [smem:$0x3FAE]  }
0x2c: {  	s7 =	sld [smem:$0x3FAF]  }
0x2d: {  	s3 =	simm.s32 $0x108;
	s8 =	sld [smem:$0x3FB0]  }
0x2e: {  	s3 =	simm.s32 @!p0 $0x1082;
	s9 =	sld [smem:$0x3FB1]  }
0x2f: {  	lr =	sadd.s32 s0, s3;
	s0 =	sld [smem:$0x3FA8]  }
0x30: {  	s3 =	sld [smem:$0x3FAB]  }
0x31: {  	[smem:$0x3FB4] =	sst s10  }
0x32: {  	s10 =	sld [smem:$0x3FB2];
	_ =	sdelay $0x3  }
0x33: {  	p0 =	seq.s32 s10, $0x1;
	s10 =	sld [smem:$0x3FB4];
	_ =	sdelay $0x3  }
0x34: {  	[smem:$0x3FB4] =	sst s10  }
0x35: {  	s10 =	sld [smem:$0x3FB3];
	_ =	sdelay $0x3  }
0x36: {  	p1 =	seq.s32 s10, $0x1;
	s10 =	sld [smem:$0x3FB4];
	_ =	sdelay $0x3  }
0x37: {  	[smem:$0x3FB4] =	sst s10  }
0x38: {  	s10 =	sld [smem:$0x3FB5]  }
0x39: {  	_ = 	snop;
	(pc) =	sbr.ind lr, $3  }
0x3a: {  	_ = 	snop  }
0x3b: {  	_ = 	snop  }
0x3c: {  	p2 =	seq.s32 s10, $0x1;
	s10 =	sld [smem:$0x3FB4]  }
0x3d: {  	_ =	shalt  }
0x3e: {  	_ =	shalt  }
0x3f: {  	_ =	shalt  }
0x40: {  	_ =	shalt  }
0x41: {  	_ =	shalt  }
0x42: {  	_ =	shalt  }
0x43: {  	_ =	shalt  }
0x44: {  	_ =	shalt  }
0x45: {  	_ =	shalt  }
0x46: {  	_ =	shalt  }
0x47: {  	_ =	shalt  }
0x48: {  	_ =	shalt  }
0x49: {  	_ =	shalt  }
0x4a: {  	_ =	shalt  }
0x4b: {  	_ =	shalt  }
0x4c: {  	_ =	shalt  }
0x4d: {  	_ =	shalt  }
0x4e: {  	_ =	shalt  }
0x4f: {  	_ =	shalt  }
0x50: {  	_ =	shalt  }
0x51: {  	_ =	shalt  }
0x52: {  	_ =	shalt  }
0x53: {  	_ =	shalt  }
0x54: {  	_ =	shalt  }
0x55: {  	_ =	shalt  }
0x56: {  	_ =	shalt  }
0x57: {  	_ =	shalt  }
0x58: {  	_ =	shalt  }
0x59: {  	_ =	shalt  }
0x5a: {  	_ =	shalt  }
0x5b: {  	_ =	shalt  }
0x5c: {  	_ =	shalt  }
0x5d: {  	_ =	shalt  }
0x5e: {  	_ =	shalt  }
0x5f: {  	_ =	shalt  }
0x60: {  	_ =	shalt  }
0x61: {  	_ =	shalt  }
0x62: {  	_ =	shalt  }
0x63: {  	_ =	shalt  }
0x64: {  	_ =	shalt  }
0x65: {  	_ =	shalt  }
0x66: {  	_ =	shalt  }
0x67: {  	_ =	shalt  }
0x68: {  	_ =	shalt  }
0x69: {  	_ =	shalt  }
0x6a: {  	_ =	shalt  }
0x6b: {  	_ =	shalt  }
0x6c: {  	_ =	shalt  }
0x6d: {  	_ =	shalt  }
0x6e: {  	_ =	shalt  }
0x6f: {  	_ =	shalt  }
0x70: {  	_ =	shalt  }
0x71: {  	_ =	shalt  }
0x72: {  	_ =	shalt  }
0x73: {  	_ =	shalt  }
0x74: {  	_ =	shalt  }
0x75: {  	_ =	shalt  }
0x76: {  	_ =	shalt  }
0x77: {  	_ =	shalt  }
0x78: {  	_ =	shalt  }
0x79: {  	_ =	shalt  }
0x7a: {  	_ =	shalt  }
0x7b: {  	_ =	shalt  }
0x7c: {  	_ =	shalt  }
0x7d: {  	_ =	shalt  }
0x7e: {  	_ =	shalt  }
0x7f: {  	_ =	shalt  }
0x80: {  	_ =	shalt  }
0x81: {  	_ =	shalt  }
0x82: {  	_ =	shalt  }
0x83: {  	_ =	shalt  }
0x84: {  	_ =	shalt  }
0x85: {  	_ =	shalt  }
0x86: {  	_ =	shalt  }
0x87: {  	_ =	shalt  }
.Lfunc_end0:
.L_simem_size_0:
called_computation_lowered:
.L_overlay_start_0:
0x88: {  	s2 =	sld [smem:$0x3FD9]  }
0x89: {  	s3 =	sld [smem:$0x3FFE];
	_ =	sdelay $0x1  }
0x8a: {  	s1 =	srdreg.scid  }
0x8b: {  	s0 =	sand.u32 $0x1, s1  }
0x8c: {  	s16 =	sshll.u32 s0, $0xA;
	s2 =	sadd.s32 s3, s2  }
0x8d: {  	s2 =	sadd.s32 s2, s16  }
0x8e: {  	[smem:$0x3FC0] =	sst s2  }
0x8f: {  	_ = 	snop  }
0x90: {  	(tm) =	ssettm $0x1  }
0x91: {  	s17 =	sld [smem:$0x3FFB];
	_ =	sdelay $0x3  }
0x92: {  	_ =	strace s17  }
0x93: {  	s2 =	sld [smem:$0x3FFC];
	_ =	sdelay $0x3  }
0x94: {  	_ =	strace s2  }
0x95: {  	s2 =	sld [smem:$0x3FFD];
	_ =	sdelay $0x3  }
0x96: {  	_ =	strace s2  }
0x97: {  	_ =	strace $0x8FFFFFFF  }
0x98: {  	s18 =	sld [smem:$0x3FDB];
	_ =	sdelay $0x1  }
0x99: {  	s19 =	simm.s32 $_scs_section_size  }
0x9a: {  	s4 =	simm.s32 $_size__tile_overlayer_lowered;
	s5 =	simm.s32 $_tile_overlayer_lowered  }
0x9b: {  	s22 =	simm.s32 $0x1BFF;
	s21 =	sshll.u32 s5, $0x1;
	s2 =	sadd.s32 s19, s18  }
0x9c: {  	s6 =	simm.s32 $0x0;
	s20 =	sshll.u32 s4, $0x1;
	s4 =	sadd.s32 s21, s2  }
0x9d: {  	[timem:s6], [sflag:s22] =	dma.local [hbm:s4], s20  }
0x9e: {  	_ =	swait.ge [sflag:s22], s20  }
0x9f: {  	s3 =	ssub.s32 $0x0, s20;
	[sflag:s22] =	ssyncset.done $0x0  }
0xa0: {  	[sflag:s22] =	ssyncadd.s32 s3;
	_ =	sdelay $0x1  }
0xa1: {  	s23 =	simm.s32 $0x1B8B  }
0xa2: {  	_ =	swait.ge [sflag:s23], $0x1  }
0xa3: {  	[sflag:s23] =	ssyncset.done $0x0  }
0xa4: {  	s25 =	simm.s32 $0x1B8E;
	s24 =	sld [smem:$0x3FFE];
	[sflag:s23] =	ssyncadd.s32 $0xFFFFFFFF  }
0xa5: {  	s26 =	simm.s32 $execute0_lowered;
	[smem:$0x3FD2] =	sst s25  }
0xa6: {  	s4 =	sshll.u32 s26, $0x1;
	_ =	strace $0x80000046;
	[dreg:$0x1] =	wrdreg $0xFFFFFFFF  }
0xa7: {  	s28 =	simm.s32 $_size_execute0_lowered;
	s2 =	sadd.s32 s2, s4;
	[dreg:$0x0] =	wrdreg $0x0  }
0xa8: {  	s4 =	sshll.u32 s28, $0x1;
	[dreg:$0x2] =	wrdreg s2  }
0xa9: {  	[dreg:$0x3] =	wrdreg s4  }
0xaa: {  	[dreg:$0x4] =	wrdreg $0xC0  }
0xab: {  	_ =	task [dreg:s6], $0x5FFFF  }
0xac: {  	[dreg:$0x1] =	wrdreg $0xFFFFFFFF  }
0xad: {  	[dreg:$0x0] =	wrdreg $0x60  }
0xae: {  	[dreg:$0x2] =	wrdreg s24  }
0xaf: {  	[dreg:$0x3] =	wrdreg $0xA0000  }
0xb0: {  	[dreg:$0x4] =	wrdreg $0x9  }
0xb1: {  	_ =	task.clear_ibuf [dreg:s6], $0x5FFFF;
	_ =	strace $0x90000046  }
0xb2: {  	s29 =	simm.s32 $0x9;
	_ =	strace $0x80000048  }
0xb3: {  	_ =	swait.ge [sflag:s29], $0x1  }
0xb4: {  	[sflag:s29] =	ssyncadd.s32 $0xFFFFFFFF  }
0xb5: {  	_ =	strace $0x90000048  }
0xb6: {  	_ =	sfence  }
0xb7: {  	s30 =	sld [smem:$0x0];
	_ =	sdelay $0x2  }
0xb8: {  	s31 =	sshll.u32 s1, $0xD;
	s1 =	sshrl.u32 s1, $0x2  }
0xb9: {  	s3 =	sand.u32 $0x4000, s31;
	s1 =	sadd.s32 s1, s30  }
0xba: {  	s0 =	sor.u32 s3, s0;
	s1 =	sshll.u32 s1, $0x11  }
0xbb: {  	s0 =	sor.u32 s1, s0  }
0xbc: {  	s0 =	sadd.s32 $0x8F2B, s0  }
0xbd: {  	[sflag:s0] =	ssyncadd.remote.s32 $0x1  }
0xbe: {  	_ =	sfence.sel $0xFFFF  }
0xbf: {  	[dreg:$0x0] =	wrdreg $0xFFFFFFFF;
	(pc) =	sbr.abs _section_cstart, $3  }
0xc0: {  	[dreg:$0x1] =	wrdreg $0xFFFFFFFF  }
0xc1: {  	_ =	task.clear_ibuf [dreg:s6], $0x2FFFF;
	_ =	strace $0x9FFFFFFF  }
0xc2: {  	(tm) =	ssettm $0x7FFFFFFF  }
0xc3: {  	_ =	shalt  }
tec
execute0_lowered:
.L_overlay_start_1:
0x0: {  	(tag) =	ssettag $0x1  }
0x1: {  	s0 =	rddreg [dreg:$0x0]  }
0x2: {  	s1 =	rddreg [dreg:$0x1];
	s3 =	srdreg.scid;
	s2 =	simm.s32 $0x0  }
0x3: {  	s8 =	stileid.u32;
	s23 =	simm.s32 $0x1;
	s24 =	simm.s32 $0x2800  }
0x4: {  	s30 =	simm.s32 $0x7080;
	s31 =	simm.s32 $0x7300;
	s6 =	smul.u32 $0x2800, s8  }
0x5: {  	s3 =	sand.u32 $0x1, s3;
	[smem:$0x7FF] =	sst s2;
	s25 =	smul.u32 $0xA000, s8  }
0x6: {  	s4 =	smul.u32 $0x28000, s3;
	s5 =	sshll.u32 s3, $0x4;
	s3 =	ssub.s32 $0x2, s3  }
0x7: {  	_ =	strace $0x80000047;
	s5 =	sor.u32 s8, s5;
	s7 =	sshrl.u32 s3, $0x1  }
0x8: {  	s8 =	smul.u32 $0xA00, s8;
	s28 =	sshrl.u32 s25, $0x2;
	s25 =	simm.s32 $0x0  }
0x9: {  	s5 =	smul.u32 $0x2800, s5;
	s4 =	sadd.s32 s6, s4;
	s22 =	ssub.s32 s3, s7  }
0xa: {  	s4 =	sshrl.u32 s4, $0x3;
	s29 =	sshrl.u32 s8, $0x2;
	s22 =	smax.u32 s22, $0x1  }
0xb: {  	s21 =	sadd.s32 s4, s0;
	s26 =	sshrl.u32 s5, $0x3;
	s4 =	sadd.s32 s28, s1  }
0xc: {  	s5 =	sadd.s32 s29, s1;
	s1 =	simm.s32 $0x7800;
	s0 =	sadd.s32 s0, s26  }
0xd: {  	s6 =	sadd.s32 $0x2800, s5;
	s7 =	sadd.s32 $0x5000, s5;
	s8 =	sadd.s32 $0x7800, s5  }
0xe: {  	s9 =	sadd.s32 $0xA000, s5;
	s10 =	sadd.s32 $0xC800, s5;
	s11 =	sadd.s32 $0xF000, s5  }
0xf: {  	s12 =	sadd.s32 $0x11800, s5;
	s13 =	sadd.s32 $0x14000, s5;
	s14 =	sadd.s32 $0x16800, s5  }
0x10: {  	s15 =	sadd.s32 $0x19000, s5;
	s16 =	sadd.s32 $0x1B800, s5;
	s17 =	sadd.s32 $0x1E000, s5  }
0x11: {  	v0 =	vimm.f32 $0.0e+00;
	v2 =	vlaneseq.u32;
	s18 =	sadd.s32 $0x20800, s5;
	s19 =	sadd.s32 $0x23000, s5;
	s20 =	sadd.s32 $0x25800, s5  }
0x12: {  	v1 =	vimm.f32 $1.000000000e+00;
	vm0 =	vcmask $0x3F0C;
	v2 =	vmul.u32 $0x10, v2;
	s21 =	sadd.s32 $0x16600, s21;
	s3 =	sadd.s32 $0xC600, s0;
	s0 =	simm.s32 $0x7580  }
.LBB2_1:
0x13: {  	[tilespmem:s2], [sflag:$0x1] =	stream.linear.gather [hbm4b:s3+s2], $0x2800, $0x38;
	[tilespmem:$0xC800] =	vst v63  }
0x14: {  	_ =	swait.ge [sflag:s23], $0x2800  }
0x15: {  	[sflag:s23] =	ssyncset.done $0x0  }
0x16: {  	s26 =	simm.s32 $0x0;
	[sflag:s23] =	ssyncadd.s32 $0xFFFFD800  }
.LBB2_2:
0x17: {  	p0 =	sne.s32 s26, $0x9FC0  }
.Ltmp0:
0x18: {  	_ = 	snop;
	(pc) =	sbr.rel @p0 .LBB2_2-.Ltmp0, $3  }
0x19: {  	_ =	sdelay $0x1  }
0x1a: {  	s28 =	sshra.s32 s26, $0x2  }
0x1b: {  	s26 =	sadd.s32 $0x40, s26;
	[tilespmem:s28+$0x2800] =	vst v0  }
0x1c: {  	s26 =	simm.s32 $0x0  }
.LBB2_4:
0x1d: {  	s28 =	sshra.s32 s26, $0x2  }
0x1e: {  	v3 =	vld [tilespmem:s28+$0x0];
	_ =	sdelay $0x7  }
0x1f: {  	[tilespmem:v3+s24+$0x0] =	vst.idx.add.f32.msk $0xffff, v1  }
0x20: {  	v3 =	vld [tilespmem:s28+$0x10];
	_ =	sdelay $0x7  }
0x21: {  	[tilespmem:v3+s24+$0x0] =	vst.idx.add.f32.msk $0xffff, v1  }
0x22: {  	v3 =	vld [tilespmem:s28+$0x20];
	_ =	sdelay $0x7  }
0x23: {  	[tilespmem:v3+s24+$0x0] =	vst.idx.add.f32.msk $0xffff, v1  }
0x24: {  	v3 =	vld [tilespmem:s28+$0x30];
	_ =	sdelay $0x7  }
0x25: {  	[tilespmem:v3+s24+$0x0] =	vst.idx.add.f32.msk $0xffff, v1  }
0x26: {  	v3 =	vld [tilespmem:s28+$0x40];
	_ =	sdelay $0x7  }
0x27: {  	[tilespmem:v3+s24+$0x0] =	vst.idx.add.f32.msk $0xffff, v1  }
0x28: {  	v3 =	vld [tilespmem:s28+$0x50];
	_ =	sdelay $0x7  }
0x29: {  	[tilespmem:v3+s24+$0x0] =	vst.idx.add.f32.msk $0xffff, v1  }
0x2a: {  	v3 =	vld [tilespmem:s28+$0x60];
	_ =	sdelay $0x7  }
0x2b: {  	[tilespmem:v3+s24+$0x0] =	vst.idx.add.f32.msk $0xffff, v1  }
0x2c: {  	v3 =	vld [tilespmem:s28+$0x6D];
	_ =	sdelay $0x2  }
0x2d: {  	p0 =	sne.s32 s26, $0x9E00  }
.Ltmp1:
0x2e: {  	_ = 	snop;
	(pc) =	sbr.rel @p0 .LBB2_4-.Ltmp1, $2  }
0x2f: {  	_ =	sdelay $0x2  }
0x30: {  	s26 =	sadd.s32 $0x200, s26;
	[tilespmem:v3+s24+$0x0] =	vst.idx.add.f32.msk vm0, v1  }
0x31: {  	[spmem:s4] =	stream.linear.scatter [tilespmem:s24], [sflag:$0x1], $0x2800, $0x38;
	[tilespmem:$0xC800] =	vst v63  }
0x32: {  	_ =	swait.ge [sflag:s23], $0x2800  }
0x33: {  	[sflag:s23] =	ssyncset.done $0x0  }
0x34: {  	[sflag:s23] =	ssyncadd.s32 $0xFFFFD800  }
0x35: {  	s26 =	simm.s32 $0x5000;
	[bflag:$0x0] =	sbarrier.arrive $0xFFFF  }
0x36: {  	[tilespmem:s26], [sflag:$0x1] =	stream.linear.gather [spmem:s5], $0x280, $0x38;
	[tilespmem:$0xC800] =	vst v63  }
0x37: {  	_ =	swait.ge [sflag:s23], $0x280  }
0x38: {  	[sflag:s23] =	ssyncset.done $0x0  }
0x39: {  	s29 =	simm.s32 $0x5280;
	[sflag:s23] =	ssyncadd.s32 $0xFFFFFD80  }
0x3a: {  	[tilespmem:s29], [sflag:$0x1] =	stream.linear.gather [spmem:s6], $0x280, $0x38;
	[tilespmem:$0xC800] =	vst v63  }
0x3b: {  	_ =	swait.ge [sflag:s23], $0x280  }
0x3c: {  	[sflag:s23] =	ssyncset.done $0x0  }
0x3d: {  	s29 =	simm.s32 $0x5500;
	[sflag:s23] =	ssyncadd.s32 $0xFFFFFD80  }
0x3e: {  	[tilespmem:s29], [sflag:$0x1] =	stream.linear.gather [spmem:s7], $0x280, $0x38;
	[tilespmem:$0xC800] =	vst v63  }
0x3f: {  	_ =	swait.ge [sflag:s23], $0x280  }
0x40: {  	[sflag:s23] =	ssyncset.done $0x0  }
0x41: {  	s29 =	simm.s32 $0x5780;
	[sflag:s23] =	ssyncadd.s32 $0xFFFFFD80  }
0x42: {  	[tilespmem:s29], [sflag:$0x1] =	stream.linear.gather [spmem:s8], $0x280, $0x38;
	[tilespmem:$0xC800] =	vst v63  }
0x43: {  	_ =	swait.ge [sflag:s23], $0x280  }
0x44: {  	[sflag:s23] =	ssyncset.done $0x0  }
0x45: {  	s29 =	simm.s32 $0x5A00;
	[sflag:s23] =	ssyncadd.s32 $0xFFFFFD80  }
0x46: {  	[tilespmem:s29], [sflag:$0x1] =	stream.linear.gather [spmem:s9], $0x280, $0x38;
	[tilespmem:$0xC800] =	vst v63  }
0x47: {  	_ =	swait.ge [sflag:s23], $0x280  }
0x48: {  	[sflag:s23] =	ssyncset.done $0x0  }
0x49: {  	s29 =	simm.s32 $0x5C80;
	[sflag:s23] =	ssyncadd.s32 $0xFFFFFD80  }
0x4a: {  	[tilespmem:s29], [sflag:$0x1] =	stream.linear.gather [spmem:s10], $0x280, $0x38;
	[tilespmem:$0xC800] =	vst v63  }
0x4b: {  	_ =	swait.ge [sflag:s23], $0x280  }
0x4c: {  	[sflag:s23] =	ssyncset.done $0x0  }
0x4d: {  	s29 =	simm.s32 $0x5F00;
	[sflag:s23] =	ssyncadd.s32 $0xFFFFFD80  }
0x4e: {  	[tilespmem:s29], [sflag:$0x1] =	stream.linear.gather [spmem:s11], $0x280, $0x38;
	[tilespmem:$0xC800] =	vst v63  }
0x4f: {  	_ =	swait.ge [sflag:s23], $0x280  }
0x50: {  	[sflag:s23] =	ssyncset.done $0x0  }
0x51: {  	s29 =	simm.s32 $0x6180;
	[sflag:s23] =	ssyncadd.s32 $0xFFFFFD80  }
0x52: {  	[tilespmem:s29], [sflag:$0x1] =	stream.linear.gather [spmem:s12], $0x280, $0x38;
	[tilespmem:$0xC800] =	vst v63  }
0x53: {  	_ =	swait.ge [sflag:s23], $0x280  }
0x54: {  	[sflag:s23] =	ssyncset.done $0x0  }
0x55: {  	s26 =	simm.s32 $0x6400;
	[sflag:s23] =	ssyncadd.s32 $0xFFFFFD80  }
0x56: {  	[tilespmem:s26], [sflag:$0x1] =	stream.linear.gather [spmem:s13], $0x280, $0x38;
	[tilespmem:$0xC800] =	vst v63  }
0x57: {  	_ =	swait.ge [sflag:s23], $0x280  }
0x58: {  	[sflag:s23] =	ssyncset.done $0x0  }
0x59: {  	s28 =	simm.s32 $0x6680;
	[sflag:s23] =	ssyncadd.s32 $0xFFFFFD80  }
0x5a: {  	[tilespmem:s28], [sflag:$0x1] =	stream.linear.gather [spmem:s14], $0x280, $0x38;
	[tilespmem:$0xC800] =	vst v63  }
0x5b: {  	_ =	swait.ge [sflag:s23], $0x280  }
0x5c: {  	[sflag:s23] =	ssyncset.done $0x0  }
0x5d: {  	s28 =	simm.s32 $0x6900;
	[sflag:s23] =	ssyncadd.s32 $0xFFFFFD80  }
0x5e: {  	[tilespmem:s28], [sflag:$0x1] =	stream.linear.gather [spmem:s15], $0x280, $0x38;
	[tilespmem:$0xC800] =	vst v63  }
0x5f: {  	_ =	swait.ge [sflag:s23], $0x280  }
0x60: {  	[sflag:s23] =	ssyncset.done $0x0  }
0x61: {  	s28 =	simm.s32 $0x6B80;
	[sflag:s23] =	ssyncadd.s32 $0xFFFFFD80  }
0x62: {  	[tilespmem:s28], [sflag:$0x1] =	stream.linear.gather [spmem:s16], $0x280, $0x38;
	[tilespmem:$0xC800] =	vst v63  }
0x63: {  	_ =	swait.ge [sflag:s23], $0x280  }
0x64: {  	[sflag:s23] =	ssyncset.done $0x0  }
0x65: {  	s28 =	simm.s32 $0x6E00;
	[sflag:s23] =	ssyncadd.s32 $0xFFFFFD80  }
0x66: {  	[tilespmem:s28], [sflag:$0x1] =	stream.linear.gather [spmem:s17], $0x280, $0x38;
	[tilespmem:$0xC800] =	vst v63  }
0x67: {  	_ =	swait.ge [sflag:s23], $0x280  }
0x68: {  	[sflag:s23] =	ssyncset.done $0x0  }
0x69: {  	[sflag:s23] =	ssyncadd.s32 $0xFFFFFD80  }
0x6a: {  	[tilespmem:s30], [sflag:$0x1] =	stream.linear.gather [spmem:s18], $0x280, $0x38;
	[tilespmem:$0xC800] =	vst v63  }
0x6b: {  	_ =	swait.ge [sflag:s23], $0x280  }
0x6c: {  	[sflag:s23] =	ssyncset.done $0x0  }
0x6d: {  	[sflag:s23] =	ssyncadd.s32 $0xFFFFFD80  }
0x6e: {  	[tilespmem:s31], [sflag:$0x1] =	stream.linear.gather [spmem:s19], $0x280, $0x38;
	[tilespmem:$0xC800] =	vst v63  }
0x6f: {  	_ =	swait.ge [sflag:s23], $0x280  }
0x70: {  	[sflag:s23] =	ssyncset.done $0x0  }
0x71: {  	[sflag:s23] =	ssyncadd.s32 $0xFFFFFD80  }
0x72: {  	[tilespmem:s0], [sflag:$0x1] =	stream.linear.gather [spmem:s20], $0x280, $0x38;
	[tilespmem:$0xC800] =	vst v63  }
0x73: {  	_ =	swait.ge [sflag:s23], $0x280  }
0x74: {  	[sflag:s23] =	ssyncset.done $0x0  }
0x75: {  	[sflag:s23] =	ssyncadd.s32 $0xFFFFFD80  }
0x76: {  	v3 =	vld [tilespmem:s26+$0xFFFFEC00]  }
0x77: {  	v4 =	vld [tilespmem:s26+$0xFFFFEE80];
	_ =	sdelay $0x1  }
0x78: {  	v5 =	vld [tilespmem:s26+$0xFFFFF100];
	_ =	sdelay $0x1  }
0x79: {  	v6 =	vld [tilespmem:s26+$0xFFFFF380]  }
0x7a: {  	v3 =	vadd.f32 v4, v3  }
0x7b: {  	v4 =	vld [tilespmem:s26+$0xFFFFF600]  }
0x7c: {  	v3 =	vadd.f32 v5, v3  }
0x7d: {  	v5 =	vld [tilespmem:s26+$0xFFFFF880]  }
0x7e: {  	v3 =	vadd.f32 v6, v3  }
0x7f: {  	v6 =	vld [tilespmem:s26+$0xFFFFFB00]  }
0x80: {  	v3 =	vadd.f32 v4, v3  }
0x81: {  	v4 =	vld [tilespmem:s26+$0xFFFFFD80]  }
0x82: {  	v3 =	vadd.f32 v5, v3  }
0x83: {  	v5 =	vld [tilespmem:s26+$0x0]  }
0x84: {  	v3 =	vadd.f32 v6, v3  }
0x85: {  	v6 =	vld [tilespmem:s26+$0x280]  }
0x86: {  	v3 =	vadd.f32 v4, v3  }
0x87: {  	v4 =	vld [tilespmem:s26+$0x500]  }
0x88: {  	v3 =	vadd.f32 v5, v3  }
0x89: {  	v5 =	vld [tilespmem:s26+$0x780]  }
0x8a: {  	v3 =	vadd.f32 v6, v3  }
0x8b: {  	v6 =	vld [tilespmem:s26+$0xA00]  }
0x8c: {  	v3 =	vadd.f32 v4, v3  }
0x8d: {  	v4 =	vld [tilespmem:s26+$0xC80]  }
0x8e: {  	v3 =	vadd.f32 v5, v3  }
0x8f: {  	v5 =	vld [tilespmem:s26+$0xF00]  }
0x90: {  	s28 =	simm.s32 $0x0;
	v3 =	vadd.f32 v6, v3  }
0x91: {  	v7 =	vmov s28;
	v6 =	vld [tilespmem:s26+$0x1180]  }
0x92: {  	v3 =	vadd.f32 v4, v3;
	v4 =	vshll.u32 v7, $0x4  }
0x93: {  	v4 =	vor.u32 v2, v4  }
0x94: {  	v3 =	vadd.f32 v5, v3;
	v5 =	vor.u32 $0x1, v4  }
0x95: {  	v7 =	vor.u32 $0x2, v4  }
0x96: {  	v3 =	vadd.f32 v6, v3;
	v6 =	vor.u32 $0x3, v4  }
0x97: {  	v8 =	vor.u32 $0x4, v4  }
0x98: {  	v9 =	vor.u32 $0x5, v4;
	[tilespmem:v4+s1+$0x0] =	vst.idx.msk $0xffff, v3  }
0x99: {  	[tilespmem:v5+s1+$0x0] =	vst.idx.msk $0xffff, v3;
	v5 =	vor.u32 $0x6, v4  }
0x9a: {  	[tilespmem:v7+s1+$0x0] =	vst.idx.msk $0xffff, v3;
	v7 =	vor.u32 $0x7, v4  }
0x9b: {  	[tilespmem:v6+s1+$0x0] =	vst.idx.msk $0xffff, v3;
	v6 =	vor.u32 $0x8, v4  }
0x9c: {  	v61 =	vor.u32 $0x9, v4;
	[tilespmem:v8+s1+$0x0] =	vst.idx.msk $0xffff, v3  }
0x9d: {  	v62 =	vor.u32 $0xA, v4;
	[tilespmem:v9+s1+$0x0] =	vst.idx.msk $0xffff, v3  }
0x9e: {  	[tilespmem:v5+s1+$0x0] =	vst.idx.msk $0xffff, v3;
	v5 =	vor.u32 $0xB, v4  }
0x9f: {  	[tilespmem:v7+s1+$0x0] =	vst.idx.msk $0xffff, v3;
	v7 =	vor.u32 $0xC, v4  }
0xa0: {  	[tilespmem:v6+s1+$0x0] =	vst.idx.msk $0xffff, v3;
	v6 =	vor.u32 $0xD, v4  }
0xa1: {  	v63 =	vor.u32 $0xE, v4;
	[tilespmem:v61+s1+$0x0] =	vst.idx.msk $0xffff, v3  }
0xa2: {  	[tilespmem:v62+s1+$0x0] =	vst.idx.msk $0xffff, v3  }
0xa3: {  	v4 =	vor.u32 $0xF, v4;
	[tilespmem:v5+s1+$0x0] =	vst.idx.msk $0xffff, v3  }
0xa4: {  	[tilespmem:v7+s1+$0x0] =	vst.idx.msk $0xffff, v3  }
0xa5: {  	[tilespmem:v6+s1+$0x0] =	vst.idx.msk $0xffff, v3  }
0xa6: {  	s28 =	simm.s32 $0x10;
	[tilespmem:v63+s1+$0x0] =	vst.idx.msk $0xffff, v3  }
.LBB2_6:
0xa7: {  	p0 =	sne.s32 s28, $0x270  }
0xa8: {  	[tilespmem:v4+s1+$0x0] =	vst.idx.msk $0xffff, v3;
	s26 =	sadd.s32 $0x10, s26;
	s29 =	smov.u32 s28;
	s28 =	sadd.s32 $0x10, s28  }
0xa9: {  	v3 =	vld [tilespmem:s26+$0xFFFFEC00]  }
0xaa: {  	v4 =	vld [tilespmem:s26+$0xFFFFEE80];
	_ =	sdelay $0x1  }
0xab: {  	v5 =	vld [tilespmem:s26+$0xFFFFF100];
	_ =	sdelay $0x1  }
0xac: {  	v6 =	vld [tilespmem:s26+$0xFFFFF380]  }
0xad: {  	v3 =	vadd.f32 v4, v3  }
0xae: {  	v4 =	vld [tilespmem:s26+$0xFFFFF600]  }
0xaf: {  	v3 =	vadd.f32 v5, v3  }
0xb0: {  	v5 =	vld [tilespmem:s26+$0xFFFFF880]  }
0xb1: {  	v3 =	vadd.f32 v6, v3  }
0xb2: {  	v6 =	vld [tilespmem:s26+$0xFFFFFB00]  }
0xb3: {  	v3 =	vadd.f32 v4, v3  }
0xb4: {  	v4 =	vld [tilespmem:s26+$0xFFFFFD80]  }
0xb5: {  	v3 =	vadd.f32 v5, v3  }
0xb6: {  	v5 =	vld [tilespmem:s26+$0x0]  }
0xb7: {  	v3 =	vadd.f32 v6, v3  }
0xb8: {  	v6 =	vld [tilespmem:s26+$0x280]  }
0xb9: {  	v3 =	vadd.f32 v4, v3  }
0xba: {  	v4 =	vld [tilespmem:s26+$0x500]  }
0xbb: {  	v3 =	vadd.f32 v5, v3  }
0xbc: {  	v5 =	vld [tilespmem:s26+$0x780]  }
0xbd: {  	v3 =	vadd.f32 v6, v3  }
0xbe: {  	v6 =	vld [tilespmem:s26+$0xA00]  }
0xbf: {  	v3 =	vadd.f32 v4, v3  }
0xc0: {  	v4 =	vld [tilespmem:s26+$0xC80]  }
0xc1: {  	v3 =	vadd.f32 v5, v3  }
0xc2: {  	v5 =	vld [tilespmem:s26+$0xF00]  }
0xc3: {  	v3 =	vadd.f32 v6, v3  }
0xc4: {  	v7 =	vmov s29;
	v6 =	vld [tilespmem:s26+$0x1180]  }
0xc5: {  	v3 =	vadd.f32 v4, v3;
	v4 =	vshll.u32 v7, $0x4  }
0xc6: {  	v4 =	vor.u32 v2, v4  }
0xc7: {  	v3 =	vadd.f32 v5, v3;
	v5 =	vor.u32 $0x1, v4  }
0xc8: {  	v7 =	vor.u32 $0x2, v4  }
0xc9: {  	v3 =	vadd.f32 v6, v3;
	v6 =	vor.u32 $0x3, v4  }
0xca: {  	v8 =	vor.u32 $0x4, v4  }
0xcb: {  	v9 =	vor.u32 $0x5, v4;
	[tilespmem:v4+s1+$0x0] =	vst.idx.msk $0xffff, v3  }
0xcc: {  	[tilespmem:v5+s1+$0x0] =	vst.idx.msk $0xffff, v3;
	v5 =	vor.u32 $0x6, v4  }
0xcd: {  	[tilespmem:v7+s1+$0x0] =	vst.idx.msk $0xffff, v3;
	v7 =	vor.u32 $0x7, v4  }
0xce: {  	[tilespmem:v6+s1+$0x0] =	vst.idx.msk $0xffff, v3;
	v6 =	vor.u32 $0x8, v4  }
0xcf: {  	[tilespmem:v8+s1+$0x0] =	vst.idx.msk $0xffff, v3;
	v8 =	vor.u32 $0x9, v4  }
0xd0: {  	[tilespmem:v9+s1+$0x0] =	vst.idx.msk $0xffff, v3;
	v9 =	vor.u32 $0xA, v4  }
0xd1: {  	[tilespmem:v5+s1+$0x0] =	vst.idx.msk $0xffff, v3;
	v5 =	vor.u32 $0xB, v4  }
0xd2: {  	[tilespmem:v7+s1+$0x0] =	vst.idx.msk $0xffff, v3;
	v7 =	vor.u32 $0xC, v4  }
0xd3: {  	[tilespmem:v6+s1+$0x0] =	vst.idx.msk $0xffff, v3;
	v6 =	vor.u32 $0xD, v4  }
0xd4: {  	[tilespmem:v8+s1+$0x0] =	vst.idx.msk $0xffff, v3;
	v8 =	vor.u32 $0xE, v4  }
.Ltmp2:
0xd5: {  	v4 =	vor.u32 $0xF, v4;
	[tilespmem:v9+s1+$0x0] =	vst.idx.msk $0xffff, v3;
	(pc) =	sbr.rel @p0 .LBB2_6-.Ltmp2, $4  }
0xd6: {  	[tilespmem:v5+s1+$0x0] =	vst.idx.msk $0xffff, v3  }
0xd7: {  	[tilespmem:v7+s1+$0x0] =	vst.idx.msk $0xffff, v3  }
0xd8: {  	[tilespmem:v6+s1+$0x0] =	vst.idx.msk $0xffff, v3  }
0xd9: {  	[tilespmem:v8+s1+$0x0] =	vst.idx.msk $0xffff, v3  }
0xda: {  	_ =	sdelay $0x1  }
0xdb: {  	s25 =	sadd.s32 $0x1, s25  }
0xdc: {  	p0 =	sne.s32 s25, s22  }
.Ltmp3:
0xdd: {  	[tilespmem:v4+s1+$0x0] =	vst.idx.msk $0xffff, v3;
	(pc) =	sbr.rel @p0 .LBB2_1-.Ltmp3, $4  }
0xde: {  	[hbm4b:s21+s2] =	stream.linear.scatter [tilespmem:s1], [sflag:$0x1], $0x2800, $0x38;
	[tilespmem:$0xC800] =	vst v63  }
0xdf: {  	_ =	swait.ge [sflag:s23], $0x2800  }
0xe0: {  	[sflag:s23] =	ssyncset.done $0x0  }
0xe1: {  	[sflag:s23] =	ssyncadd.s32 $0xFFFFD800  }
0xe2: {  	_ =	sfence.sel $0x180000  }
0xe3: {  	[bflag:$0x0] =	sbarrier.arrive $0xFFFF  }
0xe4: {  	_ =	strace $0x90000047  }
0xe5: {  	s0 =	stileid.u32;
	[bflag:$0x2] =	sbarrier.arrive $0xFFFF  }
0xe6: {  	p0 =	sne.s32 s0, $0x0;
	s0 =	rddreg [dreg:$0x2]  }
0xe7: {  	s0 =	sadd.s32 @!p0 $0x100000, s0  }
0xe8: {  	[sflag:s0] =	ssyncadd.tile.s32 @!p0 $0x1;
	_ =	shalt  }
.Lfunc_end2:
_tile_overlayer_lowered:
.L_overlay_start_2:
0xe9: {  	(tag) =	ssettag $0x2  }
0xea: {  	s0 =	rddreg [dreg:$0x0];
	s2 =	stileid.u32  }
0xeb: {  	s1 =	rddreg [dreg:$0x1];
	p0 =	sne.s32 s2, $0x0  }
0xec: {  	s3 =	rddreg [dreg:$0x2];
	[bflag:$0x3] =	sbarrier.arrive $0xFFFF;
	s2 =	simm.s32 @!p0 $0x1C01  }
0xed: {  	[timem:s3], [sflag:s2] =	dma.local @!p0 [hbm:s0], s1  }
0xee: {  	s0 =	simm.s32 @!p0 $0x1  }
0xef: {  	_ =	swait.ge @!p0 [sflag:s0], s1  }
0xf0: {  	s1 =	ssub.s32 @!p0 $0x0, s1;
	[sflag:s0] =	ssyncset.done @!p0 $0x0  }
0xf1: {  	[sflag:s0] =	ssyncadd.s32 @!p0 s1  }
0xf2: {  	[bflag:$0x3] =	sbarrier.arrive $0xFFFF  }
0xf3: {  	_ =	shalt  }

</sc_bundles>
